<compile_context>
chip_gen: v7x
topology: tpu7x:2x2x1
jax: 0.10.2.dev20260603
libtpu: 0.0.44.dev20260713+nightly
codegen_flags: <defaults>
</compile_context>

<pallas_src>
import functools

import jax
import jax.numpy as jnp
from jax import lax
from jax.experimental import pallas as pl
from jax.experimental.pallas import tpu as pltpu
from jax.experimental.pallas import tpu_sc as plsc

EPS = 1e-10
N = 10000
E = 320000
D = 128
H = 128

NC = 2
NS = 16
NW = NC * NS
EPW = E // NW
K = 80
CH = EPW // K
UNIT = 80
NU = N // UNIT
NUF = NU // NS
NUR = NU - NUF * NS
BLK = 1000
HIGH = lax.Precision.HIGHEST

@functools.cache
def _mesh():
    return plsc.VectorSubcoreMesh(core_axis_name="c", subcore_axis_name="s")


def _sc_degree(dst):

    @functools.partial(
        pl.kernel,
        out_type=jax.ShapeDtypeStruct((NC, N, D), jnp.float32),
        mesh=_mesh(),
        scratch_types=[
            pltpu.VMEM((K,), jnp.int32),
            pltpu.VMEM((K,), jnp.int32),
            pltpu.VMEM((K, D), jnp.float32),
            pltpu.VMEM((UNIT, D), jnp.float32),
            pltpu.VMEM_SHARED((N, D), jnp.float32),
            pltpu.SemaphoreType.DMA,
            pltpu.SemaphoreType.DMA,
        ],
    )
    def k(dst_hbm, out_hbm, idx0, idx1, ones_v, z_v, acc, sem0, sem1):
        c = lax.axis_index("c")
        s = lax.axis_index("s")
        wid = c * NS + s

        @pl.loop(0, K)
        def _(r):
            @pl.loop(0, D, step=16)
            def _(cc):
                ones_v[r, pl.ds(cc, 16)] = jnp.ones((16,), jnp.float32)

        @pl.loop(0, UNIT)
        def _(r):
            @pl.loop(0, D, step=16)
            def _(cc):
                z_v[r, pl.ds(cc, 16)] = jnp.zeros((16,), jnp.float32)

        @pl.loop(0, NUF)
        def _(j):
            pltpu.sync_copy(z_v, acc.at[pl.ds((s + j * NS) * UNIT, UNIT)])

        @pl.when(s < NUR)
        def _():
            pltpu.sync_copy(z_v, acc.at[pl.ds((NUF * NS + s) * UNIT, UNIT)])

        plsc.subcore_barrier()

        base = wid * EPW

        def fire(i, buf, sem):
            pltpu.async_copy(dst_hbm.at[pl.ds(base + i * K, K)], buf, sem)

        def drain(i, buf, sem):
            pltpu.make_async_copy(dst_hbm.at[pl.ds(base + i * K, K)], buf,
                                  sem).wait()

        fire(0, idx0, sem0)

        @pl.loop(0, (CH + 1) // 2)
        def _(p):
            i0 = 2 * p

            @pl.when(i0 + 1 < CH)
            def _():
                fire(i0 + 1, idx1, sem1)

            drain(i0, idx0, sem0)
            pltpu.sync_copy(ones_v, acc.at[idx0], add=True)

            @pl.when(i0 + 2 < CH)
            def _():
                fire(i0 + 2, idx0, sem0)

            @pl.when(i0 + 1 < CH)
            def _():
                drain(i0 + 1, idx1, sem1)
                pltpu.sync_copy(ones_v, acc.at[idx1], add=True)

        plsc.subcore_barrier()

        @pl.loop(0, NUF)
        def _(j):
            u = (s + j * NS) * UNIT
            pltpu.sync_copy(acc.at[pl.ds(u, UNIT)],
                            out_hbm.at[c, pl.ds(u, UNIT)])

        @pl.when(s < NUR)
        def _():
            u = (NUF * NS + s) * UNIT
            pltpu.sync_copy(acc.at[pl.ds(u, UNIT)],
                            out_hbm.at[c, pl.ds(u, UNIT)])

    return k(dst)


def _sc_segment_rows(hp, src, dst):

    @functools.partial(
        pl.kernel,
        out_type=jax.ShapeDtypeStruct((NC, N, D), jnp.float32),
        mesh=_mesh(),
        scratch_types=[
            pltpu.VMEM((K,), jnp.int32),
            pltpu.VMEM((K,), jnp.int32),
            pltpu.VMEM((K,), jnp.int32),
            pltpu.VMEM((K,), jnp.int32),
            pltpu.VMEM((K, D), jnp.float32),
            pltpu.VMEM((K, D), jnp.float32),
            pltpu.VMEM((UNIT, D), jnp.float32),
            pltpu.VMEM_SHARED((N, D), jnp.float32),
            pltpu.SemaphoreType.DMA,
            pltpu.SemaphoreType.DMA,
        ],
    )
    def k(hp_hbm, src_hbm, dst_hbm, out_hbm, src0, dst0, src1, dst1,
          rows0, rows1, z_v, acc, sem0, sem1):
        c = lax.axis_index("c")
        s = lax.axis_index("s")
        wid = c * NS + s

        @pl.loop(0, UNIT)
        def _(r):
            @pl.loop(0, D, step=16)
            def _(cc):
                z_v[r, pl.ds(cc, 16)] = jnp.zeros((16,), jnp.float32)

        @pl.loop(0, NUF)
        def _(j):
            pltpu.sync_copy(z_v, acc.at[pl.ds((s + j * NS) * UNIT, UNIT)])

        @pl.when(s < NUR)
        def _():
            pltpu.sync_copy(z_v, acc.at[pl.ds((NUF * NS + s) * UNIT, UNIT)])

        plsc.subcore_barrier()

        base = wid * EPW

        def fire(i, srcb, dstb, rowsb, sem):
            off = base + i * K
            pltpu.sync_copy(src_hbm.at[pl.ds(off, K)], srcb)
            pltpu.sync_copy(dst_hbm.at[pl.ds(off, K)], dstb)
            pltpu.async_copy(hp_hbm.at[srcb], rowsb, sem)

        def drain(srcb, rowsb, sem):
            pltpu.make_async_copy(hp_hbm.at[srcb], rowsb, sem).wait()

        fire(0, src0, dst0, rows0, sem0)

        @pl.loop(0, (CH + 1) // 2)
        def _(p):
            i0 = 2 * p

            @pl.when(i0 + 1 < CH)
            def _():
                fire(i0 + 1, src1, dst1, rows1, sem1)

            drain(src0, rows0, sem0)
            pltpu.sync_copy(rows0, acc.at[dst0], add=True)

            @pl.when(i0 + 2 < CH)
            def _():
                fire(i0 + 2, src0, dst0, rows0, sem0)

            @pl.when(i0 + 1 < CH)
            def _():
                drain(src1, rows1, sem1)
                pltpu.sync_copy(rows1, acc.at[dst1], add=True)

        plsc.subcore_barrier()

        @pl.loop(0, NUF)
        def _(j):
            u = (s + j * NS) * UNIT
            pltpu.sync_copy(acc.at[pl.ds(u, UNIT)],
                            out_hbm.at[c, pl.ds(u, UNIT)])

        @pl.when(s < NUR)
        def _():
            u = (NUF * NS + s) * UNIT
            pltpu.sync_copy(acc.at[pl.ds(u, UNIT)],
                            out_hbm.at[c, pl.ds(u, UNIT)])

    return k(hp, src, dst)


def _deg_dinv(c_ref):
    cnt = c_ref[0, :, 0:1] + c_ref[1, :, 0:1]
    deg = cnt + 1.0
    return deg, lax.rsqrt(deg)


def _ln(t, g, b):
    m = jnp.mean(t, -1, keepdims=True)
    v = jnp.mean((t - m) ** 2, -1, keepdims=True)
    return (t - m) * lax.rsqrt(v + 1e-5) * g + b


def _tc_pre(x, W0, L0, counts, bsum):

    def body(x_ref, w_ref, l_ref, c_ref, b_ref, hp_ref, pre_ref):
        deg, dinv = _deg_dinv(c_ref)
        xv = x_ref[...]
        h0 = jnp.dot(xv, w_ref[...],
                     preferred_element_type=jnp.float32)
        r0 = jnp.dot(xv, l_ref[...],
                     preferred_element_type=jnp.float32)
        hp_ref[...] = h0 * dinv
        pre_ref[...] = h0 / deg + r0 + b_ref[...]

    return pl.pallas_call(
        body,
        grid=(N // BLK,),
        in_specs=[
            pl.BlockSpec((BLK, D), lambda i: (i, 0)),
            pl.BlockSpec((D, H), lambda i: (0, 0)),
            pl.BlockSpec((D, H), lambda i: (0, 0)),
            pl.BlockSpec((NC, BLK, D), lambda i: (0, i, 0)),
            pl.BlockSpec((1, H), lambda i: (0, 0)),
        ],
        out_specs=[
            pl.BlockSpec((BLK, H), lambda i: (i, 0)),
            pl.BlockSpec((BLK, H), lambda i: (i, 0)),
        ],
        out_shape=[jax.ShapeDtypeStruct((N, H), jnp.float32)] * 2,
    )(x, W0, L0, counts, bsum)


def _tc_layer(agg, counts, pre0, g0, b0, W1, L1, bsum):

    def body(a_ref, c_ref, p_ref, g_ref, b_ref, w_ref, l_ref, bs_ref,
             hp_ref, pre_ref):
        deg, dinv = _deg_dinv(c_ref)
        t = (a_ref[0] + a_ref[1]) * dinv + p_ref[...]
        h = jnp.maximum(_ln(t, g_ref[...], b_ref[...]), 0.0)
        h1 = jnp.dot(h, w_ref[...],
                     preferred_element_type=jnp.float32)
        r1 = jnp.dot(h, l_ref[...],
                     preferred_element_type=jnp.float32)
        hp_ref[...] = h1 * dinv
        pre_ref[...] = h1 / deg + r1 + bs_ref[...]

    return pl.pallas_call(
        body,
        grid=(N // BLK,),
        in_specs=[
            pl.BlockSpec((NC, BLK, H), lambda i: (0, i, 0)),
            pl.BlockSpec((NC, BLK, D), lambda i: (0, i, 0)),
            pl.BlockSpec((BLK, H), lambda i: (i, 0)),
            pl.BlockSpec((1, H), lambda i: (0, 0)),
            pl.BlockSpec((1, H), lambda i: (0, 0)),
            pl.BlockSpec((H, H), lambda i: (0, 0)),
            pl.BlockSpec((H, H), lambda i: (0, 0)),
            pl.BlockSpec((1, H), lambda i: (0, 0)),
        ],
        out_specs=[pl.BlockSpec((BLK, H), lambda i: (i, 0))] * 2,
        out_shape=[jax.ShapeDtypeStruct((N, H), jnp.float32)] * 2,
    )(agg, counts, pre0, g0, b0, W1, L1, bsum)


def _tc_fourier(feat0, We0, Be0, Le0, feat1, We1, Be1, Le1):

    def body(f0, w0, b0, l0, f1, w1, b1, l1, z0_ref, z1_ref):
        def four(f, w, bb, lam, kcurv):
            fv = f[...]
            wv = w[...]
            fn = jnp.sum(fv * fv, -1, keepdims=True)
            diff = fv[:, None, :] - wv[None, :, :]
            div = jnp.sum(diff * diff, axis=-1)
            dist = jnp.log((1.0 + kcurv * fn) / (div + EPS) + EPS)
            return jnp.exp((H - 1) * dist / 2.0) * jnp.cos(lam[...] * dist + bb[...])

        z0_ref[...] = four(f0, w0, b0, l0, -1.0)
        z1_ref[...] = four(f1, w1, b1, l1, 1.0)

    return pl.pallas_call(
        body,
        out_shape=[jax.ShapeDtypeStruct((H, H), jnp.float32)] * 2,
    )(feat0, We0, Be0, Le0, feat1, We1, Be1, Le1)


def _tc_final(agg, counts, pre1, g1, b1, z0, z1, enc_W, enc_b, eg, eb):

    def body(a_ref, c_ref, p_ref, g_ref, b_ref, z0_ref, z1_ref, w_ref, e_ref,
             eg_ref, eb_ref, o_ref):
        _, dinv = _deg_dinv(c_ref)
        t = (a_ref[0] + a_ref[1]) * dinv + p_ref[...]
        h2 = jnp.maximum(_ln(t, g_ref[...], b_ref[...]), 0.0)
        e0 = jnp.dot(h2, z0_ref[...], preferred_element_type=jnp.float32)
        e1 = jnp.dot(h2, z1_ref[...], preferred_element_type=jnp.float32)
        wv = w_ref[...]
        o = (jnp.dot(e0, wv[0:H, :], preferred_element_type=jnp.float32)
             + jnp.dot(e1, wv[H:2 * H, :], preferred_element_type=jnp.float32)
             + jnp.dot(h2, wv[2 * H:3 * H, :],
                       preferred_element_type=jnp.float32)
             + e_ref[...])
        o_ref[...] = _ln(o, eg_ref[...], eb_ref[...])

    return pl.pallas_call(
        body,
        grid=(N // BLK,),
        in_specs=[
            pl.BlockSpec((NC, BLK, H), lambda i: (0, i, 0)),
            pl.BlockSpec((NC, BLK, D), lambda i: (0, i, 0)),
            pl.BlockSpec((BLK, H), lambda i: (i, 0)),
            pl.BlockSpec((1, H), lambda i: (0, 0)),
            pl.BlockSpec((1, H), lambda i: (0, 0)),
            pl.BlockSpec((H, H), lambda i: (0, 0)),
            pl.BlockSpec((H, H), lambda i: (0, 0)),
            pl.BlockSpec((3 * H, H), lambda i: (0, 0)),
            pl.BlockSpec((1, H), lambda i: (0, 0)),
            pl.BlockSpec((1, H), lambda i: (0, 0)),
            pl.BlockSpec((1, H), lambda i: (0, 0)),
        ],
        out_specs=pl.BlockSpec((BLK, H), lambda i: (i, 0)),
        out_shape=jax.ShapeDtypeStruct((N, H), jnp.float32),
    )(agg, counts, pre1, g1, b1, z0, z1, enc_W, enc_b, eg, eb)


def kernel(x, edge_index, conv0_W, conv0_b, conv1_W, conv1_b, lin0_W, lin0_b,
           lin1_W, lin1_b, ln0_g, ln0_b, ln1_g, ln1_b, feat0, feat1, We0, We1,
           Be0, Be1, Le0, Le1, enc_W, enc_b, encln_g, encln_b):
    src = edge_index[0]
    dst = edge_index[1]
    row = lambda v: v.reshape(1, H)

    counts = _sc_degree(dst)
    z0, z1 = _tc_fourier(feat0, We0, Be0, Le0, feat1, We1, Be1, Le1)

    hp0, pre0 = _tc_pre(x, conv0_W, lin0_W, counts, row(conv0_b + lin0_b))
    agg0 = _sc_segment_rows(hp0, src, dst)
    hp1, pre1 = _tc_layer(agg0, counts, pre0, row(ln0_g), row(ln0_b),
                          conv1_W, lin1_W, row(conv1_b + lin1_b))
    agg1 = _sc_segment_rows(hp1, src, dst)
    return _tc_final(agg1, counts, pre1, row(ln1_g), row(ln1_b), z0, z1,
                     enc_W, row(enc_b), row(encln_g), row(encln_b))

# --- scband reference (transcript-rebuilt; emitter-appended) ---
"""Pipeline reference for scband-mpnns-curv-24266565222960 (READ-ONLY COPY).

The authoritative reference and input builder live on the scoring server;
editing this copy changes nothing except your own understanding.
"""

import jax, jax.numpy as jnp
import numpy as np

EPS = 1e-10
N = 10000
E = 320000
D = 128
H = 128
KS = (-1.0, 1.0)


def _glorot(k, shape):
    lim = (6.0 / (shape[0] + shape[1])) ** 0.5
    return jax.random.uniform(k, shape, jnp.float32, -lim, lim)


def setup_inputs(seed: int = 0):
    key = jax.random.key(seed)
    ks = jax.random.split(key, 40)
    inp = {}
    inp['x'] = jax.random.normal(ks[0], (N, D), dtype=jnp.float32)
    inp['edge_index'] = jax.random.randint(ks[1], (2, E), 0, N, dtype=jnp.int32)
    # GCNConv weights (2 layers) + residual linears + layernorms
    inp['conv0_W'] = _glorot(ks[2], (D, H)); inp['conv0_b'] = jnp.zeros((H,), jnp.float32)
    inp['conv1_W'] = _glorot(ks[3], (H, H)); inp['conv1_b'] = jnp.zeros((H,), jnp.float32)
    inp['lin0_W'] = _glorot(ks[4], (D, H)); inp['lin0_b'] = jnp.zeros((H,), jnp.float32)
    inp['lin1_W'] = _glorot(ks[5], (H, H)); inp['lin1_b'] = jnp.zeros((H,), jnp.float32)
    inp['ln0_g'] = jnp.ones((H,), jnp.float32); inp['ln0_b'] = jnp.zeros((H,), jnp.float32)
    inp['ln1_g'] = jnp.ones((H,), jnp.float32); inp['ln1_b'] = jnp.zeros((H,), jnp.float32)
    # rm_encode manifold feature matrices (small, inside unit ball per init_weights)
    for i in range(2):
        u = jax.random.uniform(ks[6 + i], (H, H), jnp.float32, -0.01, 0.01)
        nrm = jnp.linalg.norm(u, axis=-1, keepdims=True) + EPS
        scale = 0.9 * jax.random.uniform(ks[8 + i], (), jnp.float32)
        inp['feat%d' % i] = u / nrm * scale
        pre = jax.random.normal(ks[10 + i], (H, H), dtype=jnp.float32)
        inp['We%d' % i] = pre / (jnp.linalg.norm(pre, axis=-1, keepdims=True) + EPS)
        inp['Be%d' % i] = 2.0 * jnp.pi * jax.random.uniform(ks[12 + i], (H, H), jnp.float32)
        inp['Le%d' % i] = jax.random.uniform(ks[14 + i], (H, H), jnp.float32)
    inp['enc_W'] = _glorot(ks[16], (3 * H, H)); inp['enc_b'] = jnp.zeros((H,), jnp.float32)
    inp['encln_g'] = jnp.ones((H,), jnp.float32); inp['encln_b'] = jnp.zeros((H,), jnp.float32)
    return inp


def _layer_norm(x, g, b):
    m = jnp.mean(x, -1, keepdims=True)
    v = jnp.var(x, -1, keepdims=True)
    return (x - m) / jnp.sqrt(v + 1e-5) * g + b


def _gcn_conv(x, W, b, src, dst):
    h = x @ W
    deg = jax.ops.segment_sum(jnp.ones(src.shape[0], x.dtype), dst, num_segments=N) + 1.0
    dinv = 1.0 / jnp.sqrt(deg)
    norm = dinv[src] * dinv[dst]
    agg = jax.ops.segment_sum(h[src] * norm[:, None], dst, num_segments=N)
    agg = agg + h / deg[:, None]  # self-loop term
    return agg + b


def _fourier(feat, w, bb, lam, k):
    div = jnp.sum((feat[:, None, :] - w[None, :, :]) ** 2, axis=-1)
    dist = jnp.log((1.0 + k * jnp.sum(feat * feat, -1, keepdims=True)) / (div + EPS) + EPS)
    n = feat.shape[-1]
    return jnp.exp((n - 1) * dist / 2.0) * jnp.cos(lam * dist + bb)


def reference(x, edge_index, conv0_W, conv0_b, conv1_W, conv1_b, lin0_W, lin0_b, lin1_W, lin1_b, ln0_g, ln0_b, ln1_g, ln1_b, feat0, feat1, We0, We1, Be0, Be1, Le0, Le1, enc_W, enc_b, encln_g, encln_b):
    src, dst = edge_index[0], edge_index[1]
    # layer 0: conv + residual linear, LN, relu (dropout p=0 in eval)
    h = _gcn_conv(x, conv0_W, conv0_b, src, dst) + x @ lin0_W + lin0_b
    h = jax.nn.relu(_layer_norm(h, ln0_g, ln0_b))
    # layer 1
    h2 = _gcn_conv(h, conv1_W, conv1_b, src, dst) + h @ lin1_W + lin1_b
    h2 = jax.nn.relu(_layer_norm(h2, ln1_g, ln1_b))
    # encode_node_curv via general_fourier_mapping (curvatures KS)
    z0 = _fourier(feat0, We0, Be0, Le0, KS[0])
    z1 = _fourier(feat1, We1, Be1, Le1, KS[1])
    emb = jnp.concatenate([h2 @ z0, h2 @ z1, h2], axis=-1)
    out = emb @ enc_W + enc_b
    out = _layer_norm(out, encln_g, encln_b)
    return out

if __name__ == "__main__":
    import jax
    _d = setup_inputs()
    print(jax.jit(kernel)(*tuple(_d.values())))

</pallas_src>

<mosaic_0001>
#map = affine_map<(d0, d1) -> (0)>
#map1 = affine_map<(d0, d1) -> (0, 0, 0)>
module attributes {stable_mosaic.version = 14 : i64} {
  func.func @k(%arg0: i32, %arg1: i32, %arg2: memref<320000xi32, #tpu.memory_space<hbm>>, %arg3: memref<2x10000x128xf32, #tpu.memory_space<hbm>>, %arg4: memref<80xi32, #tpu.memory_space<vmem>>, %arg5: memref<80xi32, #tpu.memory_space<vmem>>, %arg6: memref<80x128xf32, #tpu.memory_space<vmem>>, %arg7: memref<80x128xf32, #tpu.memory_space<vmem>>, %arg8: memref<10000x128xf32, #tpu.memory_space<vmem_shared>>, %arg9: memref<!tpu.dma_semaphore, #tpu.memory_space<semaphore_mem>>, %arg10: memref<!tpu.dma_semaphore, #tpu.memory_space<semaphore_mem>>) attributes {dimension_semantics = [#tpu.dimension_semantics<core_parallel>, #tpu.dimension_semantics<subcore_parallel>], iteration_bounds = array<i64: 2, 16>, scalar_prefetch = 0 : i64, scratch_operands = 7 : i64, tpu.core_type = #tpu.core_type<sc_vector_subcore>, window_params = [{transform_indices = #map}, {transform_indices = #map1}]} {
    %mul3A = arith.constant 16 : i32
    %mul3A_0 = arith.muli %arg0, %mul3A : i32
    %add3A = arith.addi %mul3A_0, %arg1 : i32
    %scan3A = arith.constant 0 : i32
    %scan3A_1 = arith.constant 80 : i32
    %scan3A_2 = arith.addi %scan3A, %scan3A_1 : i32
    %scan3A_3 = arith.constant 1 : i32
    scf.for %scan3A_38 = %scan3A to %scan3A_2 step %scan3A_3  : i32 {
      %mul3A_39 = arith.constant 1 : i32
      %mul3A_40 = arith.muli %scan3A_38, %mul3A_39 : i32
      %add3A_41 = arith.constant 0 : i32
      %add3A_42 = arith.addi %add3A_41, %mul3A_40 : i32
      %scan3A_43 = arith.constant 0 : i32
      %scan3A_44 = arith.constant 8 : i32
      %scan3A_45 = arith.addi %scan3A_43, %scan3A_44 : i32
      %scan3A_46 = arith.constant 1 : i32
      scf.for %scan3A_48 = %scan3A_43 to %scan3A_45 step %scan3A_46  : i32 {
        %mul3A_49 = arith.constant 16 : i32
        %mul3A_50 = arith.muli %scan3A_48, %mul3A_49 : i32
        %add3A_51 = arith.constant 0 : i32
        %add3A_52 = arith.addi %add3A_51, %mul3A_50 : i32
        %broadcast_in_dim3A = arith.constant 1.000000e+00 : f32
        %broadcast_in_dim3A_53 = vector.broadcast %broadcast_in_dim3A : f32 to vector<16xf32>
        %swap3A = arith.index_cast %add3A_42 : i32 to index
        %swap3A_54 = arith.index_cast %add3A_52 : i32 to index
        %swap3A_55 = tpu.vector_load %arg6[%swap3A, %swap3A_54] {strides = array<i32>} : memref<80x128xf32, #tpu.memory_space<vmem>>, vector<1x16xf32>,
        %swap3A_56 = vector.shape_cast %swap3A_55 : vector<1x16xf32> to vector<16xf32>
        %swap3A_57 = vector.shape_cast %broadcast_in_dim3A_53 : vector<16xf32> to vector<1x16xf32>
        tpu.vector_store %arg6[%swap3A, %swap3A_54], %swap3A_57 {strides = array<i32>} : memref<80x128xf32, #tpu.memory_space<vmem>>, vector<1x16xf32>,
      }
      %scan3A_47 = arith.constant 8 : i32
    }
    %scan3A_4 = arith.constant 80 : i32
    %scan3A_5 = arith.constant 0 : i32
    %scan3A_6 = arith.constant 80 : i32
    %scan3A_7 = arith.addi %scan3A_5, %scan3A_6 : i32
    %scan3A_8 = arith.constant 1 : i32
    scf.for %scan3A_38 = %scan3A_5 to %scan3A_7 step %scan3A_8  : i32 {
      %mul3A_39 = arith.constant 1 : i32
      %mul3A_40 = arith.muli %scan3A_38, %mul3A_39 : i32
      %add3A_41 = arith.constant 0 : i32
      %add3A_42 = arith.addi %add3A_41, %mul3A_40 : i32
      %scan3A_43 = arith.constant 0 : i32
      %scan3A_44 = arith.constant 8 : i32
      %scan3A_45 = arith.addi %scan3A_43, %scan3A_44 : i32
      %scan3A_46 = arith.constant 1 : i32
      scf.for %scan3A_48 = %scan3A_43 to %scan3A_45 step %scan3A_46  : i32 {
        %mul3A_49 = arith.constant 16 : i32
        %mul3A_50 = arith.muli %scan3A_48, %mul3A_49 : i32
        %add3A_51 = arith.constant 0 : i32
        %add3A_52 = arith.addi %add3A_51, %mul3A_50 : i32
        %broadcast_in_dim3A = arith.constant 0.000000e+00 : f32
        %broadcast_in_dim3A_53 = vector.broadcast %broadcast_in_dim3A : f32 to vector<16xf32>
        %swap3A = arith.index_cast %add3A_42 : i32 to index
        %swap3A_54 = arith.index_cast %add3A_52 : i32 to index
        %swap3A_55 = tpu.vector_load %arg7[%swap3A, %swap3A_54] {strides = array<i32>} : memref<80x128xf32, #tpu.memory_space<vmem>>, vector<1x16xf32>,
        %swap3A_56 = vector.shape_cast %swap3A_55 : vector<1x16xf32> to vector<16xf32>
        %swap3A_57 = vector.shape_cast %broadcast_in_dim3A_53 : vector<16xf32> to vector<1x16xf32>
        tpu.vector_store %arg7[%swap3A, %swap3A_54], %swap3A_57 {strides = array<i32>} : memref<80x128xf32, #tpu.memory_space<vmem>>, vector<1x16xf32>,
      }
      %scan3A_47 = arith.constant 8 : i32
    }
    %scan3A_9 = arith.constant 80 : i32
    %scan3A_10 = arith.constant 0 : i32
    %scan3A_11 = arith.constant 7 : i32
    %scan3A_12 = arith.addi %scan3A_10, %scan3A_11 : i32
    %scan3A_13 = arith.constant 1 : i32
    scf.for %scan3A_38 = %scan3A_10 to %scan3A_12 step %scan3A_13  : i32 {
      %mul3A_39 = arith.constant 1 : i32
      %mul3A_40 = arith.muli %scan3A_38, %mul3A_39 : i32
      %add3A_41 = arith.constant 0 : i32
      %add3A_42 = arith.addi %add3A_41, %mul3A_40 : i32
      %mul3A_43 = arith.constant 16 : i32
      %mul3A_44 = arith.muli %add3A_42, %mul3A_43 : i32
      %add3A_45 = arith.addi %arg1, %mul3A_44 : i32
      %mul3A_46 = arith.constant 80 : i32
      %mul3A_47 = arith.muli %add3A_45, %mul3A_46 : i32
      "tpu.region"() ({
        %run_scoped3A = tpu.sem_alloc : memref<!tpu.dma_semaphore, #tpu.memory_space<semaphore_mem>>
        %dma_start3A_48 = arith.constant 0 : i32
        %dma_start3A_49 = tpu.memref_slice %arg8[%mul3A_47, %dma_start3A_48] : memref<10000x128xf32, #tpu.memory_space<vmem_shared>> -> memref<80x128xf32, #tpu.memory_space<vmem_shared>>
        %dma_start3A_50 = arith.constant 0 : i32
        %dma_start3A_51 = tpu.memref_slice %arg8[%mul3A_47, %dma_start3A_50] : memref<10000x128xf32, #tpu.memory_space<vmem_shared>> -> memref<80x128xf32, #tpu.memory_space<vmem_shared>>
        tpu.enqueue_dma source(%arg7 : memref<80x128xf32, #tpu.memory_space<vmem>>) target(%dma_start3A_51 : memref<80x128xf32, #tpu.memory_space<vmem_shared>>) target_semaphore(%run_scoped3A : memref<!tpu.dma_semaphore, #tpu.memory_space<semaphore_mem>>)
        %dma_wait3A = arith.constant 0 : i32
        %dma_wait3A_52 = tpu.memref_slice %arg8[%mul3A_47, %dma_wait3A] : memref<10000x128xf32, #tpu.memory_space<vmem_shared>> -> memref<80x128xf32, #tpu.memory_space<vmem_shared>>
        %dma_wait3A_53 = arith.constant 0 : i32
        %dma_wait3A_54 = tpu.memref_slice %arg8[%mul3A_47, %dma_wait3A_53] : memref<10000x128xf32, #tpu.memory_space<vmem_shared>> -> memref<80x128xf32, #tpu.memory_space<vmem_shared>>
        tpu.wait_dma2 semaphore(%run_scoped3A : memref<!tpu.dma_semaphore, #tpu.memory_space<semaphore_mem>>) src(%arg7 : memref<80x128xf32, #tpu.memory_space<vmem>>) dst(%dma_wait3A_54 : memref<80x128xf32, #tpu.memory_space<vmem_shared>>)
        tpu.yield
      }) : () -> ()
    }
    %scan3A_14 = arith.constant 7 : i32
    %lt3A = arith.constant 13 : i32
    %lt3A_15 = arith.cmpi slt, %arg1, %lt3A : i32
    %convert_element_type3A = arith.extui %lt3A_15 : i1 to i32
    %cond3A = arith.constant 0 : i32
    %cond3A_16 = arith.cmpi ne, %convert_element_type3A, %cond3A : i32
    scf.if %cond3A_16 {
      %add3A_38 = arith.constant 112 : i32
      %add3A_39 = arith.addi %add3A_38, %arg1 : i32
      %mul3A_40 = arith.constant 80 : i32
      %mul3A_41 = arith.muli %add3A_39, %mul3A_40 : i32
      "tpu.region"() ({
        %run_scoped3A = tpu.sem_alloc : memref<!tpu.dma_semaphore, #tpu.memory_space<semaphore_mem>>
        %dma_start3A_42 = arith.constant 0 : i32
        %dma_start3A_43 = tpu.memref_slice %arg8[%mul3A_41, %dma_start3A_42] : memref<10000x128xf32, #tpu.memory_space<vmem_shared>> -> memref<80x128xf32, #tpu.memory_space<vmem_shared>>
        %dma_start3A_44 = arith.constant 0 : i32
        %dma_start3A_45 = tpu.memref_slice %arg8[%mul3A_41, %dma_start3A_44] : memref<10000x128xf32, #tpu.memory_space<vmem_shared>> -> memref<80x128xf32, #tpu.memory_space<vmem_shared>>
        tpu.enqueue_dma source(%arg7 : memref<80x128xf32, #tpu.memory_space<vmem>>) target(%dma_start3A_45 : memref<80x128xf32, #tpu.memory_space<vmem_shared>>) target_semaphore(%run_scoped3A : memref<!tpu.dma_semaphore, #tpu.memory_space<semaphore_mem>>)
        %dma_wait3A = arith.constant 0 : i32
        %dma_wait3A_46 = tpu.memref_slice %arg8[%mul3A_41, %dma_wait3A] : memref<10000x128xf32, #tpu.memory_space<vmem_shared>> -> memref<80x128xf32, #tpu.memory_space<vmem_shared>>
        %dma_wait3A_47 = arith.constant 0 : i32
        %dma_wait3A_48 = tpu.memref_slice %arg8[%mul3A_41, %dma_wait3A_47] : memref<10000x128xf32, #tpu.memory_space<vmem_shared>> -> memref<80x128xf32, #tpu.memory_space<vmem_shared>>
        tpu.wait_dma2 semaphore(%run_scoped3A : memref<!tpu.dma_semaphore, #tpu.memory_space<semaphore_mem>>) src(%arg7 : memref<80x128xf32, #tpu.memory_space<vmem>>) dst(%dma_wait3A_48 : memref<80x128xf32, #tpu.memory_space<vmem_shared>>)
        tpu.yield
      }) : () -> ()
    } else {
    }
    %barrier3A = arith.constant 0 : index
    tpu.barrier barrier_id(%barrier3A)
    %mul3A_17 = arith.constant 10000 : i32
    %mul3A_18 = arith.muli %add3A, %mul3A_17 : i32
    %add3A_19 = arith.constant 0 : i32
    %add3A_20 = arith.addi %mul3A_18, %add3A_19 : i32
    %dma_start3A = tpu.memref_slice %arg2[%add3A_20] : memref<320000xi32, #tpu.memory_space<hbm>> -> memref<80xi32, #tpu.memory_space<hbm>>
    %dma_start3A_21 = tpu.memref_slice %arg2[%add3A_20] : memref<320000xi32, #tpu.memory_space<hbm>> -> memref<80xi32, #tpu.memory_space<hbm>>
    tpu.enqueue_dma source(%dma_start3A_21 : memref<80xi32, #tpu.memory_space<hbm>>) target(%arg4 : memref<80xi32, #tpu.memory_space<vmem>>) target_semaphore(%arg9 : memref<!tpu.dma_semaphore, #tpu.memory_space<semaphore_mem>>)
    %scan3A_22 = arith.constant 0 : i32
    %scan3A_23 = arith.constant 63 : i32
    %scan3A_24 = arith.addi %scan3A_22, %scan3A_23 : i32
    %scan3A_25 = arith.constant 1 : i32
    scf.for %scan3A_38 = %scan3A_22 to %scan3A_24 step %scan3A_25  : i32 {
      %mul3A_39 = arith.constant 1 : i32
      %mul3A_40 = arith.muli %scan3A_38, %mul3A_39 : i32
      %add3A_41 = arith.constant 0 : i32
      %add3A_42 = arith.addi %add3A_41, %mul3A_40 : i32
      %mul3A_43 = arith.constant 2 : i32
      %mul3A_44 = arith.muli %mul3A_43, %add3A_42 : i32
      %add3A_45 = arith.constant 1 : i32
      %add3A_46 = arith.addi %mul3A_44, %add3A_45 : i32
      %lt3A_47 = arith.constant 125 : i32
      %lt3A_48 = arith.cmpi slt, %add3A_46, %lt3A_47 : i32
      %convert_element_type3A_49 = arith.extui %lt3A_48 : i1 to i32
      %cond3A_50 = arith.constant 0 : i32
      %cond3A_51 = arith.cmpi ne, %convert_element_type3A_49, %cond3A_50 : i32
      scf.if %cond3A_51 {
        %add3A_70 = arith.constant 1 : i32
        %add3A_71 = arith.addi %mul3A_44, %add3A_70 : i32
        %mul3A_72 = arith.constant 80 : i32
        %mul3A_73 = arith.muli %add3A_71, %mul3A_72 : i32
        %add3A_74 = arith.addi %mul3A_18, %mul3A_73 : i32
        %dma_start3A_75 = tpu.memref_slice %arg2[%add3A_74] : memref<320000xi32, #tpu.memory_space<hbm>> -> memref<80xi32, #tpu.memory_space<hbm>>
        %dma_start3A_76 = tpu.memref_slice %arg2[%add3A_74] : memref<320000xi32, #tpu.memory_space<hbm>> -> memref<80xi32, #tpu.memory_space<hbm>>
        tpu.enqueue_dma source(%dma_start3A_76 : memref<80xi32, #tpu.memory_space<hbm>>) target(%arg5 : memref<80xi32, #tpu.memory_space<vmem>>) target_semaphore(%arg10 : memref<!tpu.dma_semaphore, #tpu.memory_space<semaphore_mem>>)
      } else {
      }
      %mul3A_52 = arith.constant 80 : i32
      %mul3A_53 = arith.muli %mul3A_44, %mul3A_52 : i32
      %add3A_54 = arith.addi %mul3A_18, %mul3A_53 : i32
      %dma_wait3A = tpu.memref_slice %arg2[%add3A_54] : memref<320000xi32, #tpu.memory_space<hbm>> -> memref<80xi32, #tpu.memory_space<hbm>>
      %dma_wait3A_55 = tpu.memref_slice %arg2[%add3A_54] : memref<320000xi32, #tpu.memory_space<hbm>> -> memref<80xi32, #tpu.memory_space<hbm>>
      tpu.wait_dma2 semaphore(%arg9 : memref<!tpu.dma_semaphore, #tpu.memory_space<semaphore_mem>>) src(%dma_wait3A_55 : memref<80xi32, #tpu.memory_space<hbm>>) dst(%arg4 : memref<80xi32, #tpu.memory_space<vmem>>)
      "tpu.region"() ({
        %run_scoped3A = tpu.sem_alloc : memref<!tpu.dma_semaphore, #tpu.memory_space<semaphore_mem>>
        %dma_start3A_70 = arith.constant 0 : i32
        %dma_start3A_71 = arith.constant 0 : i32
        %dma_start3A_72 = tpu.memref_slice %arg8[%dma_start3A_70, %dma_start3A_71] : memref<10000x128xf32, #tpu.memory_space<vmem_shared>> -> memref<10000x128xf32, #tpu.memory_space<vmem_shared>>
        tpu.enqueue_indirect_dma source(%arg6 : memref<80x128xf32, #tpu.memory_space<vmem>>) target(%dma_start3A_72 : memref<10000x128xf32, #tpu.memory_space<vmem_shared>>) offsets(%arg4 : memref<80xi32, #tpu.memory_space<vmem>>) semaphore(%run_scoped3A : memref<!tpu.dma_semaphore, #tpu.memory_space<semaphore_mem>>) {add = true}
        %dma_wait3A_73 = arith.constant 0 : i32
        %dma_wait3A_74 = arith.constant 0 : i32
        %dma_wait3A_75 = tpu.memref_slice %arg8[%dma_wait3A_73, %dma_wait3A_74] : memref<10000x128xf32, #tpu.memory_space<vmem_shared>> -> memref<10000x128xf32, #tpu.memory_space<vmem_shared>>
        tpu.wait_indirect_dma semaphore(%run_scoped3A : memref<!tpu.dma_semaphore, #tpu.memory_space<semaphore_mem>>) src(%arg6 : memref<80x128xf32, #tpu.memory_space<vmem>>) dst(%dma_wait3A_75 : memref<10000x128xf32, #tpu.memory_space<vmem_shared>>)
        tpu.yield
      }) : () -> ()
      %add3A_56 = arith.constant 2 : i32
      %add3A_57 = arith.addi %mul3A_44, %add3A_56 : i32
      %lt3A_58 = arith.constant 125 : i32
      %lt3A_59 = arith.cmpi slt, %add3A_57, %lt3A_58 : i32
      %convert_element_type3A_60 = arith.extui %lt3A_59 : i1 to i32
      %cond3A_61 = arith.constant 0 : i32
      %cond3A_62 = arith.cmpi ne, %convert_element_type3A_60, %cond3A_61 : i32
      scf.if %cond3A_62 {
        %add3A_70 = arith.constant 2 : i32
        %add3A_71 = arith.addi %mul3A_44, %add3A_70 : i32
        %mul3A_72 = arith.constant 80 : i32
        %mul3A_73 = arith.muli %add3A_71, %mul3A_72 : i32
        %add3A_74 = arith.addi %mul3A_18, %mul3A_73 : i32
        %dma_start3A_75 = tpu.memref_slice %arg2[%add3A_74] : memref<320000xi32, #tpu.memory_space<hbm>> -> memref<80xi32, #tpu.memory_space<hbm>>
        %dma_start3A_76 = tpu.memref_slice %arg2[%add3A_74] : memref<320000xi32, #tpu.memory_space<hbm>> -> memref<80xi32, #tpu.memory_space<hbm>>
        tpu.enqueue_dma source(%dma_start3A_76 : memref<80xi32, #tpu.memory_space<hbm>>) target(%arg4 : memref<80xi32, #tpu.memory_space<vmem>>) target_semaphore(%arg9 : memref<!tpu.dma_semaphore, #tpu.memory_space<semaphore_mem>>)
      } else {
      }
      %add3A_63 = arith.constant 1 : i32
      %add3A_64 = arith.addi %mul3A_44, %add3A_63 : i32
      %lt3A_65 = arith.constant 125 : i32
      %lt3A_66 = arith.cmpi slt, %add3A_64, %lt3A_65 : i32
      %convert_element_type3A_67 = arith.extui %lt3A_66 : i1 to i32
      %cond3A_68 = arith.constant 0 : i32
      %cond3A_69 = arith.cmpi ne, %convert_element_type3A_67, %cond3A_68 : i32
      scf.if %cond3A_69 {
        %add3A_70 = arith.constant 1 : i32
        %add3A_71 = arith.addi %mul3A_44, %add3A_70 : i32
        %mul3A_72 = arith.constant 80 : i32
        %mul3A_73 = arith.muli %add3A_71, %mul3A_72 : i32
        %add3A_74 = arith.addi %mul3A_18, %mul3A_73 : i32
        %dma_wait3A_75 = tpu.memref_slice %arg2[%add3A_74] : memref<320000xi32, #tpu.memory_space<hbm>> -> memref<80xi32, #tpu.memory_space<hbm>>
        %dma_wait3A_76 = tpu.memref_slice %arg2[%add3A_74] : memref<320000xi32, #tpu.memory_space<hbm>> -> memref<80xi32, #tpu.memory_space<hbm>>
        tpu.wait_dma2 semaphore(%arg10 : memref<!tpu.dma_semaphore, #tpu.memory_space<semaphore_mem>>) src(%dma_wait3A_76 : memref<80xi32, #tpu.memory_space<hbm>>) dst(%arg5 : memref<80xi32, #tpu.memory_space<vmem>>)
        "tpu.region"() ({
          %run_scoped3A = tpu.sem_alloc : memref<!tpu.dma_semaphore, #tpu.memory_space<semaphore_mem>>
          %dma_start3A_77 = arith.constant 0 : i32
          %dma_start3A_78 = arith.constant 0 : i32
          %dma_start3A_79 = tpu.memref_slice %arg8[%dma_start3A_77, %dma_start3A_78] : memref<10000x128xf32, #tpu.memory_space<vmem_shared>> -> memref<10000x128xf32, #tpu.memory_space<vmem_shared>>
          tpu.enqueue_indirect_dma source(%arg6 : memref<80x128xf32, #tpu.memory_space<vmem>>) target(%dma_start3A_79 : memref<10000x128xf32, #tpu.memory_space<vmem_shared>>) offsets(%arg5 : memref<80xi32, #tpu.memory_space<vmem>>) semaphore(%run_scoped3A : memref<!tpu.dma_semaphore, #tpu.memory_space<semaphore_mem>>) {add = true}
          %dma_wait3A_80 = arith.constant 0 : i32
          %dma_wait3A_81 = arith.constant 0 : i32
          %dma_wait3A_82 = tpu.memref_slice %arg8[%dma_wait3A_80, %dma_wait3A_81] : memref<10000x128xf32, #tpu.memory_space<vmem_shared>> -> memref<10000x128xf32, #tpu.memory_space<vmem_shared>>
          tpu.wait_indirect_dma semaphore(%run_scoped3A : memref<!tpu.dma_semaphore, #tpu.memory_space<semaphore_mem>>) src(%arg6 : memref<80x128xf32, #tpu.memory_space<vmem>>) dst(%dma_wait3A_82 : memref<10000x128xf32, #tpu.memory_space<vmem_shared>>)
          tpu.yield
        }) : () -> ()
      } else {
      }
    }
    %scan3A_26 = arith.constant 63 : i32
    %barrier3A_27 = arith.constant 0 : index
    tpu.barrier barrier_id(%barrier3A_27)
    %scan3A_28 = arith.constant 0 : i32
    %scan3A_29 = arith.constant 7 : i32
    %scan3A_30 = arith.addi %scan3A_28, %scan3A_29 : i32
    %scan3A_31 = arith.constant 1 : i32
    scf.for %scan3A_38 = %scan3A_28 to %scan3A_30 step %scan3A_31  : i32 {
      %mul3A_39 = arith.constant 1 : i32
      %mul3A_40 = arith.muli %scan3A_38, %mul3A_39 : i32
      %add3A_41 = arith.constant 0 : i32
      %add3A_42 = arith.addi %add3A_41, %mul3A_40 : i32
      %mul3A_43 = arith.constant 16 : i32
      %mul3A_44 = arith.muli %add3A_42, %mul3A_43 : i32
      %add3A_45 = arith.addi %arg1, %mul3A_44 : i32
      %mul3A_46 = arith.constant 80 : i32
      %mul3A_47 = arith.muli %add3A_45, %mul3A_46 : i32
      "tpu.region"() ({
        %run_scoped3A = tpu.sem_alloc : memref<!tpu.dma_semaphore, #tpu.memory_space<semaphore_mem>>
        %dma_start3A_48 = arith.constant 0 : i32
        %dma_start3A_49 = tpu.memref_slice %arg3[%arg0, %mul3A_47, %dma_start3A_48] : memref<2x10000x128xf32, #tpu.memory_space<hbm>> -> memref<1x80x128xf32, #tpu.memory_space<hbm>>
        %dma_start3A_50 = tpu.memref_squeeze %dma_start3A_49 : memref<1x80x128xf32, #tpu.memory_space<hbm>> -> memref<80x128xf32, #tpu.memory_space<hbm>>
        %dma_start3A_51 = arith.constant 0 : i32
        %dma_start3A_52 = tpu.memref_slice %arg8[%mul3A_47, %dma_start3A_51] : memref<10000x128xf32, #tpu.memory_space<vmem_shared>> -> memref<80x128xf32, #tpu.memory_space<vmem_shared>>
        tpu.enqueue_dma source(%dma_start3A_52 : memref<80x128xf32, #tpu.memory_space<vmem_shared>>) target(%dma_start3A_50 : memref<80x128xf32, #tpu.memory_space<hbm>>) target_semaphore(%run_scoped3A : memref<!tpu.dma_semaphore, #tpu.memory_space<semaphore_mem>>)
        %dma_wait3A = arith.constant 0 : i32
        %dma_wait3A_53 = tpu.memref_slice %arg3[%arg0, %mul3A_47, %dma_wait3A] : memref<2x10000x128xf32, #tpu.memory_space<hbm>> -> memref<1x80x128xf32, #tpu.memory_space<hbm>>
        %dma_wait3A_54 = tpu.memref_squeeze %dma_wait3A_53 : memref<1x80x128xf32, #tpu.memory_space<hbm>> -> memref<80x128xf32, #tpu.memory_space<hbm>>
        %dma_wait3A_55 = arith.constant 0 : i32
        %dma_wait3A_56 = tpu.memref_slice %arg8[%mul3A_47, %dma_wait3A_55] : memref<10000x128xf32, #tpu.memory_space<vmem_shared>> -> memref<80x128xf32, #tpu.memory_space<vmem_shared>>
        tpu.wait_dma2 semaphore(%run_scoped3A : memref<!tpu.dma_semaphore, #tpu.memory_space<semaphore_mem>>) src(%dma_wait3A_56 : memref<80x128xf32, #tpu.memory_space<vmem_shared>>) dst(%dma_wait3A_54 : memref<80x128xf32, #tpu.memory_space<hbm>>)
        tpu.yield
      }) : () -> ()
    }
    %scan3A_32 = arith.constant 7 : i32
    %lt3A_33 = arith.constant 13 : i32
    %lt3A_34 = arith.cmpi slt, %arg1, %lt3A_33 : i32
    %convert_element_type3A_35 = arith.extui %lt3A_34 : i1 to i32
    %cond3A_36 = arith.constant 0 : i32
    %cond3A_37 = arith.cmpi ne, %convert_element_type3A_35, %cond3A_36 : i32
    scf.if %cond3A_37 {
      %add3A_38 = arith.constant 112 : i32
      %add3A_39 = arith.addi %add3A_38, %arg1 : i32
      %mul3A_40 = arith.constant 80 : i32
      %mul3A_41 = arith.muli %add3A_39, %mul3A_40 : i32
      "tpu.region"() ({
        %run_scoped3A = tpu.sem_alloc : memref<!tpu.dma_semaphore, #tpu.memory_space<semaphore_mem>>
        %dma_start3A_42 = arith.constant 0 : i32
        %dma_start3A_43 = tpu.memref_slice %arg3[%arg0, %mul3A_41, %dma_start3A_42] : memref<2x10000x128xf32, #tpu.memory_space<hbm>> -> memref<1x80x128xf32, #tpu.memory_space<hbm>>
        %dma_start3A_44 = tpu.memref_squeeze %dma_start3A_43 : memref<1x80x128xf32, #tpu.memory_space<hbm>> -> memref<80x128xf32, #tpu.memory_space<hbm>>
        %dma_start3A_45 = arith.constant 0 : i32
        %dma_start3A_46 = tpu.memref_slice %arg8[%mul3A_41, %dma_start3A_45] : memref<10000x128xf32, #tpu.memory_space<vmem_shared>> -> memref<80x128xf32, #tpu.memory_space<vmem_shared>>
        tpu.enqueue_dma source(%dma_start3A_46 : memref<80x128xf32, #tpu.memory_space<vmem_shared>>) target(%dma_start3A_44 : memref<80x128xf32, #tpu.memory_space<hbm>>) target_semaphore(%run_scoped3A : memref<!tpu.dma_semaphore, #tpu.memory_space<semaphore_mem>>)
        %dma_wait3A = arith.constant 0 : i32
        %dma_wait3A_47 = tpu.memref_slice %arg3[%arg0, %mul3A_41, %dma_wait3A] : memref<2x10000x128xf32, #tpu.memory_space<hbm>> -> memref<1x80x128xf32, #tpu.memory_space<hbm>>
        %dma_wait3A_48 = tpu.memref_squeeze %dma_wait3A_47 : memref<1x80x128xf32, #tpu.memory_space<hbm>> -> memref<80x128xf32, #tpu.memory_space<hbm>>
        %dma_wait3A_49 = arith.constant 0 : i32
        %dma_wait3A_50 = tpu.memref_slice %arg8[%mul3A_41, %dma_wait3A_49] : memref<10000x128xf32, #tpu.memory_space<vmem_shared>> -> memref<80x128xf32, #tpu.memory_space<vmem_shared>>
        tpu.wait_dma2 semaphore(%run_scoped3A : memref<!tpu.dma_semaphore, #tpu.memory_space<semaphore_mem>>) src(%dma_wait3A_50 : memref<80x128xf32, #tpu.memory_space<vmem_shared>>) dst(%dma_wait3A_48 : memref<80x128xf32, #tpu.memory_space<hbm>>)
        tpu.yield
      }) : () -> ()
    } else {
    }
    return
  }
}

#map = affine_map<(d0, d1) -> (0, 0)>
#map1 = affine_map<(d0, d1) -> (0)>
#map2 = affine_map<(d0, d1) -> (0, 0, 0)>
module attributes {stable_mosaic.version = 14 : i64} {
  func.func @k(%arg0: i32, %arg1: i32, %arg2: memref<10000x128xf32, #tpu.memory_space<hbm>>, %arg3: memref<320000xi32, #tpu.memory_space<hbm>>, %arg4: memref<320000xi32, #tpu.memory_space<hbm>>, %arg5: memref<2x10000x128xf32, #tpu.memory_space<hbm>>, %arg6: memref<80xi32, #tpu.memory_space<vmem>>, %arg7: memref<80xi32, #tpu.memory_space<vmem>>, %arg8: memref<80xi32, #tpu.memory_space<vmem>>, %arg9: memref<80xi32, #tpu.memory_space<vmem>>, %arg10: memref<80x128xf32, #tpu.memory_space<vmem>>, %arg11: memref<80x128xf32, #tpu.memory_space<vmem>>, %arg12: memref<80x128xf32, #tpu.memory_space<vmem>>, %arg13: memref<10000x128xf32, #tpu.memory_space<vmem_shared>>, %arg14: memref<!tpu.dma_semaphore, #tpu.memory_space<semaphore_mem>>, %arg15: memref<!tpu.dma_semaphore, #tpu.memory_space<semaphore_mem>>) attributes {dimension_semantics = [#tpu.dimension_semantics<core_parallel>, #tpu.dimension_semantics<subcore_parallel>], iteration_bounds = array<i64: 2, 16>, scalar_prefetch = 0 : i64, scratch_operands = 10 : i64, tpu.core_type = #tpu.core_type<sc_vector_subcore>, window_params = [{transform_indices = #map}, {transform_indices = #map1}, {transform_indices = #map1}, {transform_indices = #map2}]} {
    %mul3A = arith.constant 16 : i32
    %mul3A_0 = arith.muli %arg0, %mul3A : i32
    %add3A = arith.addi %mul3A_0, %arg1 : i32
    %scan3A = arith.constant 0 : i32
    %scan3A_1 = arith.constant 80 : i32
    %scan3A_2 = arith.addi %scan3A, %scan3A_1 : i32
    %scan3A_3 = arith.constant 1 : i32
    scf.for %scan3A_34 = %scan3A to %scan3A_2 step %scan3A_3  : i32 {
      %mul3A_35 = arith.constant 1 : i32
      %mul3A_36 = arith.muli %scan3A_34, %mul3A_35 : i32
      %add3A_37 = arith.constant 0 : i32
      %add3A_38 = arith.addi %add3A_37, %mul3A_36 : i32
      %scan3A_39 = arith.constant 0 : i32
      %scan3A_40 = arith.constant 8 : i32
      %scan3A_41 = arith.addi %scan3A_39, %scan3A_40 : i32
      %scan3A_42 = arith.constant 1 : i32
      scf.for %scan3A_44 = %scan3A_39 to %scan3A_41 step %scan3A_42  : i32 {
        %mul3A_45 = arith.constant 16 : i32
        %mul3A_46 = arith.muli %scan3A_44, %mul3A_45 : i32
        %add3A_47 = arith.constant 0 : i32
        %add3A_48 = arith.addi %add3A_47, %mul3A_46 : i32
        %broadcast_in_dim3A = arith.constant 0.000000e+00 : f32
        %broadcast_in_dim3A_49 = vector.broadcast %broadcast_in_dim3A : f32 to vector<16xf32>
        %swap3A = arith.index_cast %add3A_38 : i32 to index
        %swap3A_50 = arith.index_cast %add3A_48 : i32 to index
        %swap3A_51 = tpu.vector_load %arg12[%swap3A, %swap3A_50] {strides = array<i32>} : memref<80x128xf32, #tpu.memory_space<vmem>>, vector<1x16xf32>,
        %swap3A_52 = vector.shape_cast %swap3A_51 : vector<1x16xf32> to vector<16xf32>
        %swap3A_53 = vector.shape_cast %broadcast_in_dim3A_49 : vector<16xf32> to vector<1x16xf32>
        tpu.vector_store %arg12[%swap3A, %swap3A_50], %swap3A_53 {strides = array<i32>} : memref<80x128xf32, #tpu.memory_space<vmem>>, vector<1x16xf32>,
      }
      %scan3A_43 = arith.constant 8 : i32
    }
    %scan3A_4 = arith.constant 80 : i32
    %scan3A_5 = arith.constant 0 : i32
    %scan3A_6 = arith.constant 7 : i32
    %scan3A_7 = arith.addi %scan3A_5, %scan3A_6 : i32
    %scan3A_8 = arith.constant 1 : i32
    scf.for %scan3A_34 = %scan3A_5 to %scan3A_7 step %scan3A_8  : i32 {
      %mul3A_35 = arith.constant 1 : i32
      %mul3A_36 = arith.muli %scan3A_34, %mul3A_35 : i32
      %add3A_37 = arith.constant 0 : i32
      %add3A_38 = arith.addi %add3A_37, %mul3A_36 : i32
      %mul3A_39 = arith.constant 16 : i32
      %mul3A_40 = arith.muli %add3A_38, %mul3A_39 : i32
      %add3A_41 = arith.addi %arg1, %mul3A_40 : i32
      %mul3A_42 = arith.constant 80 : i32
      %mul3A_43 = arith.muli %add3A_41, %mul3A_42 : i32
      "tpu.region"() ({
        %run_scoped3A = tpu.sem_alloc : memref<!tpu.dma_semaphore, #tpu.memory_space<semaphore_mem>>
        %dma_start3A_44 = arith.constant 0 : i32
        %dma_start3A_45 = tpu.memref_slice %arg13[%mul3A_43, %dma_start3A_44] : memref<10000x128xf32, #tpu.memory_space<vmem_shared>> -> memref<80x128xf32, #tpu.memory_space<vmem_shared>>
        %dma_start3A_46 = arith.constant 0 : i32
        %dma_start3A_47 = tpu.memref_slice %arg13[%mul3A_43, %dma_start3A_46] : memref<10000x128xf32, #tpu.memory_space<vmem_shared>> -> memref<80x128xf32, #tpu.memory_space<vmem_shared>>
        tpu.enqueue_dma source(%arg12 : memref<80x128xf32, #tpu.memory_space<vmem>>) target(%dma_start3A_47 : memref<80x128xf32, #tpu.memory_space<vmem_shared>>) target_semaphore(%run_scoped3A : memref<!tpu.dma_semaphore, #tpu.memory_space<semaphore_mem>>)
        %dma_wait3A = arith.constant 0 : i32
        %dma_wait3A_48 = tpu.memref_slice %arg13[%mul3A_43, %dma_wait3A] : memref<10000x128xf32, #tpu.memory_space<vmem_shared>> -> memref<80x128xf32, #tpu.memory_space<vmem_shared>>
        %dma_wait3A_49 = arith.constant 0 : i32
        %dma_wait3A_50 = tpu.memref_slice %arg13[%mul3A_43, %dma_wait3A_49] : memref<10000x128xf32, #tpu.memory_space<vmem_shared>> -> memref<80x128xf32, #tpu.memory_space<vmem_shared>>
        tpu.wait_dma2 semaphore(%run_scoped3A : memref<!tpu.dma_semaphore, #tpu.memory_space<semaphore_mem>>) src(%arg12 : memref<80x128xf32, #tpu.memory_space<vmem>>) dst(%dma_wait3A_50 : memref<80x128xf32, #tpu.memory_space<vmem_shared>>)
        tpu.yield
      }) : () -> ()
    }
    %scan3A_9 = arith.constant 7 : i32
    %lt3A = arith.constant 13 : i32
    %lt3A_10 = arith.cmpi slt, %arg1, %lt3A : i32
    %convert_element_type3A = arith.extui %lt3A_10 : i1 to i32
    %cond3A = arith.constant 0 : i32
    %cond3A_11 = arith.cmpi ne, %convert_element_type3A, %cond3A : i32
    scf.if %cond3A_11 {
      %add3A_34 = arith.constant 112 : i32
      %add3A_35 = arith.addi %add3A_34, %arg1 : i32
      %mul3A_36 = arith.constant 80 : i32
      %mul3A_37 = arith.muli %add3A_35, %mul3A_36 : i32
      "tpu.region"() ({
        %run_scoped3A = tpu.sem_alloc : memref<!tpu.dma_semaphore, #tpu.memory_space<semaphore_mem>>
        %dma_start3A_38 = arith.constant 0 : i32
        %dma_start3A_39 = tpu.memref_slice %arg13[%mul3A_37, %dma_start3A_38] : memref<10000x128xf32, #tpu.memory_space<vmem_shared>> -> memref<80x128xf32, #tpu.memory_space<vmem_shared>>
        %dma_start3A_40 = arith.constant 0 : i32
        %dma_start3A_41 = tpu.memref_slice %arg13[%mul3A_37, %dma_start3A_40] : memref<10000x128xf32, #tpu.memory_space<vmem_shared>> -> memref<80x128xf32, #tpu.memory_space<vmem_shared>>
        tpu.enqueue_dma source(%arg12 : memref<80x128xf32, #tpu.memory_space<vmem>>) target(%dma_start3A_41 : memref<80x128xf32, #tpu.memory_space<vmem_shared>>) target_semaphore(%run_scoped3A : memref<!tpu.dma_semaphore, #tpu.memory_space<semaphore_mem>>)
        %dma_wait3A = arith.constant 0 : i32
        %dma_wait3A_42 = tpu.memref_slice %arg13[%mul3A_37, %dma_wait3A] : memref<10000x128xf32, #tpu.memory_space<vmem_shared>> -> memref<80x128xf32, #tpu.memory_space<vmem_shared>>
        %dma_wait3A_43 = arith.constant 0 : i32
        %dma_wait3A_44 = tpu.memref_slice %arg13[%mul3A_37, %dma_wait3A_43] : memref<10000x128xf32, #tpu.memory_space<vmem_shared>> -> memref<80x128xf32, #tpu.memory_space<vmem_shared>>
        tpu.wait_dma2 semaphore(%run_scoped3A : memref<!tpu.dma_semaphore, #tpu.memory_space<semaphore_mem>>) src(%arg12 : memref<80x128xf32, #tpu.memory_space<vmem>>) dst(%dma_wait3A_44 : memref<80x128xf32, #tpu.memory_space<vmem_shared>>)
        tpu.yield
      }) : () -> ()
    } else {
    }
    %barrier3A = arith.constant 0 : index
    tpu.barrier barrier_id(%barrier3A)
    %mul3A_12 = arith.constant 10000 : i32
    %mul3A_13 = arith.muli %add3A, %mul3A_12 : i32
    %add3A_14 = arith.constant 0 : i32
    %add3A_15 = arith.addi %mul3A_13, %add3A_14 : i32
    "tpu.region"() ({
      %run_scoped3A = tpu.sem_alloc : memref<!tpu.dma_semaphore, #tpu.memory_space<semaphore_mem>>
      %dma_start3A_34 = tpu.memref_slice %arg3[%add3A_15] : memref<320000xi32, #tpu.memory_space<hbm>> -> memref<80xi32, #tpu.memory_space<hbm>>
      %dma_start3A_35 = tpu.memref_slice %arg3[%add3A_15] : memref<320000xi32, #tpu.memory_space<hbm>> -> memref<80xi32, #tpu.memory_space<hbm>>
      tpu.enqueue_dma source(%dma_start3A_35 : memref<80xi32, #tpu.memory_space<hbm>>) target(%arg6 : memref<80xi32, #tpu.memory_space<vmem>>) target_semaphore(%run_scoped3A : memref<!tpu.dma_semaphore, #tpu.memory_space<semaphore_mem>>)
      %dma_wait3A = tpu.memref_slice %arg3[%add3A_15] : memref<320000xi32, #tpu.memory_space<hbm>> -> memref<80xi32, #tpu.memory_space<hbm>>
      %dma_wait3A_36 = tpu.memref_slice %arg3[%add3A_15] : memref<320000xi32, #tpu.memory_space<hbm>> -> memref<80xi32, #tpu.memory_space<hbm>>
      tpu.wait_dma2 semaphore(%run_scoped3A : memref<!tpu.dma_semaphore, #tpu.memory_space<semaphore_mem>>) src(%dma_wait3A_36 : memref<80xi32, #tpu.memory_space<hbm>>) dst(%arg6 : memref<80xi32, #tpu.memory_space<vmem>>)
      tpu.yield
    }) : () -> ()
    "tpu.region"() ({
      %run_scoped3A = tpu.sem_alloc : memref<!tpu.dma_semaphore, #tpu.memory_space<semaphore_mem>>
      %dma_start3A_34 = tpu.memref_slice %arg4[%add3A_15] : memref<320000xi32, #tpu.memory_space<hbm>> -> memref<80xi32, #tpu.memory_space<hbm>>
      %dma_start3A_35 = tpu.memref_slice %arg4[%add3A_15] : memref<320000xi32, #tpu.memory_space<hbm>> -> memref<80xi32, #tpu.memory_space<hbm>>
      tpu.enqueue_dma source(%dma_start3A_35 : memref<80xi32, #tpu.memory_space<hbm>>) target(%arg7 : memref<80xi32, #tpu.memory_space<vmem>>) target_semaphore(%run_scoped3A : memref<!tpu.dma_semaphore, #tpu.memory_space<semaphore_mem>>)
      %dma_wait3A = tpu.memref_slice %arg4[%add3A_15] : memref<320000xi32, #tpu.memory_space<hbm>> -> memref<80xi32, #tpu.memory_space<hbm>>
      %dma_wait3A_36 = tpu.memref_slice %arg4[%add3A_15] : memref<320000xi32, #tpu.memory_space<hbm>> -> memref<80xi32, #tpu.memory_space<hbm>>
      tpu.wait_dma2 semaphore(%run_scoped3A : memref<!tpu.dma_semaphore, #tpu.memory_space<semaphore_mem>>) src(%dma_wait3A_36 : memref<80xi32, #tpu.memory_space<hbm>>) dst(%arg7 : memref<80xi32, #tpu.memory_space<vmem>>)
      tpu.yield
    }) : () -> ()
    %dma_start3A = arith.constant 0 : i32
    %dma_start3A_16 = arith.constant 0 : i32
    %dma_start3A_17 = tpu.memref_slice %arg2[%dma_start3A, %dma_start3A_16] : memref<10000x128xf32, #tpu.memory_space<hbm>> -> memref<10000x128xf32, #tpu.memory_space<hbm>>
    tpu.enqueue_indirect_dma source(%dma_start3A_17 : memref<10000x128xf32, #tpu.memory_space<hbm>>) target(%arg10 : memref<80x128xf32, #tpu.memory_space<vmem>>) offsets(%arg6 : memref<80xi32, #tpu.memory_space<vmem>>) semaphore(%arg14 : memref<!tpu.dma_semaphore, #tpu.memory_space<semaphore_mem>>)
    %scan3A_18 = arith.constant 0 : i32
    %scan3A_19 = arith.constant 63 : i32
    %scan3A_20 = arith.addi %scan3A_18, %scan3A_19 : i32
    %scan3A_21 = arith.constant 1 : i32
    scf.for %scan3A_34 = %scan3A_18 to %scan3A_20 step %scan3A_21  : i32 {
      %mul3A_35 = arith.constant 1 : i32
      %mul3A_36 = arith.muli %scan3A_34, %mul3A_35 : i32
      %add3A_37 = arith.constant 0 : i32
      %add3A_38 = arith.addi %add3A_37, %mul3A_36 : i32
      %mul3A_39 = arith.constant 2 : i32
      %mul3A_40 = arith.muli %mul3A_39, %add3A_38 : i32
      %add3A_41 = arith.constant 1 : i32
      %add3A_42 = arith.addi %mul3A_40, %add3A_41 : i32
      %lt3A_43 = arith.constant 125 : i32
      %lt3A_44 = arith.cmpi slt, %add3A_42, %lt3A_43 : i32
      %convert_element_type3A_45 = arith.extui %lt3A_44 : i1 to i32
      %cond3A_46 = arith.constant 0 : i32
      %cond3A_47 = arith.cmpi ne, %convert_element_type3A_45, %cond3A_46 : i32
      scf.if %cond3A_47 {
        %add3A_64 = arith.constant 1 : i32
        %add3A_65 = arith.addi %mul3A_40, %add3A_64 : i32
        %mul3A_66 = arith.constant 80 : i32
        %mul3A_67 = arith.muli %add3A_65, %mul3A_66 : i32
        %add3A_68 = arith.addi %mul3A_13, %mul3A_67 : i32
        "tpu.region"() ({
          %run_scoped3A = tpu.sem_alloc : memref<!tpu.dma_semaphore, #tpu.memory_space<semaphore_mem>>
          %dma_start3A_72 = tpu.memref_slice %arg3[%add3A_68] : memref<320000xi32, #tpu.memory_space<hbm>> -> memref<80xi32, #tpu.memory_space<hbm>>
          %dma_start3A_73 = tpu.memref_slice %arg3[%add3A_68] : memref<320000xi32, #tpu.memory_space<hbm>> -> memref<80xi32, #tpu.memory_space<hbm>>
          tpu.enqueue_dma source(%dma_start3A_73 : memref<80xi32, #tpu.memory_space<hbm>>) target(%arg8 : memref<80xi32, #tpu.memory_space<vmem>>) target_semaphore(%run_scoped3A : memref<!tpu.dma_semaphore, #tpu.memory_space<semaphore_mem>>)
          %dma_wait3A_74 = tpu.memref_slice %arg3[%add3A_68] : memref<320000xi32, #tpu.memory_space<hbm>> -> memref<80xi32, #tpu.memory_space<hbm>>
          %dma_wait3A_75 = tpu.memref_slice %arg3[%add3A_68] : memref<320000xi32, #tpu.memory_space<hbm>> -> memref<80xi32, #tpu.memory_space<hbm>>
          tpu.wait_dma2 semaphore(%run_scoped3A : memref<!tpu.dma_semaphore, #tpu.memory_space<semaphore_mem>>) src(%dma_wait3A_75 : memref<80xi32, #tpu.memory_space<hbm>>) dst(%arg8 : memref<80xi32, #tpu.memory_space<vmem>>)
          tpu.yield
        }) : () -> ()
        "tpu.region"() ({
          %run_scoped3A = tpu.sem_alloc : memref<!tpu.dma_semaphore, #tpu.memory_space<semaphore_mem>>
          %dma_start3A_72 = tpu.memref_slice %arg4[%add3A_68] : memref<320000xi32, #tpu.memory_space<hbm>> -> memref<80xi32, #tpu.memory_space<hbm>>
          %dma_start3A_73 = tpu.memref_slice %arg4[%add3A_68] : memref<320000xi32, #tpu.memory_space<hbm>> -> memref<80xi32, #tpu.memory_space<hbm>>
          tpu.enqueue_dma source(%dma_start3A_73 : memref<80xi32, #tpu.memory_space<hbm>>) target(%arg9 : memref<80xi32, #tpu.memory_space<vmem>>) target_semaphore(%run_scoped3A : memref<!tpu.dma_semaphore, #tpu.memory_space<semaphore_mem>>)
          %dma_wait3A_74 = tpu.memref_slice %arg4[%add3A_68] : memref<320000xi32, #tpu.memory_space<hbm>> -> memref<80xi32, #tpu.memory_space<hbm>>
          %dma_wait3A_75 = tpu.memref_slice %arg4[%add3A_68] : memref<320000xi32, #tpu.memory_space<hbm>> -> memref<80xi32, #tpu.memory_space<hbm>>
          tpu.wait_dma2 semaphore(%run_scoped3A : memref<!tpu.dma_semaphore, #tpu.memory_space<semaphore_mem>>) src(%dma_wait3A_75 : memref<80xi32, #tpu.memory_space<hbm>>) dst(%arg9 : memref<80xi32, #tpu.memory_space<vmem>>)
          tpu.yield
        }) : () -> ()
        %dma_start3A_69 = arith.constant 0 : i32
        %dma_start3A_70 = arith.constant 0 : i32
        %dma_start3A_71 = tpu.memref_slice %arg2[%dma_start3A_69, %dma_start3A_70] : memref<10000x128xf32, #tpu.memory_space<hbm>> -> memref<10000x128xf32, #tpu.memory_space<hbm>>
        tpu.enqueue_indirect_dma source(%dma_start3A_71 : memref<10000x128xf32, #tpu.memory_space<hbm>>) target(%arg11 : memref<80x128xf32, #tpu.memory_space<vmem>>) offsets(%arg8 : memref<80xi32, #tpu.memory_space<vmem>>) semaphore(%arg15 : memref<!tpu.dma_semaphore, #tpu.memory_space<semaphore_mem>>)
      } else {
      }
      %dma_wait3A = arith.constant 0 : i32
      %dma_wait3A_48 = arith.constant 0 : i32
      %dma_wait3A_49 = tpu.memref_slice %arg2[%dma_wait3A, %dma_wait3A_48] : memref<10000x128xf32, #tpu.memory_space<hbm>> -> memref<10000x128xf32, #tpu.memory_space<hbm>>
      tpu.wait_indirect_dma semaphore(%arg14 : memref<!tpu.dma_semaphore, #tpu.memory_space<semaphore_mem>>) src(%dma_wait3A_49 : memref<10000x128xf32, #tpu.memory_space<hbm>>) dst(%arg10 : memref<80x128xf32, #tpu.memory_space<vmem>>)
      "tpu.region"() ({
        %run_scoped3A = tpu.sem_alloc : memref<!tpu.dma_semaphore, #tpu.memory_space<semaphore_mem>>
        %dma_start3A_64 = arith.constant 0 : i32
        %dma_start3A_65 = arith.constant 0 : i32
        %dma_start3A_66 = tpu.memref_slice %arg13[%dma_start3A_64, %dma_start3A_65] : memref<10000x128xf32, #tpu.memory_space<vmem_shared>> -> memref<10000x128xf32, #tpu.memory_space<vmem_shared>>
        tpu.enqueue_indirect_dma source(%arg10 : memref<80x128xf32, #tpu.memory_space<vmem>>) target(%dma_start3A_66 : memref<10000x128xf32, #tpu.memory_space<vmem_shared>>) offsets(%arg7 : memref<80xi32, #tpu.memory_space<vmem>>) semaphore(%run_scoped3A : memref<!tpu.dma_semaphore, #tpu.memory_space<semaphore_mem>>) {add = true}
        %dma_wait3A_67 = arith.constant 0 : i32
        %dma_wait3A_68 = arith.constant 0 : i32
        %dma_wait3A_69 = tpu.memref_slice %arg13[%dma_wait3A_67, %dma_wait3A_68] : memref<10000x128xf32, #tpu.memory_space<vmem_shared>> -> memref<10000x128xf32, #tpu.memory_space<vmem_shared>>
        tpu.wait_indirect_dma semaphore(%run_scoped3A : memref<!tpu.dma_semaphore, #tpu.memory_space<semaphore_mem>>) src(%arg10 : memref<80x128xf32, #tpu.memory_space<vmem>>) dst(%dma_wait3A_69 : memref<10000x128xf32, #tpu.memory_space<vmem_shared>>)
        tpu.yield
      }) : () -> ()
      %add3A_50 = arith.constant 2 : i32
      %add3A_51 = arith.addi %mul3A_40, %add3A_50 : i32
      %lt3A_52 = arith.constant 125 : i32
      %lt3A_53 = arith.cmpi slt, %add3A_51, %lt3A_52 : i32
      %convert_element_type3A_54 = arith.extui %lt3A_53 : i1 to i32
      %cond3A_55 = arith.constant 0 : i32
      %cond3A_56 = arith.cmpi ne, %convert_element_type3A_54, %cond3A_55 : i32
      scf.if %cond3A_56 {
        %add3A_64 = arith.constant 2 : i32
        %add3A_65 = arith.addi %mul3A_40, %add3A_64 : i32
        %mul3A_66 = arith.constant 80 : i32
        %mul3A_67 = arith.muli %add3A_65, %mul3A_66 : i32
        %add3A_68 = arith.addi %mul3A_13, %mul3A_67 : i32
        "tpu.region"() ({
          %run_scoped3A = tpu.sem_alloc : memref<!tpu.dma_semaphore, #tpu.memory_space<semaphore_mem>>
          %dma_start3A_72 = tpu.memref_slice %arg3[%add3A_68] : memref<320000xi32, #tpu.memory_space<hbm>> -> memref<80xi32, #tpu.memory_space<hbm>>
          %dma_start3A_73 = tpu.memref_slice %arg3[%add3A_68] : memref<320000xi32, #tpu.memory_space<hbm>> -> memref<80xi32, #tpu.memory_space<hbm>>
          tpu.enqueue_dma source(%dma_start3A_73 : memref<80xi32, #tpu.memory_space<hbm>>) target(%arg6 : memref<80xi32, #tpu.memory_space<vmem>>) target_semaphore(%run_scoped3A : memref<!tpu.dma_semaphore, #tpu.memory_space<semaphore_mem>>)
          %dma_wait3A_74 = tpu.memref_slice %arg3[%add3A_68] : memref<320000xi32, #tpu.memory_space<hbm>> -> memref<80xi32, #tpu.memory_space<hbm>>
          %dma_wait3A_75 = tpu.memref_slice %arg3[%add3A_68] : memref<320000xi32, #tpu.memory_space<hbm>> -> memref<80xi32, #tpu.memory_space<hbm>>
          tpu.wait_dma2 semaphore(%run_scoped3A : memref<!tpu.dma_semaphore, #tpu.memory_space<semaphore_mem>>) src(%dma_wait3A_75 : memref<80xi32, #tpu.memory_space<hbm>>) dst(%arg6 : memref<80xi32, #tpu.memory_space<vmem>>)
          tpu.yield
        }) : () -> ()
        "tpu.region"() ({
          %run_scoped3A = tpu.sem_alloc : memref<!tpu.dma_semaphore, #tpu.memory_space<semaphore_mem>>
          %dma_start3A_72 = tpu.memref_slice %arg4[%add3A_68] : memref<320000xi32, #tpu.memory_space<hbm>> -> memref<80xi32, #tpu.memory_space<hbm>>
          %dma_start3A_73 = tpu.memref_slice %arg4[%add3A_68] : memref<320000xi32, #tpu.memory_space<hbm>> -> memref<80xi32, #tpu.memory_space<hbm>>
          tpu.enqueue_dma source(%dma_start3A_73 : memref<80xi32, #tpu.memory_space<hbm>>) target(%arg7 : memref<80xi32, #tpu.memory_space<vmem>>) target_semaphore(%run_scoped3A : memref<!tpu.dma_semaphore, #tpu.memory_space<semaphore_mem>>)
          %dma_wait3A_74 = tpu.memref_slice %arg4[%add3A_68] : memref<320000xi32, #tpu.memory_space<hbm>> -> memref<80xi32, #tpu.memory_space<hbm>>
          %dma_wait3A_75 = tpu.memref_slice %arg4[%add3A_68] : memref<320000xi32, #tpu.memory_space<hbm>> -> memref<80xi32, #tpu.memory_space<hbm>>
          tpu.wait_dma2 semaphore(%run_scoped3A : memref<!tpu.dma_semaphore, #tpu.memory_space<semaphore_mem>>) src(%dma_wait3A_75 : memref<80xi32, #tpu.memory_space<hbm>>) dst(%arg7 : memref<80xi32, #tpu.memory_space<vmem>>)
          tpu.yield
        }) : () -> ()
        %dma_start3A_69 = arith.constant 0 : i32
        %dma_start3A_70 = arith.constant 0 : i32
        %dma_start3A_71 = tpu.memref_slice %arg2[%dma_start3A_69, %dma_start3A_70] : memref<10000x128xf32, #tpu.memory_space<hbm>> -> memref<10000x128xf32, #tpu.memory_space<hbm>>
        tpu.enqueue_indirect_dma source(%dma_start3A_71 : memref<10000x128xf32, #tpu.memory_space<hbm>>) target(%arg10 : memref<80x128xf32, #tpu.memory_space<vmem>>) offsets(%arg6 : memref<80xi32, #tpu.memory_space<vmem>>) semaphore(%arg14 : memref<!tpu.dma_semaphore, #tpu.memory_space<semaphore_mem>>)
      } else {
      }
      %add3A_57 = arith.constant 1 : i32
      %add3A_58 = arith.addi %mul3A_40, %add3A_57 : i32
      %lt3A_59 = arith.constant 125 : i32
      %lt3A_60 = arith.cmpi slt, %add3A_58, %lt3A_59 : i32
      %convert_element_type3A_61 = arith.extui %lt3A_60 : i1 to i32
      %cond3A_62 = arith.constant 0 : i32
      %cond3A_63 = arith.cmpi ne, %convert_element_type3A_61, %cond3A_62 : i32
      scf.if %cond3A_63 {
        %dma_wait3A_64 = arith.constant 0 : i32
        %dma_wait3A_65 = arith.constant 0 : i32
        %dma_wait3A_66 = tpu.memref_slice %arg2[%dma_wait3A_64, %dma_wait3A_65] : memref<10000x128xf32, #tpu.memory_space<hbm>> -> memref<10000x128xf32, #tpu.memory_space<hbm>>
        tpu.wait_indirect_dma semaphore(%arg15 : memref<!tpu.dma_semaphore, #tpu.memory_space<semaphore_mem>>) src(%dma_wait3A_66 : memref<10000x128xf32, #tpu.memory_space<hbm>>) dst(%arg11 : memref<80x128xf32, #tpu.memory_space<vmem>>)
        "tpu.region"() ({
          %run_scoped3A = tpu.sem_alloc : memref<!tpu.dma_semaphore, #tpu.memory_space<semaphore_mem>>
          %dma_start3A_67 = arith.constant 0 : i32
          %dma_start3A_68 = arith.constant 0 : i32
          %dma_start3A_69 = tpu.memref_slice %arg13[%dma_start3A_67, %dma_start3A_68] : memref<10000x128xf32, #tpu.memory_space<vmem_shared>> -> memref<10000x128xf32, #tpu.memory_space<vmem_shared>>
          tpu.enqueue_indirect_dma source(%arg11 : memref<80x128xf32, #tpu.memory_space<vmem>>) target(%dma_start3A_69 : memref<10000x128xf32, #tpu.memory_space<vmem_shared>>) offsets(%arg9 : memref<80xi32, #tpu.memory_space<vmem>>) semaphore(%run_scoped3A : memref<!tpu.dma_semaphore, #tpu.memory_space<semaphore_mem>>) {add = true}
          %dma_wait3A_70 = arith.constant 0 : i32
          %dma_wait3A_71 = arith.constant 0 : i32
          %dma_wait3A_72 = tpu.memref_slice %arg13[%dma_wait3A_70, %dma_wait3A_71] : memref<10000x128xf32, #tpu.memory_space<vmem_shared>> -> memref<10000x128xf32, #tpu.memory_space<vmem_shared>>
          tpu.wait_indirect_dma semaphore(%run_scoped3A : memref<!tpu.dma_semaphore, #tpu.memory_space<semaphore_mem>>) src(%arg11 : memref<80x128xf32, #tpu.memory_space<vmem>>) dst(%dma_wait3A_72 : memref<10000x128xf32, #tpu.memory_space<vmem_shared>>)
          tpu.yield
        }) : () -> ()
      } else {
      }
    }
    %scan3A_22 = arith.constant 63 : i32
    %barrier3A_23 = arith.constant 0 : index
    tpu.barrier barrier_id(%barrier3A_23)
    %scan3A_24 = arith.constant 0 : i32
    %scan3A_25 = arith.constant 7 : i32
    %scan3A_26 = arith.addi %scan3A_24, %scan3A_25 : i32
    %scan3A_27 = arith.constant 1 : i32
    scf.for %scan3A_34 = %scan3A_24 to %scan3A_26 step %scan3A_27  : i32 {
      %mul3A_35 = arith.constant 1 : i32
      %mul3A_36 = arith.muli %scan3A_34, %mul3A_35 : i32
      %add3A_37 = arith.constant 0 : i32
      %add3A_38 = arith.addi %add3A_37, %mul3A_36 : i32
      %mul3A_39 = arith.constant 16 : i32
      %mul3A_40 = arith.muli %add3A_38, %mul3A_39 : i32
      %add3A_41 = arith.addi %arg1, %mul3A_40 : i32
      %mul3A_42 = arith.constant 80 : i32
      %mul3A_43 = arith.muli %add3A_41, %mul3A_42 : i32
      "tpu.region"() ({
        %run_scoped3A = tpu.sem_alloc : memref<!tpu.dma_semaphore, #tpu.memory_space<semaphore_mem>>
        %dma_start3A_44 = arith.constant 0 : i32
        %dma_start3A_45 = tpu.memref_slice %arg5[%arg0, %mul3A_43, %dma_start3A_44] : memref<2x10000x128xf32, #tpu.memory_space<hbm>> -> memref<1x80x128xf32, #tpu.memory_space<hbm>>
        %dma_start3A_46 = tpu.memref_squeeze %dma_start3A_45 : memref<1x80x128xf32, #tpu.memory_space<hbm>> -> memref<80x128xf32, #tpu.memory_space<hbm>>
        %dma_start3A_47 = arith.constant 0 : i32
        %dma_start3A_48 = tpu.memref_slice %arg13[%mul3A_43, %dma_start3A_47] : memref<10000x128xf32, #tpu.memory_space<vmem_shared>> -> memref<80x128xf32, #tpu.memory_space<vmem_shared>>
        tpu.enqueue_dma source(%dma_start3A_48 : memref<80x128xf32, #tpu.memory_space<vmem_shared>>) target(%dma_start3A_46 : memref<80x128xf32, #tpu.memory_space<hbm>>) target_semaphore(%run_scoped3A : memref<!tpu.dma_semaphore, #tpu.memory_space<semaphore_mem>>)
        %dma_wait3A = arith.constant 0 : i32
        %dma_wait3A_49 = tpu.memref_slice %arg5[%arg0, %mul3A_43, %dma_wait3A] : memref<2x10000x128xf32, #tpu.memory_space<hbm>> -> memref<1x80x128xf32, #tpu.memory_space<hbm>>
        %dma_wait3A_50 = tpu.memref_squeeze %dma_wait3A_49 : memref<1x80x128xf32, #tpu.memory_space<hbm>> -> memref<80x128xf32, #tpu.memory_space<hbm>>
        %dma_wait3A_51 = arith.constant 0 : i32
        %dma_wait3A_52 = tpu.memref_slice %arg13[%mul3A_43, %dma_wait3A_51] : memref<10000x128xf32, #tpu.memory_space<vmem_shared>> -> memref<80x128xf32, #tpu.memory_space<vmem_shared>>
        tpu.wait_dma2 semaphore(%run_scoped3A : memref<!tpu.dma_semaphore, #tpu.memory_space<semaphore_mem>>) src(%dma_wait3A_52 : memref<80x128xf32, #tpu.memory_space<vmem_shared>>) dst(%dma_wait3A_50 : memref<80x128xf32, #tpu.memory_space<hbm>>)
        tpu.yield
      }) : () -> ()
    }
    %scan3A_28 = arith.constant 7 : i32
    %lt3A_29 = arith.constant 13 : i32
    %lt3A_30 = arith.cmpi slt, %arg1, %lt3A_29 : i32
    %convert_element_type3A_31 = arith.extui %lt3A_30 : i1 to i32
    %cond3A_32 = arith.constant 0 : i32
    %cond3A_33 = arith.cmpi ne, %convert_element_type3A_31, %cond3A_32 : i32
    scf.if %cond3A_33 {
      %add3A_34 = arith.constant 112 : i32
      %add3A_35 = arith.addi %add3A_34, %arg1 : i32
      %mul3A_36 = arith.constant 80 : i32
      %mul3A_37 = arith.muli %add3A_35, %mul3A_36 : i32
      "tpu.region"() ({
        %run_scoped3A = tpu.sem_alloc : memref<!tpu.dma_semaphore, #tpu.memory_space<semaphore_mem>>
        %dma_start3A_38 = arith.constant 0 : i32
        %dma_start3A_39 = tpu.memref_slice %arg5[%arg0, %mul3A_37, %dma_start3A_38] : memref<2x10000x128xf32, #tpu.memory_space<hbm>> -> memref<1x80x128xf32, #tpu.memory_space<hbm>>
        %dma_start3A_40 = tpu.memref_squeeze %dma_start3A_39 : memref<1x80x128xf32, #tpu.memory_space<hbm>> -> memref<80x128xf32, #tpu.memory_space<hbm>>
        %dma_start3A_41 = arith.constant 0 : i32
        %dma_start3A_42 = tpu.memref_slice %arg13[%mul3A_37, %dma_start3A_41] : memref<10000x128xf32, #tpu.memory_space<vmem_shared>> -> memref<80x128xf32, #tpu.memory_space<vmem_shared>>
        tpu.enqueue_dma source(%dma_start3A_42 : memref<80x128xf32, #tpu.memory_space<vmem_shared>>) target(%dma_start3A_40 : memref<80x128xf32, #tpu.memory_space<hbm>>) target_semaphore(%run_scoped3A : memref<!tpu.dma_semaphore, #tpu.memory_space<semaphore_mem>>)
        %dma_wait3A = arith.constant 0 : i32
        %dma_wait3A_43 = tpu.memref_slice %arg5[%arg0, %mul3A_37, %dma_wait3A] : memref<2x10000x128xf32, #tpu.memory_space<hbm>> -> memref<1x80x128xf32, #tpu.memory_space<hbm>>
        %dma_wait3A_44 = tpu.memref_squeeze %dma_wait3A_43 : memref<1x80x128xf32, #tpu.memory_space<hbm>> -> memref<80x128xf32, #tpu.memory_space<hbm>>
        %dma_wait3A_45 = arith.constant 0 : i32
        %dma_wait3A_46 = tpu.memref_slice %arg13[%mul3A_37, %dma_wait3A_45] : memref<10000x128xf32, #tpu.memory_space<vmem_shared>> -> memref<80x128xf32, #tpu.memory_space<vmem_shared>>
        tpu.wait_dma2 semaphore(%run_scoped3A : memref<!tpu.dma_semaphore, #tpu.memory_space<semaphore_mem>>) src(%dma_wait3A_46 : memref<80x128xf32, #tpu.memory_space<vmem_shared>>) dst(%dma_wait3A_44 : memref<80x128xf32, #tpu.memory_space<hbm>>)
        tpu.yield
      }) : () -> ()
    } else {
    }
    return
  }
}

#map = affine_map<(d0, d1) -> (0, 0)>
#map1 = affine_map<(d0, d1) -> (0)>
#map2 = affine_map<(d0, d1) -> (0, 0, 0)>
module attributes {stable_mosaic.version = 14 : i64} {
  func.func @k(%arg0: i32, %arg1: i32, %arg2: memref<10000x128xf32, #tpu.memory_space<hbm>>, %arg3: memref<320000xi32, #tpu.memory_space<hbm>>, %arg4: memref<320000xi32, #tpu.memory_space<hbm>>, %arg5: memref<2x10000x128xf32, #tpu.memory_space<hbm>>, %arg6: memref<80xi32, #tpu.memory_space<vmem>>, %arg7: memref<80xi32, #tpu.memory_space<vmem>>, %arg8: memref<80xi32, #tpu.memory_space<vmem>>, %arg9: memref<80xi32, #tpu.memory_space<vmem>>, %arg10: memref<80x128xf32, #tpu.memory_space<vmem>>, %arg11: memref<80x128xf32, #tpu.memory_space<vmem>>, %arg12: memref<80x128xf32, #tpu.memory_space<vmem>>, %arg13: memref<10000x128xf32, #tpu.memory_space<vmem_shared>>, %arg14: memref<!tpu.dma_semaphore, #tpu.memory_space<semaphore_mem>>, %arg15: memref<!tpu.dma_semaphore, #tpu.memory_space<semaphore_mem>>) attributes {dimension_semantics = [#tpu.dimension_semantics<core_parallel>, #tpu.dimension_semantics<subcore_parallel>], iteration_bounds = array<i64: 2, 16>, scalar_prefetch = 0 : i64, scratch_operands = 10 : i64, tpu.core_type = #tpu.core_type<sc_vector_subcore>, window_params = [{transform_indices = #map}, {transform_indices = #map1}, {transform_indices = #map1}, {transform_indices = #map2}]} {
    %mul3A = arith.constant 16 : i32
    %mul3A_0 = arith.muli %arg0, %mul3A : i32
    %add3A = arith.addi %mul3A_0, %arg1 : i32
    %scan3A = arith.constant 0 : i32
    %scan3A_1 = arith.constant 80 : i32
    %scan3A_2 = arith.addi %scan3A, %scan3A_1 : i32
    %scan3A_3 = arith.constant 1 : i32
    scf.for %scan3A_34 = %scan3A to %scan3A_2 step %scan3A_3  : i32 {
      %mul3A_35 = arith.constant 1 : i32
      %mul3A_36 = arith.muli %scan3A_34, %mul3A_35 : i32
      %add3A_37 = arith.constant 0 : i32
      %add3A_38 = arith.addi %add3A_37, %mul3A_36 : i32
      %scan3A_39 = arith.constant 0 : i32
      %scan3A_40 = arith.constant 8 : i32
      %scan3A_41 = arith.addi %scan3A_39, %scan3A_40 : i32
      %scan3A_42 = arith.constant 1 : i32
      scf.for %scan3A_44 = %scan3A_39 to %scan3A_41 step %scan3A_42  : i32 {
        %mul3A_45 = arith.constant 16 : i32
        %mul3A_46 = arith.muli %scan3A_44, %mul3A_45 : i32
        %add3A_47 = arith.constant 0 : i32
        %add3A_48 = arith.addi %add3A_47, %mul3A_46 : i32
        %broadcast_in_dim3A = arith.constant 0.000000e+00 : f32
        %broadcast_in_dim3A_49 = vector.broadcast %broadcast_in_dim3A : f32 to vector<16xf32>
        %swap3A = arith.index_cast %add3A_38 : i32 to index
        %swap3A_50 = arith.index_cast %add3A_48 : i32 to index
        %swap3A_51 = tpu.vector_load %arg12[%swap3A, %swap3A_50] {strides = array<i32>} : memref<80x128xf32, #tpu.memory_space<vmem>>, vector<1x16xf32>,
        %swap3A_52 = vector.shape_cast %swap3A_51 : vector<1x16xf32> to vector<16xf32>
        %swap3A_53 = vector.shape_cast %broadcast_in_dim3A_49 : vector<16xf32> to vector<1x16xf32>
        tpu.vector_store %arg12[%swap3A, %swap3A_50], %swap3A_53 {strides = array<i32>} : memref<80x128xf32, #tpu.memory_space<vmem>>, vector<1x16xf32>,
      }
      %scan3A_43 = arith.constant 8 : i32
    }
    %scan3A_4 = arith.constant 80 : i32
    %scan3A_5 = arith.constant 0 : i32
    %scan3A_6 = arith.constant 7 : i32
    %scan3A_7 = arith.addi %scan3A_5, %scan3A_6 : i32
    %scan3A_8 = arith.constant 1 : i32
    scf.for %scan3A_34 = %scan3A_5 to %scan3A_7 step %scan3A_8  : i32 {
      %mul3A_35 = arith.constant 1 : i32
      %mul3A_36 = arith.muli %scan3A_34, %mul3A_35 : i32
      %add3A_37 = arith.constant 0 : i32
      %add3A_38 = arith.addi %add3A_37, %mul3A_36 : i32
      %mul3A_39 = arith.constant 16 : i32
      %mul3A_40 = arith.muli %add3A_38, %mul3A_39 : i32
      %add3A_41 = arith.addi %arg1, %mul3A_40 : i32
      %mul3A_42 = arith.constant 80 : i32
      %mul3A_43 = arith.muli %add3A_41, %mul3A_42 : i32
      "tpu.region"() ({
        %run_scoped3A = tpu.sem_alloc : memref<!tpu.dma_semaphore, #tpu.memory_space<semaphore_mem>>
        %dma_start3A_44 = arith.constant 0 : i32
        %dma_start3A_45 = tpu.memref_slice %arg13[%mul3A_43, %dma_start3A_44] : memref<10000x128xf32, #tpu.memory_space<vmem_shared>> -> memref<80x128xf32, #tpu.memory_space<vmem_shared>>
        %dma_start3A_46 = arith.constant 0 : i32
        %dma_start3A_47 = tpu.memref_slice %arg13[%mul3A_43, %dma_start3A_46] : memref<10000x128xf32, #tpu.memory_space<vmem_shared>> -> memref<80x128xf32, #tpu.memory_space<vmem_shared>>
        tpu.enqueue_dma source(%arg12 : memref<80x128xf32, #tpu.memory_space<vmem>>) target(%dma_start3A_47 : memref<80x128xf32, #tpu.memory_space<vmem_shared>>) target_semaphore(%run_scoped3A : memref<!tpu.dma_semaphore, #tpu.memory_space<semaphore_mem>>)
        %dma_wait3A = arith.constant 0 : i32
        %dma_wait3A_48 = tpu.memref_slice %arg13[%mul3A_43, %dma_wait3A] : memref<10000x128xf32, #tpu.memory_space<vmem_shared>> -> memref<80x128xf32, #tpu.memory_space<vmem_shared>>
        %dma_wait3A_49 = arith.constant 0 : i32
        %dma_wait3A_50 = tpu.memref_slice %arg13[%mul3A_43, %dma_wait3A_49] : memref<10000x128xf32, #tpu.memory_space<vmem_shared>> -> memref<80x128xf32, #tpu.memory_space<vmem_shared>>
        tpu.wait_dma2 semaphore(%run_scoped3A : memref<!tpu.dma_semaphore, #tpu.memory_space<semaphore_mem>>) src(%arg12 : memref<80x128xf32, #tpu.memory_space<vmem>>) dst(%dma_wait3A_50 : memref<80x128xf32, #tpu.memory_space<vmem_shared>>)
        tpu.yield
      }) : () -> ()
    }
    %scan3A_9 = arith.constant 7 : i32
    %lt3A = arith.constant 13 : i32
    %lt3A_10 = arith.cmpi slt, %arg1, %lt3A : i32
    %convert_element_type3A = arith.extui %lt3A_10 : i1 to i32
    %cond3A = arith.constant 0 : i32
    %cond3A_11 = arith.cmpi ne, %convert_element_type3A, %cond3A : i32
    scf.if %cond3A_11 {
      %add3A_34 = arith.constant 112 : i32
      %add3A_35 = arith.addi %add3A_34, %arg1 : i32
      %mul3A_36 = arith.constant 80 : i32
      %mul3A_37 = arith.muli %add3A_35, %mul3A_36 : i32
      "tpu.region"() ({
        %run_scoped3A = tpu.sem_alloc : memref<!tpu.dma_semaphore, #tpu.memory_space<semaphore_mem>>
        %dma_start3A_38 = arith.constant 0 : i32
        %dma_start3A_39 = tpu.memref_slice %arg13[%mul3A_37, %dma_start3A_38] : memref<10000x128xf32, #tpu.memory_space<vmem_shared>> -> memref<80x128xf32, #tpu.memory_space<vmem_shared>>
        %dma_start3A_40 = arith.constant 0 : i32
        %dma_start3A_41 = tpu.memref_slice %arg13[%mul3A_37, %dma_start3A_40] : memref<10000x128xf32, #tpu.memory_space<vmem_shared>> -> memref<80x128xf32, #tpu.memory_space<vmem_shared>>
        tpu.enqueue_dma source(%arg12 : memref<80x128xf32, #tpu.memory_space<vmem>>) target(%dma_start3A_41 : memref<80x128xf32, #tpu.memory_space<vmem_shared>>) target_semaphore(%run_scoped3A : memref<!tpu.dma_semaphore, #tpu.memory_space<semaphore_mem>>)
        %dma_wait3A = arith.constant 0 : i32
        %dma_wait3A_42 = tpu.memref_slice %arg13[%mul3A_37, %dma_wait3A] : memref<10000x128xf32, #tpu.memory_space<vmem_shared>> -> memref<80x128xf32, #tpu.memory_space<vmem_shared>>
        %dma_wait3A_43 = arith.constant 0 : i32
        %dma_wait3A_44 = tpu.memref_slice %arg13[%mul3A_37, %dma_wait3A_43] : memref<10000x128xf32, #tpu.memory_space<vmem_shared>> -> memref<80x128xf32, #tpu.memory_space<vmem_shared>>
        tpu.wait_dma2 semaphore(%run_scoped3A : memref<!tpu.dma_semaphore, #tpu.memory_space<semaphore_mem>>) src(%arg12 : memref<80x128xf32, #tpu.memory_space<vmem>>) dst(%dma_wait3A_44 : memref<80x128xf32, #tpu.memory_space<vmem_shared>>)
        tpu.yield
      }) : () -> ()
    } else {
    }
    %barrier3A = arith.constant 0 : index
    tpu.barrier barrier_id(%barrier3A)
    %mul3A_12 = arith.constant 10000 : i32
    %mul3A_13 = arith.muli %add3A, %mul3A_12 : i32
    %add3A_14 = arith.constant 0 : i32
    %add3A_15 = arith.addi %mul3A_13, %add3A_14 : i32
    "tpu.region"() ({
      %run_scoped3A = tpu.sem_alloc : memref<!tpu.dma_semaphore, #tpu.memory_space<semaphore_mem>>
      %dma_start3A_34 = tpu.memref_slice %arg3[%add3A_15] : memref<320000xi32, #tpu.memory_space<hbm>> -> memref<80xi32, #tpu.memory_space<hbm>>
      %dma_start3A_35 = tpu.memref_slice %arg3[%add3A_15] : memref<320000xi32, #tpu.memory_space<hbm>> -> memref<80xi32, #tpu.memory_space<hbm>>
      tpu.enqueue_dma source(%dma_start3A_35 : memref<80xi32, #tpu.memory_space<hbm>>) target(%arg6 : memref<80xi32, #tpu.memory_space<vmem>>) target_semaphore(%run_scoped3A : memref<!tpu.dma_semaphore, #tpu.memory_space<semaphore_mem>>)
      %dma_wait3A = tpu.memref_slice %arg3[%add3A_15] : memref<320000xi32, #tpu.memory_space<hbm>> -> memref<80xi32, #tpu.memory_space<hbm>>
      %dma_wait3A_36 = tpu.memref_slice %arg3[%add3A_15] : memref<320000xi32, #tpu.memory_space<hbm>> -> memref<80xi32, #tpu.memory_space<hbm>>
      tpu.wait_dma2 semaphore(%run_scoped3A : memref<!tpu.dma_semaphore, #tpu.memory_space<semaphore_mem>>) src(%dma_wait3A_36 : memref<80xi32, #tpu.memory_space<hbm>>) dst(%arg6 : memref<80xi32, #tpu.memory_space<vmem>>)
      tpu.yield
    }) : () -> ()
    "tpu.region"() ({
      %run_scoped3A = tpu.sem_alloc : memref<!tpu.dma_semaphore, #tpu.memory_space<semaphore_mem>>
      %dma_start3A_34 = tpu.memref_slice %arg4[%add3A_15] : memref<320000xi32, #tpu.memory_space<hbm>> -> memref<80xi32, #tpu.memory_space<hbm>>
      %dma_start3A_35 = tpu.memref_slice %arg4[%add3A_15] : memref<320000xi32, #tpu.memory_space<hbm>> -> memref<80xi32, #tpu.memory_space<hbm>>
      tpu.enqueue_dma source(%dma_start3A_35 : memref<80xi32, #tpu.memory_space<hbm>>) target(%arg7 : memref<80xi32, #tpu.memory_space<vmem>>) target_semaphore(%run_scoped3A : memref<!tpu.dma_semaphore, #tpu.memory_space<semaphore_mem>>)
      %dma_wait3A = tpu.memref_slice %arg4[%add3A_15] : memref<320000xi32, #tpu.memory_space<hbm>> -> memref<80xi32, #tpu.memory_space<hbm>>
      %dma_wait3A_36 = tpu.memref_slice %arg4[%add3A_15] : memref<320000xi32, #tpu.memory_space<hbm>> -> memref<80xi32, #tpu.memory_space<hbm>>
      tpu.wait_dma2 semaphore(%run_scoped3A : memref<!tpu.dma_semaphore, #tpu.memory_space<semaphore_mem>>) src(%dma_wait3A_36 : memref<80xi32, #tpu.memory_space<hbm>>) dst(%arg7 : memref<80xi32, #tpu.memory_space<vmem>>)
      tpu.yield
    }) : () -> ()
    %dma_start3A = arith.constant 0 : i32
    %dma_start3A_16 = arith.constant 0 : i32
    %dma_start3A_17 = tpu.memref_slice %arg2[%dma_start3A, %dma_start3A_16] : memref<10000x128xf32, #tpu.memory_space<hbm>> -> memref<10000x128xf32, #tpu.memory_space<hbm>>
    tpu.enqueue_indirect_dma source(%dma_start3A_17 : memref<10000x128xf32, #tpu.memory_space<hbm>>) target(%arg10 : memref<80x128xf32, #tpu.memory_space<vmem>>) offsets(%arg6 : memref<80xi32, #tpu.memory_space<vmem>>) semaphore(%arg14 : memref<!tpu.dma_semaphore, #tpu.memory_space<semaphore_mem>>)
    %scan3A_18 = arith.constant 0 : i32
    %scan3A_19 = arith.constant 63 : i32
    %scan3A_20 = arith.addi %scan3A_18, %scan3A_19 : i32
    %scan3A_21 = arith.constant 1 : i32
    scf.for %scan3A_34 = %scan3A_18 to %scan3A_20 step %scan3A_21  : i32 {
      %mul3A_35 = arith.constant 1 : i32
      %mul3A_36 = arith.muli %scan3A_34, %mul3A_35 : i32
      %add3A_37 = arith.constant 0 : i32
      %add3A_38 = arith.addi %add3A_37, %mul3A_36 : i32
      %mul3A_39 = arith.constant 2 : i32
      %mul3A_40 = arith.muli %mul3A_39, %add3A_38 : i32
      %add3A_41 = arith.constant 1 : i32
      %add3A_42 = arith.addi %mul3A_40, %add3A_41 : i32
      %lt3A_43 = arith.constant 125 : i32
      %lt3A_44 = arith.cmpi slt, %add3A_42, %lt3A_43 : i32
      %convert_element_type3A_45 = arith.extui %lt3A_44 : i1 to i32
      %cond3A_46 = arith.constant 0 : i32
      %cond3A_47 = arith.cmpi ne, %convert_element_type3A_45, %cond3A_46 : i32
      scf.if %cond3A_47 {
        %add3A_64 = arith.constant 1 : i32
        %add3A_65 = arith.addi %mul3A_40, %add3A_64 : i32
        %mul3A_66 = arith.constant 80 : i32
        %mul3A_67 = arith.muli %add3A_65, %mul3A_66 : i32
        %add3A_68 = arith.addi %mul3A_13, %mul3A_67 : i32
        "tpu.region"() ({
          %run_scoped3A = tpu.sem_alloc : memref<!tpu.dma_semaphore, #tpu.memory_space<semaphore_mem>>
          %dma_start3A_72 = tpu.memref_slice %arg3[%add3A_68] : memref<320000xi32, #tpu.memory_space<hbm>> -> memref<80xi32, #tpu.memory_space<hbm>>
          %dma_start3A_73 = tpu.memref_slice %arg3[%add3A_68] : memref<320000xi32, #tpu.memory_space<hbm>> -> memref<80xi32, #tpu.memory_space<hbm>>
          tpu.enqueue_dma source(%dma_start3A_73 : memref<80xi32, #tpu.memory_space<hbm>>) target(%arg8 : memref<80xi32, #tpu.memory_space<vmem>>) target_semaphore(%run_scoped3A : memref<!tpu.dma_semaphore, #tpu.memory_space<semaphore_mem>>)
          %dma_wait3A_74 = tpu.memref_slice %arg3[%add3A_68] : memref<320000xi32, #tpu.memory_space<hbm>> -> memref<80xi32, #tpu.memory_space<hbm>>
          %dma_wait3A_75 = tpu.memref_slice %arg3[%add3A_68] : memref<320000xi32, #tpu.memory_space<hbm>> -> memref<80xi32, #tpu.memory_space<hbm>>
          tpu.wait_dma2 semaphore(%run_scoped3A : memref<!tpu.dma_semaphore, #tpu.memory_space<semaphore_mem>>) src(%dma_wait3A_75 : memref<80xi32, #tpu.memory_space<hbm>>) dst(%arg8 : memref<80xi32, #tpu.memory_space<vmem>>)
          tpu.yield
        }) : () -> ()
        "tpu.region"() ({
          %run_scoped3A = tpu.sem_alloc : memref<!tpu.dma_semaphore, #tpu.memory_space<semaphore_mem>>
          %dma_start3A_72 = tpu.memref_slice %arg4[%add3A_68] : memref<320000xi32, #tpu.memory_space<hbm>> -> memref<80xi32, #tpu.memory_space<hbm>>
          %dma_start3A_73 = tpu.memref_slice %arg4[%add3A_68] : memref<320000xi32, #tpu.memory_space<hbm>> -> memref<80xi32, #tpu.memory_space<hbm>>
          tpu.enqueue_dma source(%dma_start3A_73 : memref<80xi32, #tpu.memory_space<hbm>>) target(%arg9 : memref<80xi32, #tpu.memory_space<vmem>>) target_semaphore(%run_scoped3A : memref<!tpu.dma_semaphore, #tpu.memory_space<semaphore_mem>>)
          %dma_wait3A_74 = tpu.memref_slice %arg4[%add3A_68] : memref<320000xi32, #tpu.memory_space<hbm>> -> memref<80xi32, #tpu.memory_space<hbm>>
          %dma_wait3A_75 = tpu.memref_slice %arg4[%add3A_68] : memref<320000xi32, #tpu.memory_space<hbm>> -> memref<80xi32, #tpu.memory_space<hbm>>
          tpu.wait_dma2 semaphore(%run_scoped3A : memref<!tpu.dma_semaphore, #tpu.memory_space<semaphore_mem>>) src(%dma_wait3A_75 : memref<80xi32, #tpu.memory_space<hbm>>) dst(%arg9 : memref<80xi32, #tpu.memory_space<vmem>>)
          tpu.yield
        }) : () -> ()
        %dma_start3A_69 = arith.constant 0 : i32
        %dma_start3A_70 = arith.constant 0 : i32
        %dma_start3A_71 = tpu.memref_slice %arg2[%dma_start3A_69, %dma_start3A_70] : memref<10000x128xf32, #tpu.memory_space<hbm>> -> memref<10000x128xf32, #tpu.memory_space<hbm>>
        tpu.enqueue_indirect_dma source(%dma_start3A_71 : memref<10000x128xf32, #tpu.memory_space<hbm>>) target(%arg11 : memref<80x128xf32, #tpu.memory_space<vmem>>) offsets(%arg8 : memref<80xi32, #tpu.memory_space<vmem>>) semaphore(%arg15 : memref<!tpu.dma_semaphore, #tpu.memory_space<semaphore_mem>>)
      } else {
      }
      %dma_wait3A = arith.constant 0 : i32
      %dma_wait3A_48 = arith.constant 0 : i32
      %dma_wait3A_49 = tpu.memref_slice %arg2[%dma_wait3A, %dma_wait3A_48] : memref<10000x128xf32, #tpu.memory_space<hbm>> -> memref<10000x128xf32, #tpu.memory_space<hbm>>
      tpu.wait_indirect_dma semaphore(%arg14 : memref<!tpu.dma_semaphore, #tpu.memory_space<semaphore_mem>>) src(%dma_wait3A_49 : memref<10000x128xf32, #tpu.memory_space<hbm>>) dst(%arg10 : memref<80x128xf32, #tpu.memory_space<vmem>>)
      "tpu.region"() ({
        %run_scoped3A = tpu.sem_alloc : memref<!tpu.dma_semaphore, #tpu.memory_space<semaphore_mem>>
        %dma_start3A_64 = arith.constant 0 : i32
        %dma_start3A_65 = arith.constant 0 : i32
        %dma_start3A_66 = tpu.memref_slice %arg13[%dma_start3A_64, %dma_start3A_65] : memref<10000x128xf32, #tpu.memory_space<vmem_shared>> -> memref<10000x128xf32, #tpu.memory_space<vmem_shared>>
        tpu.enqueue_indirect_dma source(%arg10 : memref<80x128xf32, #tpu.memory_space<vmem>>) target(%dma_start3A_66 : memref<10000x128xf32, #tpu.memory_space<vmem_shared>>) offsets(%arg7 : memref<80xi32, #tpu.memory_space<vmem>>) semaphore(%run_scoped3A : memref<!tpu.dma_semaphore, #tpu.memory_space<semaphore_mem>>) {add = true}
        %dma_wait3A_67 = arith.constant 0 : i32
        %dma_wait3A_68 = arith.constant 0 : i32
        %dma_wait3A_69 = tpu.memref_slice %arg13[%dma_wait3A_67, %dma_wait3A_68] : memref<10000x128xf32, #tpu.memory_space<vmem_shared>> -> memref<10000x128xf32, #tpu.memory_space<vmem_shared>>
        tpu.wait_indirect_dma semaphore(%run_scoped3A : memref<!tpu.dma_semaphore, #tpu.memory_space<semaphore_mem>>) src(%arg10 : memref<80x128xf32, #tpu.memory_space<vmem>>) dst(%dma_wait3A_69 : memref<10000x128xf32, #tpu.memory_space<vmem_shared>>)
        tpu.yield
      }) : () -> ()
      %add3A_50 = arith.constant 2 : i32
      %add3A_51 = arith.addi %mul3A_40, %add3A_50 : i32
      %lt3A_52 = arith.constant 125 : i32
      %lt3A_53 = arith.cmpi slt, %add3A_51, %lt3A_52 : i32
      %convert_element_type3A_54 = arith.extui %lt3A_53 : i1 to i32
      %cond3A_55 = arith.constant 0 : i32
      %cond3A_56 = arith.cmpi ne, %convert_element_type3A_54, %cond3A_55 : i32
      scf.if %cond3A_56 {
        %add3A_64 = arith.constant 2 : i32
        %add3A_65 = arith.addi %mul3A_40, %add3A_64 : i32
        %mul3A_66 = arith.constant 80 : i32
        %mul3A_67 = arith.muli %add3A_65, %mul3A_66 : i32
        %add3A_68 = arith.addi %mul3A_13, %mul3A_67 : i32
        "tpu.region"() ({
          %run_scoped3A = tpu.sem_alloc : memref<!tpu.dma_semaphore, #tpu.memory_space<semaphore_mem>>
          %dma_start3A_72 = tpu.memref_slice %arg3[%add3A_68] : memref<320000xi32, #tpu.memory_space<hbm>> -> memref<80xi32, #tpu.memory_space<hbm>>
          %dma_start3A_73 = tpu.memref_slice %arg3[%add3A_68] : memref<320000xi32, #tpu.memory_space<hbm>> -> memref<80xi32, #tpu.memory_space<hbm>>
          tpu.enqueue_dma source(%dma_start3A_73 : memref<80xi32, #tpu.memory_space<hbm>>) target(%arg6 : memref<80xi32, #tpu.memory_space<vmem>>) target_semaphore(%run_scoped3A : memref<!tpu.dma_semaphore, #tpu.memory_space<semaphore_mem>>)
          %dma_wait3A_74 = tpu.memref_slice %arg3[%add3A_68] : memref<320000xi32, #tpu.memory_space<hbm>> -> memref<80xi32, #tpu.memory_space<hbm>>
          %dma_wait3A_75 = tpu.memref_slice %arg3[%add3A_68] : memref<320000xi32, #tpu.memory_space<hbm>> -> memref<80xi32, #tpu.memory_space<hbm>>
          tpu.wait_dma2 semaphore(%run_scoped3A : memref<!tpu.dma_semaphore, #tpu.memory_space<semaphore_mem>>) src(%dma_wait3A_75 : memref<80xi32, #tpu.memory_space<hbm>>) dst(%arg6 : memref<80xi32, #tpu.memory_space<vmem>>)
          tpu.yield
        }) : () -> ()
        "tpu.region"() ({
          %run_scoped3A = tpu.sem_alloc : memref<!tpu.dma_semaphore, #tpu.memory_space<semaphore_mem>>
          %dma_start3A_72 = tpu.memref_slice %arg4[%add3A_68] : memref<320000xi32, #tpu.memory_space<hbm>> -> memref<80xi32, #tpu.memory_space<hbm>>
          %dma_start3A_73 = tpu.memref_slice %arg4[%add3A_68] : memref<320000xi32, #tpu.memory_space<hbm>> -> memref<80xi32, #tpu.memory_space<hbm>>
          tpu.enqueue_dma source(%dma_start3A_73 : memref<80xi32, #tpu.memory_space<hbm>>) target(%arg7 : memref<80xi32, #tpu.memory_space<vmem>>) target_semaphore(%run_scoped3A : memref<!tpu.dma_semaphore, #tpu.memory_space<semaphore_mem>>)
          %dma_wait3A_74 = tpu.memref_slice %arg4[%add3A_68] : memref<320000xi32, #tpu.memory_space<hbm>> -> memref<80xi32, #tpu.memory_space<hbm>>
          %dma_wait3A_75 = tpu.memref_slice %arg4[%add3A_68] : memref<320000xi32, #tpu.memory_space<hbm>> -> memref<80xi32, #tpu.memory_space<hbm>>
          tpu.wait_dma2 semaphore(%run_scoped3A : memref<!tpu.dma_semaphore, #tpu.memory_space<semaphore_mem>>) src(%dma_wait3A_75 : memref<80xi32, #tpu.memory_space<hbm>>) dst(%arg7 : memref<80xi32, #tpu.memory_space<vmem>>)
          tpu.yield
        }) : () -> ()
        %dma_start3A_69 = arith.constant 0 : i32
        %dma_start3A_70 = arith.constant 0 : i32
        %dma_start3A_71 = tpu.memref_slice %arg2[%dma_start3A_69, %dma_start3A_70] : memref<10000x128xf32, #tpu.memory_space<hbm>> -> memref<10000x128xf32, #tpu.memory_space<hbm>>
        tpu.enqueue_indirect_dma source(%dma_start3A_71 : memref<10000x128xf32, #tpu.memory_space<hbm>>) target(%arg10 : memref<80x128xf32, #tpu.memory_space<vmem>>) offsets(%arg6 : memref<80xi32, #tpu.memory_space<vmem>>) semaphore(%arg14 : memref<!tpu.dma_semaphore, #tpu.memory_space<semaphore_mem>>)
      } else {
      }
      %add3A_57 = arith.constant 1 : i32
      %add3A_58 = arith.addi %mul3A_40, %add3A_57 : i32
      %lt3A_59 = arith.constant 125 : i32
      %lt3A_60 = arith.cmpi slt, %add3A_58, %lt3A_59 : i32
      %convert_element_type3A_61 = arith.extui %lt3A_60 : i1 to i32
      %cond3A_62 = arith.constant 0 : i32
      %cond3A_63 = arith.cmpi ne, %convert_element_type3A_61, %cond3A_62 : i32
      scf.if %cond3A_63 {
        %dma_wait3A_64 = arith.constant 0 : i32
        %dma_wait3A_65 = arith.constant 0 : i32
        %dma_wait3A_66 = tpu.memref_slice %arg2[%dma_wait3A_64, %dma_wait3A_65] : memref<10000x128xf32, #tpu.memory_space<hbm>> -> memref<10000x128xf32, #tpu.memory_space<hbm>>
        tpu.wait_indirect_dma semaphore(%arg15 : memref<!tpu.dma_semaphore, #tpu.memory_space<semaphore_mem>>) src(%dma_wait3A_66 : memref<10000x128xf32, #tpu.memory_space<hbm>>) dst(%arg11 : memref<80x128xf32, #tpu.memory_space<vmem>>)
        "tpu.region"() ({
          %run_scoped3A = tpu.sem_alloc : memref<!tpu.dma_semaphore, #tpu.memory_space<semaphore_mem>>
          %dma_start3A_67 = arith.constant 0 : i32
          %dma_start3A_68 = arith.constant 0 : i32
          %dma_start3A_69 = tpu.memref_slice %arg13[%dma_start3A_67, %dma_start3A_68] : memref<10000x128xf32, #tpu.memory_space<vmem_shared>> -> memref<10000x128xf32, #tpu.memory_space<vmem_shared>>
          tpu.enqueue_indirect_dma source(%arg11 : memref<80x128xf32, #tpu.memory_space<vmem>>) target(%dma_start3A_69 : memref<10000x128xf32, #tpu.memory_space<vmem_shared>>) offsets(%arg9 : memref<80xi32, #tpu.memory_space<vmem>>) semaphore(%run_scoped3A : memref<!tpu.dma_semaphore, #tpu.memory_space<semaphore_mem>>) {add = true}
          %dma_wait3A_70 = arith.constant 0 : i32
          %dma_wait3A_71 = arith.constant 0 : i32
          %dma_wait3A_72 = tpu.memref_slice %arg13[%dma_wait3A_70, %dma_wait3A_71] : memref<10000x128xf32, #tpu.memory_space<vmem_shared>> -> memref<10000x128xf32, #tpu.memory_space<vmem_shared>>
          tpu.wait_indirect_dma semaphore(%run_scoped3A : memref<!tpu.dma_semaphore, #tpu.memory_space<semaphore_mem>>) src(%arg11 : memref<80x128xf32, #tpu.memory_space<vmem>>) dst(%dma_wait3A_72 : memref<10000x128xf32, #tpu.memory_space<vmem_shared>>)
          tpu.yield
        }) : () -> ()
      } else {
      }
    }
    %scan3A_22 = arith.constant 63 : i32
    %barrier3A_23 = arith.constant 0 : index
    tpu.barrier barrier_id(%barrier3A_23)
    %scan3A_24 = arith.constant 0 : i32
    %scan3A_25 = arith.constant 7 : i32
    %scan3A_26 = arith.addi %scan3A_24, %scan3A_25 : i32
    %scan3A_27 = arith.constant 1 : i32
    scf.for %scan3A_34 = %scan3A_24 to %scan3A_26 step %scan3A_27  : i32 {
      %mul3A_35 = arith.constant 1 : i32
      %mul3A_36 = arith.muli %scan3A_34, %mul3A_35 : i32
      %add3A_37 = arith.constant 0 : i32
      %add3A_38 = arith.addi %add3A_37, %mul3A_36 : i32
      %mul3A_39 = arith.constant 16 : i32
      %mul3A_40 = arith.muli %add3A_38, %mul3A_39 : i32
      %add3A_41 = arith.addi %arg1, %mul3A_40 : i32
      %mul3A_42 = arith.constant 80 : i32
      %mul3A_43 = arith.muli %add3A_41, %mul3A_42 : i32
      "tpu.region"() ({
        %run_scoped3A = tpu.sem_alloc : memref<!tpu.dma_semaphore, #tpu.memory_space<semaphore_mem>>
        %dma_start3A_44 = arith.constant 0 : i32
        %dma_start3A_45 = tpu.memref_slice %arg5[%arg0, %mul3A_43, %dma_start3A_44] : memref<2x10000x128xf32, #tpu.memory_space<hbm>> -> memref<1x80x128xf32, #tpu.memory_space<hbm>>
        %dma_start3A_46 = tpu.memref_squeeze %dma_start3A_45 : memref<1x80x128xf32, #tpu.memory_space<hbm>> -> memref<80x128xf32, #tpu.memory_space<hbm>>
        %dma_start3A_47 = arith.constant 0 : i32
        %dma_start3A_48 = tpu.memref_slice %arg13[%mul3A_43, %dma_start3A_47] : memref<10000x128xf32, #tpu.memory_space<vmem_shared>> -> memref<80x128xf32, #tpu.memory_space<vmem_shared>>
        tpu.enqueue_dma source(%dma_start3A_48 : memref<80x128xf32, #tpu.memory_space<vmem_shared>>) target(%dma_start3A_46 : memref<80x128xf32, #tpu.memory_space<hbm>>) target_semaphore(%run_scoped3A : memref<!tpu.dma_semaphore, #tpu.memory_space<semaphore_mem>>)
        %dma_wait3A = arith.constant 0 : i32
        %dma_wait3A_49 = tpu.memref_slice %arg5[%arg0, %mul3A_43, %dma_wait3A] : memref<2x10000x128xf32, #tpu.memory_space<hbm>> -> memref<1x80x128xf32, #tpu.memory_space<hbm>>
        %dma_wait3A_50 = tpu.memref_squeeze %dma_wait3A_49 : memref<1x80x128xf32, #tpu.memory_space<hbm>> -> memref<80x128xf32, #tpu.memory_space<hbm>>
        %dma_wait3A_51 = arith.constant 0 : i32
        %dma_wait3A_52 = tpu.memref_slice %arg13[%mul3A_43, %dma_wait3A_51] : memref<10000x128xf32, #tpu.memory_space<vmem_shared>> -> memref<80x128xf32, #tpu.memory_space<vmem_shared>>
        tpu.wait_dma2 semaphore(%run_scoped3A : memref<!tpu.dma_semaphore, #tpu.memory_space<semaphore_mem>>) src(%dma_wait3A_52 : memref<80x128xf32, #tpu.memory_space<vmem_shared>>) dst(%dma_wait3A_50 : memref<80x128xf32, #tpu.memory_space<hbm>>)
        tpu.yield
      }) : () -> ()
    }
    %scan3A_28 = arith.constant 7 : i32
    %lt3A_29 = arith.constant 13 : i32
    %lt3A_30 = arith.cmpi slt, %arg1, %lt3A_29 : i32
    %convert_element_type3A_31 = arith.extui %lt3A_30 : i1 to i32
    %cond3A_32 = arith.constant 0 : i32
    %cond3A_33 = arith.cmpi ne, %convert_element_type3A_31, %cond3A_32 : i32
    scf.if %cond3A_33 {
      %add3A_34 = arith.constant 112 : i32
      %add3A_35 = arith.addi %add3A_34, %arg1 : i32
      %mul3A_36 = arith.constant 80 : i32
      %mul3A_37 = arith.muli %add3A_35, %mul3A_36 : i32
      "tpu.region"() ({
        %run_scoped3A = tpu.sem_alloc : memref<!tpu.dma_semaphore, #tpu.memory_space<semaphore_mem>>
        %dma_start3A_38 = arith.constant 0 : i32
        %dma_start3A_39 = tpu.memref_slice %arg5[%arg0, %mul3A_37, %dma_start3A_38] : memref<2x10000x128xf32, #tpu.memory_space<hbm>> -> memref<1x80x128xf32, #tpu.memory_space<hbm>>
        %dma_start3A_40 = tpu.memref_squeeze %dma_start3A_39 : memref<1x80x128xf32, #tpu.memory_space<hbm>> -> memref<80x128xf32, #tpu.memory_space<hbm>>
        %dma_start3A_41 = arith.constant 0 : i32
        %dma_start3A_42 = tpu.memref_slice %arg13[%mul3A_37, %dma_start3A_41] : memref<10000x128xf32, #tpu.memory_space<vmem_shared>> -> memref<80x128xf32, #tpu.memory_space<vmem_shared>>
        tpu.enqueue_dma source(%dma_start3A_42 : memref<80x128xf32, #tpu.memory_space<vmem_shared>>) target(%dma_start3A_40 : memref<80x128xf32, #tpu.memory_space<hbm>>) target_semaphore(%run_scoped3A : memref<!tpu.dma_semaphore, #tpu.memory_space<semaphore_mem>>)
        %dma_wait3A = arith.constant 0 : i32
        %dma_wait3A_43 = tpu.memref_slice %arg5[%arg0, %mul3A_37, %dma_wait3A] : memref<2x10000x128xf32, #tpu.memory_space<hbm>> -> memref<1x80x128xf32, #tpu.memory_space<hbm>>
        %dma_wait3A_44 = tpu.memref_squeeze %dma_wait3A_43 : memref<1x80x128xf32, #tpu.memory_space<hbm>> -> memref<80x128xf32, #tpu.memory_space<hbm>>
        %dma_wait3A_45 = arith.constant 0 : i32
        %dma_wait3A_46 = tpu.memref_slice %arg13[%mul3A_37, %dma_wait3A_45] : memref<10000x128xf32, #tpu.memory_space<vmem_shared>> -> memref<80x128xf32, #tpu.memory_space<vmem_shared>>
        tpu.wait_dma2 semaphore(%run_scoped3A : memref<!tpu.dma_semaphore, #tpu.memory_space<semaphore_mem>>) src(%dma_wait3A_46 : memref<80x128xf32, #tpu.memory_space<vmem_shared>>) dst(%dma_wait3A_44 : memref<80x128xf32, #tpu.memory_space<hbm>>)
        tpu.yield
      }) : () -> ()
    } else {
    }
    return
  }
}

module attributes {stable_mosaic.version = 14 : i64} {
  func.func @body(%arg0: memref<128x128xf32, #tpu.memory_space<vmem>>, %arg1: memref<128x128xf32, #tpu.memory_space<vmem>>, %arg2: memref<128x128xf32, #tpu.memory_space<vmem>>, %arg3: memref<128x128xf32, #tpu.memory_space<vmem>>, %arg4: memref<128x128xf32, #tpu.memory_space<vmem>>, %arg5: memref<128x128xf32, #tpu.memory_space<vmem>>, %arg6: memref<128x128xf32, #tpu.memory_space<vmem>>, %arg7: memref<128x128xf32, #tpu.memory_space<vmem>>, %arg8: memref<128x128xf32, #tpu.memory_space<vmem>>, %arg9: memref<128x128xf32, #tpu.memory_space<vmem>>) attributes {dimension_semantics = [], scalar_prefetch = 0 : i64, scratch_operands = 0 : i64, tpu.core_type = #tpu.core_type<tc>} {
    %get3A = arith.constant 0 : index
    %get3A_0 = arith.constant 0 : index
    %get3A_1 = vector.load %arg0[%get3A, %get3A_0] : memref<128x128xf32, #tpu.memory_space<vmem>>, vector<128x128xf32>
    %get3A_2 = arith.constant 0 : index
    %get3A_3 = arith.constant 0 : index
    %get3A_4 = vector.load %arg1[%get3A_2, %get3A_3] : memref<128x128xf32, #tpu.memory_space<vmem>>, vector<128x128xf32>
    %mul3A = arith.mulf %get3A_1, %get3A_1 : vector<128x128xf32>
    %reduce_sum3A = arith.constant dense<0.000000e+00> : vector<128xf32>
    %reduce_sum3A_5 = vector.multi_reduction <add>, %mul3A, %reduce_sum3A [1] : vector<128x128xf32> to vector<128xf32>
    %broadcast_in_dim3A = vector.shape_cast %reduce_sum3A_5 : vector<128xf32> to vector<128x1xf32>
    %broadcast_in_dim3A_6 = vector.shape_cast %get3A_1 : vector<128x128xf32> to vector<128x1x128xf32>
    %broadcast_in_dim3A_7 = vector.shape_cast %get3A_4 : vector<128x128xf32> to vector<1x128x128xf32>
    %sub3A = vector.broadcast %broadcast_in_dim3A_6 : vector<128x1x128xf32> to vector<128x128x128xf32>
    %sub3A_8 = vector.broadcast %broadcast_in_dim3A_7 : vector<1x128x128xf32> to vector<128x128x128xf32>
    %sub3A_9 = arith.subf %sub3A, %sub3A_8 : vector<128x128x128xf32>
    %mul3A_10 = arith.mulf %sub3A_9, %sub3A_9 : vector<128x128x128xf32>
    %reduce_sum3A_11 = arith.constant dense<0.000000e+00> : vector<128x128xf32>
    %reduce_sum3A_12 = vector.multi_reduction <add>, %mul3A_10, %reduce_sum3A_11 [2] : vector<128x128x128xf32> to vector<128x128xf32>
    %mul3A_13 = arith.constant -1.000000e+00 : f32
    %mul3A_14 = vector.broadcast %mul3A_13 : f32 to vector<128x1xf32>
    %mul3A_15 = arith.mulf %mul3A_14, %broadcast_in_dim3A : vector<128x1xf32>
    %add3A = arith.constant 1.000000e+00 : f32
    %add3A_16 = vector.broadcast %add3A : f32 to vector<128x1xf32>
    %add3A_17 = arith.addf %add3A_16, %mul3A_15 : vector<128x1xf32>
    %add3A_18 = arith.constant 1.000000e-10 : f32
    %add3A_19 = vector.broadcast %add3A_18 : f32 to vector<128x128xf32>
    %add3A_20 = arith.addf %reduce_sum3A_12, %add3A_19 : vector<128x128xf32>
    %div3A = vector.broadcast %add3A_17 : vector<128x1xf32> to vector<128x128xf32>
    %div3A_21 = arith.divf %div3A, %add3A_20 : vector<128x128xf32>
    %add3A_22 = arith.constant 1.000000e-10 : f32
    %add3A_23 = vector.broadcast %add3A_22 : f32 to vector<128x128xf32>
    %add3A_24 = arith.addf %div3A_21, %add3A_23 : vector<128x128xf32>
    %log3A = math.log %add3A_24 : vector<128x128xf32>
    %mul3A_25 = arith.constant 1.270000e+02 : f32
    %mul3A_26 = vector.broadcast %mul3A_25 : f32 to vector<128x128xf32>
    %mul3A_27 = arith.mulf %mul3A_26, %log3A : vector<128x128xf32>
    %div3A_28 = arith.constant 2.000000e+00 : f32
    %div3A_29 = vector.broadcast %div3A_28 : f32 to vector<128x128xf32>
    %div3A_30 = arith.divf %mul3A_27, %div3A_29 : vector<128x128xf32>
    %exp3A = math.exp %div3A_30 : vector<128x128xf32>
    %get3A_31 = arith.constant 0 : index
    %get3A_32 = arith.constant 0 : index
    %get3A_33 = vector.load %arg3[%get3A_31, %get3A_32] : memref<128x128xf32, #tpu.memory_space<vmem>>, vector<128x128xf32>
    %mul3A_34 = arith.mulf %get3A_33, %log3A : vector<128x128xf32>
    %get3A_35 = arith.constant 0 : index
    %get3A_36 = arith.constant 0 : index
    %get3A_37 = vector.load %arg2[%get3A_35, %get3A_36] : memref<128x128xf32, #tpu.memory_space<vmem>>, vector<128x128xf32>
    %add3A_38 = arith.addf %mul3A_34, %get3A_37 : vector<128x128xf32>
    %cos3A = math.cos %add3A_38 : vector<128x128xf32>
    %mul3A_39 = arith.mulf %exp3A, %cos3A : vector<128x128xf32>
    %swap3A = arith.constant 0 : index
    %swap3A_40 = arith.constant 0 : index
    %swap3A_41 = vector.load %arg8[%swap3A, %swap3A_40] : memref<128x128xf32, #tpu.memory_space<vmem>>, vector<128x128xf32>
    tpu.vector_store %arg8[%swap3A, %swap3A_40], %mul3A_39 {strides = array<i32>} : memref<128x128xf32, #tpu.memory_space<vmem>>, vector<128x128xf32>,
    %get3A_42 = arith.constant 0 : index
    %get3A_43 = arith.constant 0 : index
    %get3A_44 = vector.load %arg4[%get3A_42, %get3A_43] : memref<128x128xf32, #tpu.memory_space<vmem>>, vector<128x128xf32>
    %get3A_45 = arith.constant 0 : index
    %get3A_46 = arith.constant 0 : index
    %get3A_47 = vector.load %arg5[%get3A_45, %get3A_46] : memref<128x128xf32, #tpu.memory_space<vmem>>, vector<128x128xf32>
    %mul3A_48 = arith.mulf %get3A_44, %get3A_44 : vector<128x128xf32>
    %reduce_sum3A_49 = arith.constant dense<0.000000e+00> : vector<128xf32>
    %reduce_sum3A_50 = vector.multi_reduction <add>, %mul3A_48, %reduce_sum3A_49 [1] : vector<128x128xf32> to vector<128xf32>
    %broadcast_in_dim3A_51 = vector.shape_cast %reduce_sum3A_50 : vector<128xf32> to vector<128x1xf32>
    %broadcast_in_dim3A_52 = vector.shape_cast %get3A_44 : vector<128x128xf32> to vector<128x1x128xf32>
    %broadcast_in_dim3A_53 = vector.shape_cast %get3A_47 : vector<128x128xf32> to vector<1x128x128xf32>
    %sub3A_54 = vector.broadcast %broadcast_in_dim3A_52 : vector<128x1x128xf32> to vector<128x128x128xf32>
    %sub3A_55 = vector.broadcast %broadcast_in_dim3A_53 : vector<1x128x128xf32> to vector<128x128x128xf32>
    %sub3A_56 = arith.subf %sub3A_54, %sub3A_55 : vector<128x128x128xf32>
    %mul3A_57 = arith.mulf %sub3A_56, %sub3A_56 : vector<128x128x128xf32>
    %reduce_sum3A_58 = arith.constant dense<0.000000e+00> : vector<128x128xf32>
    %reduce_sum3A_59 = vector.multi_reduction <add>, %mul3A_57, %reduce_sum3A_58 [2] : vector<128x128x128xf32> to vector<128x128xf32>
    %mul3A_60 = arith.constant 1.000000e+00 : f32
    %mul3A_61 = vector.broadcast %mul3A_60 : f32 to vector<128x1xf32>
    %mul3A_62 = arith.mulf %mul3A_61, %broadcast_in_dim3A_51 : vector<128x1xf32>
    %add3A_63 = arith.constant 1.000000e+00 : f32
    %add3A_64 = vector.broadcast %add3A_63 : f32 to vector<128x1xf32>
    %add3A_65 = arith.addf %add3A_64, %mul3A_62 : vector<128x1xf32>
    %add3A_66 = arith.constant 1.000000e-10 : f32
    %add3A_67 = vector.broadcast %add3A_66 : f32 to vector<128x128xf32>
    %add3A_68 = arith.addf %reduce_sum3A_59, %add3A_67 : vector<128x128xf32>
    %div3A_69 = vector.broadcast %add3A_65 : vector<128x1xf32> to vector<128x128xf32>
    %div3A_70 = arith.divf %div3A_69, %add3A_68 : vector<128x128xf32>
    %add3A_71 = arith.constant 1.000000e-10 : f32
    %add3A_72 = vector.broadcast %add3A_71 : f32 to vector<128x128xf32>
    %add3A_73 = arith.addf %div3A_70, %add3A_72 : vector<128x128xf32>
    %log3A_74 = math.log %add3A_73 : vector<128x128xf32>
    %mul3A_75 = arith.constant 1.270000e+02 : f32
    %mul3A_76 = vector.broadcast %mul3A_75 : f32 to vector<128x128xf32>
    %mul3A_77 = arith.mulf %mul3A_76, %log3A_74 : vector<128x128xf32>
    %div3A_78 = arith.constant 2.000000e+00 : f32
    %div3A_79 = vector.broadcast %div3A_78 : f32 to vector<128x128xf32>
    %div3A_80 = arith.divf %mul3A_77, %div3A_79 : vector<128x128xf32>
    %exp3A_81 = math.exp %div3A_80 : vector<128x128xf32>
    %get3A_82 = arith.constant 0 : index
    %get3A_83 = arith.constant 0 : index
    %get3A_84 = vector.load %arg7[%get3A_82, %get3A_83] : memref<128x128xf32, #tpu.memory_space<vmem>>, vector<128x128xf32>
    %mul3A_85 = arith.mulf %get3A_84, %log3A_74 : vector<128x128xf32>
    %get3A_86 = arith.constant 0 : index
    %get3A_87 = arith.constant 0 : index
    %get3A_88 = vector.load %arg6[%get3A_86, %get3A_87] : memref<128x128xf32, #tpu.memory_space<vmem>>, vector<128x128xf32>
    %add3A_89 = arith.addf %mul3A_85, %get3A_88 : vector<128x128xf32>
    %cos3A_90 = math.cos %add3A_89 : vector<128x128xf32>
    %mul3A_91 = arith.mulf %exp3A_81, %cos3A_90 : vector<128x128xf32>
    %swap3A_92 = arith.constant 0 : index
    %swap3A_93 = arith.constant 0 : index
    %swap3A_94 = vector.load %arg9[%swap3A_92, %swap3A_93] : memref<128x128xf32, #tpu.memory_space<vmem>>, vector<128x128xf32>
    tpu.vector_store %arg9[%swap3A_92, %swap3A_93], %mul3A_91 {strides = array<i32>} : memref<128x128xf32, #tpu.memory_space<vmem>>, vector<128x128xf32>,
    return
  }
}

module attributes {stable_mosaic.version = 14 : i64} {
  func.func @body(%arg0: i32, %arg1: memref<1000x128xf32, #tpu.memory_space<vmem>>, %arg2: memref<128x128xf32, #tpu.memory_space<vmem>>, %arg3: memref<128x128xf32, #tpu.memory_space<vmem>>, %arg4: memref<2x1000x128xf32, #tpu.memory_space<vmem>>, %arg5: memref<1x128xf32, #tpu.memory_space<vmem>>, %arg6: memref<1000x128xf32, #tpu.memory_space<vmem>>, %arg7: memref<1000x128xf32, #tpu.memory_space<vmem>>) attributes {dimension_semantics = [#tpu.dimension_semantics<arbitrary>], iteration_bounds = array<i64: 10>, scalar_prefetch = 0 : i64, scratch_operands = 0 : i64, tpu.core_type = #tpu.core_type<tc>, window_params = [{transform_indices = @transform_0, window_bounds = array<i64: 1000, 128>}, {pipeline_mode = #tpu.pipeline_mode<synchronous>, transform_indices = @transform_1, window_bounds = array<i64: 128, 128>}, {pipeline_mode = #tpu.pipeline_mode<synchronous>, transform_indices = @transform_2, window_bounds = array<i64: 128, 128>}, {transform_indices = @transform_3, window_bounds = array<i64: 2, 1000, 128>}, {pipeline_mode = #tpu.pipeline_mode<synchronous>, transform_indices = @transform_4, window_bounds = array<i64: 1, 128>}, {transform_indices = @transform_5, window_bounds = array<i64: 1000, 128>}, {transform_indices = @transform_6, window_bounds = array<i64: 1000, 128>}]} {
    %get3A = arith.constant 0 : index
    %get3A_0 = arith.constant 0 : index
    %get3A_1 = arith.constant 0 : index
    %get3A_2 = vector.load %arg4[%get3A, %get3A_0, %get3A_1] : memref<2x1000x128xf32, #tpu.memory_space<vmem>>, vector<1x1000x1xf32>
    %get3A_3 = vector.shape_cast %get3A_2 : vector<1x1000x1xf32> to vector<1000x1xf32>
    %get3A_4 = arith.constant 1 : index
    %get3A_5 = arith.constant 0 : index
    %get3A_6 = arith.constant 0 : index
    %get3A_7 = vector.load %arg4[%get3A_4, %get3A_5, %get3A_6] : memref<2x1000x128xf32, #tpu.memory_space<vmem>>, vector<1x1000x1xf32>
    %get3A_8 = vector.shape_cast %get3A_7 : vector<1x1000x1xf32> to vector<1000x1xf32>
    %add3A = arith.addf %get3A_3, %get3A_8 : vector<1000x1xf32>
    %add3A_9 = arith.constant 1.000000e+00 : f32
    %add3A_10 = vector.broadcast %add3A_9 : f32 to vector<1000x1xf32>
    %add3A_11 = arith.addf %add3A, %add3A_10 : vector<1000x1xf32>
    %rsqrt3A = math.rsqrt %add3A_11 : vector<1000x1xf32>
    %get3A_12 = arith.constant 0 : index
    %get3A_13 = arith.constant 0 : index
    %get3A_14 = vector.load %arg1[%get3A_12, %get3A_13] : memref<1000x128xf32, #tpu.memory_space<vmem>>, vector<1000x128xf32>
    %get3A_15 = arith.constant 0 : index
    %get3A_16 = arith.constant 0 : index
    %get3A_17 = vector.load %arg2[%get3A_15, %get3A_16] : memref<128x128xf32, #tpu.memory_space<vmem>>, vector<128x128xf32>
    %dot_general3A = arith.constant dense<0.000000e+00> : vector<1000x128xf32>
    %dot_general3A_18 = tpu.matmul %get3A_14, %get3A_17, %dot_general3A {dimension_numbers = #tpu.dot_dimension_numbers<[1], [0], [0], [1], [0, 0, 1, 1], [], []>, transpose_lhs_hint = false} : vector<1000x128xf32>, vector<128x128xf32>, vector<1000x128xf32> -> vector<1000x128xf32>
    %get3A_19 = arith.constant 0 : index
    %get3A_20 = arith.constant 0 : index
    %get3A_21 = vector.load %arg3[%get3A_19, %get3A_20] : memref<128x128xf32, #tpu.memory_space<vmem>>, vector<128x128xf32>
    %dot_general3A_22 = arith.constant dense<0.000000e+00> : vector<1000x128xf32>
    %dot_general3A_23 = tpu.matmul %get3A_14, %get3A_21, %dot_general3A_22 {dimension_numbers = #tpu.dot_dimension_numbers<[1], [0], [0], [1], [0, 0, 1, 1], [], []>, transpose_lhs_hint = false} : vector<1000x128xf32>, vector<128x128xf32>, vector<1000x128xf32> -> vector<1000x128xf32>
    %mul3A = vector.broadcast %rsqrt3A : vector<1000x1xf32> to vector<1000x128xf32>
    %mul3A_24 = arith.mulf %dot_general3A_18, %mul3A : vector<1000x128xf32>
    %swap3A = arith.constant 0 : index
    %swap3A_25 = arith.constant 0 : index
    %swap3A_26 = vector.load %arg6[%swap3A, %swap3A_25] : memref<1000x128xf32, #tpu.memory_space<vmem>>, vector<1000x128xf32>
    tpu.vector_store %arg6[%swap3A, %swap3A_25], %mul3A_24 {strides = array<i32>} : memref<1000x128xf32, #tpu.memory_space<vmem>>, vector<1000x128xf32>,
    %div3A = vector.broadcast %add3A_11 : vector<1000x1xf32> to vector<1000x128xf32>
    %div3A_27 = arith.divf %dot_general3A_18, %div3A : vector<1000x128xf32>
    %add3A_28 = arith.addf %div3A_27, %dot_general3A_23 : vector<1000x128xf32>
    %get3A_29 = arith.constant 0 : index
    %get3A_30 = arith.constant 0 : index
    %get3A_31 = vector.load %arg5[%get3A_29, %get3A_30] : memref<1x128xf32, #tpu.memory_space<vmem>>, vector<1x128xf32>
    %add3A_32 = vector.broadcast %get3A_31 : vector<1x128xf32> to vector<1000x128xf32>
    %add3A_33 = arith.addf %add3A_28, %add3A_32 : vector<1000x128xf32>
    %swap3A_34 = arith.constant 0 : index
    %swap3A_35 = arith.constant 0 : index
    %swap3A_36 = vector.load %arg7[%swap3A_34, %swap3A_35] : memref<1000x128xf32, #tpu.memory_space<vmem>>, vector<1000x128xf32>
    tpu.vector_store %arg7[%swap3A_34, %swap3A_35], %add3A_33 {strides = array<i32>} : memref<1000x128xf32, #tpu.memory_space<vmem>>, vector<1000x128xf32>,
    return
  }
  func.func @transform_0(%arg0: i32) -> (i32, i32) {
    %c0_i32 = arith.constant 0 : i32
    %c0_i32_0 = arith.constant 0 : i32
    return %arg0, %c0_i32 : i32, i32
  }
  func.func @transform_1(%arg0: i32) -> (i32, i32) {
    %c0_i32 = arith.constant 0 : i32
    %c0_i32_0 = arith.constant 0 : i32
    %c0_i32_1 = arith.constant 0 : i32
    return %c0_i32, %c0_i32_0 : i32, i32
  }
  func.func @transform_2(%arg0: i32) -> (i32, i32) {
    %c0_i32 = arith.constant 0 : i32
    %c0_i32_0 = arith.constant 0 : i32
    %c0_i32_1 = arith.constant 0 : i32
    return %c0_i32, %c0_i32_0 : i32, i32
  }
  func.func @transform_3(%arg0: i32) -> (i32, i32, i32) {
    %c0_i32 = arith.constant 0 : i32
    %c0_i32_0 = arith.constant 0 : i32
    %c0_i32_1 = arith.constant 0 : i32
    return %c0_i32, %arg0, %c0_i32_0 : i32, i32, i32
  }
  func.func @transform_4(%arg0: i32) -> (i32, i32) {
    %c0_i32 = arith.constant 0 : i32
    %c0_i32_0 = arith.constant 0 : i32
    %c0_i32_1 = arith.constant 0 : i32
    return %c0_i32, %c0_i32_0 : i32, i32
  }
  func.func @transform_5(%arg0: i32) -> (i32, i32) {
    %c0_i32 = arith.constant 0 : i32
    %c0_i32_0 = arith.constant 0 : i32
    return %arg0, %c0_i32 : i32, i32
  }
  func.func @transform_6(%arg0: i32) -> (i32, i32) {
    %c0_i32 = arith.constant 0 : i32
    %c0_i32_0 = arith.constant 0 : i32
    return %arg0, %c0_i32 : i32, i32
  }
}

module attributes {stable_mosaic.version = 14 : i64} {
  func.func @body(%arg0: i32, %arg1: memref<2x1000x128xf32, #tpu.memory_space<vmem>>, %arg2: memref<2x1000x128xf32, #tpu.memory_space<vmem>>, %arg3: memref<1000x128xf32, #tpu.memory_space<vmem>>, %arg4: memref<1x128xf32, #tpu.memory_space<vmem>>, %arg5: memref<1x128xf32, #tpu.memory_space<vmem>>, %arg6: memref<128x128xf32, #tpu.memory_space<vmem>>, %arg7: memref<128x128xf32, #tpu.memory_space<vmem>>, %arg8: memref<1x128xf32, #tpu.memory_space<vmem>>, %arg9: memref<1000x128xf32, #tpu.memory_space<vmem>>, %arg10: memref<1000x128xf32, #tpu.memory_space<vmem>>) attributes {dimension_semantics = [#tpu.dimension_semantics<arbitrary>], iteration_bounds = array<i64: 10>, scalar_prefetch = 0 : i64, scratch_operands = 0 : i64, tpu.core_type = #tpu.core_type<tc>, window_params = [{transform_indices = @transform_0, window_bounds = array<i64: 2, 1000, 128>}, {transform_indices = @transform_1, window_bounds = array<i64: 2, 1000, 128>}, {transform_indices = @transform_2, window_bounds = array<i64: 1000, 128>}, {pipeline_mode = #tpu.pipeline_mode<synchronous>, transform_indices = @transform_3, window_bounds = array<i64: 1, 128>}, {pipeline_mode = #tpu.pipeline_mode<synchronous>, transform_indices = @transform_4, window_bounds = array<i64: 1, 128>}, {pipeline_mode = #tpu.pipeline_mode<synchronous>, transform_indices = @transform_5, window_bounds = array<i64: 128, 128>}, {pipeline_mode = #tpu.pipeline_mode<synchronous>, transform_indices = @transform_6, window_bounds = array<i64: 128, 128>}, {pipeline_mode = #tpu.pipeline_mode<synchronous>, transform_indices = @transform_7, window_bounds = array<i64: 1, 128>}, {transform_indices = @transform_8, window_bounds = array<i64: 1000, 128>}, {transform_indices = @transform_9, window_bounds = array<i64: 1000, 128>}]} {
    %get3A = arith.constant 0 : index
    %get3A_0 = arith.constant 0 : index
    %get3A_1 = arith.constant 0 : index
    %get3A_2 = vector.load %arg2[%get3A, %get3A_0, %get3A_1] : memref<2x1000x128xf32, #tpu.memory_space<vmem>>, vector<1x1000x1xf32>
    %get3A_3 = vector.shape_cast %get3A_2 : vector<1x1000x1xf32> to vector<1000x1xf32>
    %get3A_4 = arith.constant 1 : index
    %get3A_5 = arith.constant 0 : index
    %get3A_6 = arith.constant 0 : index
    %get3A_7 = vector.load %arg2[%get3A_4, %get3A_5, %get3A_6] : memref<2x1000x128xf32, #tpu.memory_space<vmem>>, vector<1x1000x1xf32>
    %get3A_8 = vector.shape_cast %get3A_7 : vector<1x1000x1xf32> to vector<1000x1xf32>
    %add3A = arith.addf %get3A_3, %get3A_8 : vector<1000x1xf32>
    %add3A_9 = arith.constant 1.000000e+00 : f32
    %add3A_10 = vector.broadcast %add3A_9 : f32 to vector<1000x1xf32>
    %add3A_11 = arith.addf %add3A, %add3A_10 : vector<1000x1xf32>
    %rsqrt3A = math.rsqrt %add3A_11 : vector<1000x1xf32>
    %get3A_12 = arith.constant 0 : index
    %get3A_13 = arith.constant 0 : index
    %get3A_14 = arith.constant 0 : index
    %get3A_15 = vector.load %arg1[%get3A_12, %get3A_13, %get3A_14] : memref<2x1000x128xf32, #tpu.memory_space<vmem>>, vector<1x1000x128xf32>
    %get3A_16 = vector.shape_cast %get3A_15 : vector<1x1000x128xf32> to vector<1000x128xf32>
    %get3A_17 = arith.constant 1 : index
    %get3A_18 = arith.constant 0 : index
    %get3A_19 = arith.constant 0 : index
    %get3A_20 = vector.load %arg1[%get3A_17, %get3A_18, %get3A_19] : memref<2x1000x128xf32, #tpu.memory_space<vmem>>, vector<1x1000x128xf32>
    %get3A_21 = vector.shape_cast %get3A_20 : vector<1x1000x128xf32> to vector<1000x128xf32>
    %add3A_22 = arith.addf %get3A_16, %get3A_21 : vector<1000x128xf32>
    %mul3A = vector.broadcast %rsqrt3A : vector<1000x1xf32> to vector<1000x128xf32>
    %mul3A_23 = arith.mulf %add3A_22, %mul3A : vector<1000x128xf32>
    %get3A_24 = arith.constant 0 : index
    %get3A_25 = arith.constant 0 : index
    %get3A_26 = vector.load %arg3[%get3A_24, %get3A_25] : memref<1000x128xf32, #tpu.memory_space<vmem>>, vector<1000x128xf32>
    %add3A_27 = arith.addf %mul3A_23, %get3A_26 : vector<1000x128xf32>
    %get3A_28 = arith.constant 0 : index
    %get3A_29 = arith.constant 0 : index
    %get3A_30 = vector.load %arg4[%get3A_28, %get3A_29] : memref<1x128xf32, #tpu.memory_space<vmem>>, vector<1x128xf32>
    %get3A_31 = arith.constant 0 : index
    %get3A_32 = arith.constant 0 : index
    %get3A_33 = vector.load %arg5[%get3A_31, %get3A_32] : memref<1x128xf32, #tpu.memory_space<vmem>>, vector<1x128xf32>
    %reduce_sum3A = arith.constant dense<0.000000e+00> : vector<1000xf32>
    %reduce_sum3A_34 = vector.multi_reduction <add>, %add3A_27, %reduce_sum3A [1] : vector<1000x128xf32> to vector<1000xf32>
    %broadcast_in_dim3A = vector.shape_cast %reduce_sum3A_34 : vector<1000xf32> to vector<1000x1xf32>
    %div3A = arith.constant 1.280000e+02 : f32
    %div3A_35 = vector.broadcast %div3A : f32 to vector<1000x1xf32>
    %div3A_36 = arith.divf %broadcast_in_dim3A, %div3A_35 : vector<1000x1xf32>
    %sub3A = vector.broadcast %div3A_36 : vector<1000x1xf32> to vector<1000x128xf32>
    %sub3A_37 = arith.subf %add3A_27, %sub3A : vector<1000x128xf32>
    %integer_pow3A = arith.mulf %sub3A_37, %sub3A_37 : vector<1000x128xf32>
    %reduce_sum3A_38 = arith.constant dense<0.000000e+00> : vector<1000xf32>
    %reduce_sum3A_39 = vector.multi_reduction <add>, %integer_pow3A, %reduce_sum3A_38 [1] : vector<1000x128xf32> to vector<1000xf32>
    %broadcast_in_dim3A_40 = vector.shape_cast %reduce_sum3A_39 : vector<1000xf32> to vector<1000x1xf32>
    %div3A_41 = arith.constant 1.280000e+02 : f32
    %div3A_42 = vector.broadcast %div3A_41 : f32 to vector<1000x1xf32>
    %div3A_43 = arith.divf %broadcast_in_dim3A_40, %div3A_42 : vector<1000x1xf32>
    %sub3A_44 = vector.broadcast %div3A_36 : vector<1000x1xf32> to vector<1000x128xf32>
    %sub3A_45 = arith.subf %add3A_27, %sub3A_44 : vector<1000x128xf32>
    %add3A_46 = arith.constant 9.99999974E-6 : f32
    %add3A_47 = vector.broadcast %add3A_46 : f32 to vector<1000x1xf32>
    %add3A_48 = arith.addf %div3A_43, %add3A_47 : vector<1000x1xf32>
    %rsqrt3A_49 = math.rsqrt %add3A_48 : vector<1000x1xf32>
    %mul3A_50 = vector.broadcast %rsqrt3A_49 : vector<1000x1xf32> to vector<1000x128xf32>
    %mul3A_51 = arith.mulf %sub3A_45, %mul3A_50 : vector<1000x128xf32>
    %mul3A_52 = vector.broadcast %get3A_30 : vector<1x128xf32> to vector<1000x128xf32>
    %mul3A_53 = arith.mulf %mul3A_51, %mul3A_52 : vector<1000x128xf32>
    %add3A_54 = vector.broadcast %get3A_33 : vector<1x128xf32> to vector<1000x128xf32>
    %add3A_55 = arith.addf %mul3A_53, %add3A_54 : vector<1000x128xf32>
    %max3A = arith.constant 0.000000e+00 : f32
    %max3A_56 = vector.broadcast %max3A : f32 to vector<1000x128xf32>
    %max3A_57 = arith.maximumf %add3A_55, %max3A_56 : vector<1000x128xf32>
    %get3A_58 = arith.constant 0 : index
    %get3A_59 = arith.constant 0 : index
    %get3A_60 = vector.load %arg6[%get3A_58, %get3A_59] : memref<128x128xf32, #tpu.memory_space<vmem>>, vector<128x128xf32>
    %dot_general3A = arith.constant dense<0.000000e+00> : vector<1000x128xf32>
    %dot_general3A_61 = tpu.matmul %max3A_57, %get3A_60, %dot_general3A {dimension_numbers = #tpu.dot_dimension_numbers<[1], [0], [0], [1], [0, 0, 1, 1], [], []>, transpose_lhs_hint = false} : vector<1000x128xf32>, vector<128x128xf32>, vector<1000x128xf32> -> vector<1000x128xf32>
    %get3A_62 = arith.constant 0 : index
    %get3A_63 = arith.constant 0 : index
    %get3A_64 = vector.load %arg7[%get3A_62, %get3A_63] : memref<128x128xf32, #tpu.memory_space<vmem>>, vector<128x128xf32>
    %dot_general3A_65 = arith.constant dense<0.000000e+00> : vector<1000x128xf32>
    %dot_general3A_66 = tpu.matmul %max3A_57, %get3A_64, %dot_general3A_65 {dimension_numbers = #tpu.dot_dimension_numbers<[1], [0], [0], [1], [0, 0, 1, 1], [], []>, transpose_lhs_hint = false} : vector<1000x128xf32>, vector<128x128xf32>, vector<1000x128xf32> -> vector<1000x128xf32>
    %mul3A_67 = vector.broadcast %rsqrt3A : vector<1000x1xf32> to vector<1000x128xf32>
    %mul3A_68 = arith.mulf %dot_general3A_61, %mul3A_67 : vector<1000x128xf32>
    %swap3A = arith.constant 0 : index
    %swap3A_69 = arith.constant 0 : index
    %swap3A_70 = vector.load %arg9[%swap3A, %swap3A_69] : memref<1000x128xf32, #tpu.memory_space<vmem>>, vector<1000x128xf32>
    tpu.vector_store %arg9[%swap3A, %swap3A_69], %mul3A_68 {strides = array<i32>} : memref<1000x128xf32, #tpu.memory_space<vmem>>, vector<1000x128xf32>,
    %div3A_71 = vector.broadcast %add3A_11 : vector<1000x1xf32> to vector<1000x128xf32>
    %div3A_72 = arith.divf %dot_general3A_61, %div3A_71 : vector<1000x128xf32>
    %add3A_73 = arith.addf %div3A_72, %dot_general3A_66 : vector<1000x128xf32>
    %get3A_74 = arith.constant 0 : index
    %get3A_75 = arith.constant 0 : index
    %get3A_76 = vector.load %arg8[%get3A_74, %get3A_75] : memref<1x128xf32, #tpu.memory_space<vmem>>, vector<1x128xf32>
    %add3A_77 = vector.broadcast %get3A_76 : vector<1x128xf32> to vector<1000x128xf32>
    %add3A_78 = arith.addf %add3A_73, %add3A_77 : vector<1000x128xf32>
    %swap3A_79 = arith.constant 0 : index
    %swap3A_80 = arith.constant 0 : index
    %swap3A_81 = vector.load %arg10[%swap3A_79, %swap3A_80] : memref<1000x128xf32, #tpu.memory_space<vmem>>, vector<1000x128xf32>
    tpu.vector_store %arg10[%swap3A_79, %swap3A_80], %add3A_78 {strides = array<i32>} : memref<1000x128xf32, #tpu.memory_space<vmem>>, vector<1000x128xf32>,
    return
  }
  func.func @transform_0(%arg0: i32) -> (i32, i32, i32) {
    %c0_i32 = arith.constant 0 : i32
    %c0_i32_0 = arith.constant 0 : i32
    %c0_i32_1 = arith.constant 0 : i32
    return %c0_i32, %arg0, %c0_i32_0 : i32, i32, i32
  }
  func.func @transform_1(%arg0: i32) -> (i32, i32, i32) {
    %c0_i32 = arith.constant 0 : i32
    %c0_i32_0 = arith.constant 0 : i32
    %c0_i32_1 = arith.constant 0 : i32
    return %c0_i32, %arg0, %c0_i32_0 : i32, i32, i32
  }
  func.func @transform_2(%arg0: i32) -> (i32, i32) {
    %c0_i32 = arith.constant 0 : i32
    %c0_i32_0 = arith.constant 0 : i32
    return %arg0, %c0_i32 : i32, i32
  }
  func.func @transform_3(%arg0: i32) -> (i32, i32) {
    %c0_i32 = arith.constant 0 : i32
    %c0_i32_0 = arith.constant 0 : i32
    %c0_i32_1 = arith.constant 0 : i32
    return %c0_i32, %c0_i32_0 : i32, i32
  }
  func.func @transform_4(%arg0: i32) -> (i32, i32) {
    %c0_i32 = arith.constant 0 : i32
    %c0_i32_0 = arith.constant 0 : i32
    %c0_i32_1 = arith.constant 0 : i32
    return %c0_i32, %c0_i32_0 : i32, i32
  }
  func.func @transform_5(%arg0: i32) -> (i32, i32) {
    %c0_i32 = arith.constant 0 : i32
    %c0_i32_0 = arith.constant 0 : i32
    %c0_i32_1 = arith.constant 0 : i32
    return %c0_i32, %c0_i32_0 : i32, i32
  }
  func.func @transform_6(%arg0: i32) -> (i32, i32) {
    %c0_i32 = arith.constant 0 : i32
    %c0_i32_0 = arith.constant 0 : i32
    %c0_i32_1 = arith.constant 0 : i32
    return %c0_i32, %c0_i32_0 : i32, i32
  }
  func.func @transform_7(%arg0: i32) -> (i32, i32) {
    %c0_i32 = arith.constant 0 : i32
    %c0_i32_0 = arith.constant 0 : i32
    %c0_i32_1 = arith.constant 0 : i32
    return %c0_i32, %c0_i32_0 : i32, i32
  }
  func.func @transform_8(%arg0: i32) -> (i32, i32) {
    %c0_i32 = arith.constant 0 : i32
    %c0_i32_0 = arith.constant 0 : i32
    return %arg0, %c0_i32 : i32, i32
  }
  func.func @transform_9(%arg0: i32) -> (i32, i32) {
    %c0_i32 = arith.constant 0 : i32
    %c0_i32_0 = arith.constant 0 : i32
    return %arg0, %c0_i32 : i32, i32
  }
}

module attributes {stable_mosaic.version = 14 : i64} {
  func.func @body(%arg0: i32, %arg1: memref<2x1000x128xf32, #tpu.memory_space<vmem>>, %arg2: memref<2x1000x128xf32, #tpu.memory_space<vmem>>, %arg3: memref<1000x128xf32, #tpu.memory_space<vmem>>, %arg4: memref<1x128xf32, #tpu.memory_space<vmem>>, %arg5: memref<1x128xf32, #tpu.memory_space<vmem>>, %arg6: memref<128x128xf32, #tpu.memory_space<vmem>>, %arg7: memref<128x128xf32, #tpu.memory_space<vmem>>, %arg8: memref<384x128xf32, #tpu.memory_space<vmem>>, %arg9: memref<1x128xf32, #tpu.memory_space<vmem>>, %arg10: memref<1x128xf32, #tpu.memory_space<vmem>>, %arg11: memref<1x128xf32, #tpu.memory_space<vmem>>, %arg12: memref<1000x128xf32, #tpu.memory_space<vmem>>) attributes {dimension_semantics = [#tpu.dimension_semantics<arbitrary>], iteration_bounds = array<i64: 10>, scalar_prefetch = 0 : i64, scratch_operands = 0 : i64, tpu.core_type = #tpu.core_type<tc>, window_params = [{transform_indices = @transform_0, window_bounds = array<i64: 2, 1000, 128>}, {transform_indices = @transform_1, window_bounds = array<i64: 2, 1000, 128>}, {transform_indices = @transform_2, window_bounds = array<i64: 1000, 128>}, {pipeline_mode = #tpu.pipeline_mode<synchronous>, transform_indices = @transform_3, window_bounds = array<i64: 1, 128>}, {pipeline_mode = #tpu.pipeline_mode<synchronous>, transform_indices = @transform_4, window_bounds = array<i64: 1, 128>}, {pipeline_mode = #tpu.pipeline_mode<synchronous>, transform_indices = @transform_5, window_bounds = array<i64: 128, 128>}, {pipeline_mode = #tpu.pipeline_mode<synchronous>, transform_indices = @transform_6, window_bounds = array<i64: 128, 128>}, {pipeline_mode = #tpu.pipeline_mode<synchronous>, transform_indices = @transform_7, window_bounds = array<i64: 384, 128>}, {pipeline_mode = #tpu.pipeline_mode<synchronous>, transform_indices = @transform_8, window_bounds = array<i64: 1, 128>}, {pipeline_mode = #tpu.pipeline_mode<synchronous>, transform_indices = @transform_9, window_bounds = array<i64: 1, 128>}, {pipeline_mode = #tpu.pipeline_mode<synchronous>, transform_indices = @transform_10, window_bounds = array<i64: 1, 128>}, {transform_indices = @transform_11, window_bounds = array<i64: 1000, 128>}]} {
    %get3A = arith.constant 0 : index
    %get3A_0 = arith.constant 0 : index
    %get3A_1 = arith.constant 0 : index
    %get3A_2 = vector.load %arg2[%get3A, %get3A_0, %get3A_1] : memref<2x1000x128xf32, #tpu.memory_space<vmem>>, vector<1x1000x1xf32>
    %get3A_3 = vector.shape_cast %get3A_2 : vector<1x1000x1xf32> to vector<1000x1xf32>
    %get3A_4 = arith.constant 1 : index
    %get3A_5 = arith.constant 0 : index
    %get3A_6 = arith.constant 0 : index
    %get3A_7 = vector.load %arg2[%get3A_4, %get3A_5, %get3A_6] : memref<2x1000x128xf32, #tpu.memory_space<vmem>>, vector<1x1000x1xf32>
    %get3A_8 = vector.shape_cast %get3A_7 : vector<1x1000x1xf32> to vector<1000x1xf32>
    %add3A = arith.addf %get3A_3, %get3A_8 : vector<1000x1xf32>
    %add3A_9 = arith.constant 1.000000e+00 : f32
    %add3A_10 = vector.broadcast %add3A_9 : f32 to vector<1000x1xf32>
    %add3A_11 = arith.addf %add3A, %add3A_10 : vector<1000x1xf32>
    %rsqrt3A = math.rsqrt %add3A_11 : vector<1000x1xf32>
    %get3A_12 = arith.constant 0 : index
    %get3A_13 = arith.constant 0 : index
    %get3A_14 = arith.constant 0 : index
    %get3A_15 = vector.load %arg1[%get3A_12, %get3A_13, %get3A_14] : memref<2x1000x128xf32, #tpu.memory_space<vmem>>, vector<1x1000x128xf32>
    %get3A_16 = vector.shape_cast %get3A_15 : vector<1x1000x128xf32> to vector<1000x128xf32>
    %get3A_17 = arith.constant 1 : index
    %get3A_18 = arith.constant 0 : index
    %get3A_19 = arith.constant 0 : index
    %get3A_20 = vector.load %arg1[%get3A_17, %get3A_18, %get3A_19] : memref<2x1000x128xf32, #tpu.memory_space<vmem>>, vector<1x1000x128xf32>
    %get3A_21 = vector.shape_cast %get3A_20 : vector<1x1000x128xf32> to vector<1000x128xf32>
    %add3A_22 = arith.addf %get3A_16, %get3A_21 : vector<1000x128xf32>
    %mul3A = vector.broadcast %rsqrt3A : vector<1000x1xf32> to vector<1000x128xf32>
    %mul3A_23 = arith.mulf %add3A_22, %mul3A : vector<1000x128xf32>
    %get3A_24 = arith.constant 0 : index
    %get3A_25 = arith.constant 0 : index
    %get3A_26 = vector.load %arg3[%get3A_24, %get3A_25] : memref<1000x128xf32, #tpu.memory_space<vmem>>, vector<1000x128xf32>
    %add3A_27 = arith.addf %mul3A_23, %get3A_26 : vector<1000x128xf32>
    %get3A_28 = arith.constant 0 : index
    %get3A_29 = arith.constant 0 : index
    %get3A_30 = vector.load %arg4[%get3A_28, %get3A_29] : memref<1x128xf32, #tpu.memory_space<vmem>>, vector<1x128xf32>
    %get3A_31 = arith.constant 0 : index
    %get3A_32 = arith.constant 0 : index
    %get3A_33 = vector.load %arg5[%get3A_31, %get3A_32] : memref<1x128xf32, #tpu.memory_space<vmem>>, vector<1x128xf32>
    %reduce_sum3A = arith.constant dense<0.000000e+00> : vector<1000xf32>
    %reduce_sum3A_34 = vector.multi_reduction <add>, %add3A_27, %reduce_sum3A [1] : vector<1000x128xf32> to vector<1000xf32>
    %broadcast_in_dim3A = vector.shape_cast %reduce_sum3A_34 : vector<1000xf32> to vector<1000x1xf32>
    %div3A = arith.constant 1.280000e+02 : f32
    %div3A_35 = vector.broadcast %div3A : f32 to vector<1000x1xf32>
    %div3A_36 = arith.divf %broadcast_in_dim3A, %div3A_35 : vector<1000x1xf32>
    %sub3A = vector.broadcast %div3A_36 : vector<1000x1xf32> to vector<1000x128xf32>
    %sub3A_37 = arith.subf %add3A_27, %sub3A : vector<1000x128xf32>
    %integer_pow3A = arith.mulf %sub3A_37, %sub3A_37 : vector<1000x128xf32>
    %reduce_sum3A_38 = arith.constant dense<0.000000e+00> : vector<1000xf32>
    %reduce_sum3A_39 = vector.multi_reduction <add>, %integer_pow3A, %reduce_sum3A_38 [1] : vector<1000x128xf32> to vector<1000xf32>
    %broadcast_in_dim3A_40 = vector.shape_cast %reduce_sum3A_39 : vector<1000xf32> to vector<1000x1xf32>
    %div3A_41 = arith.constant 1.280000e+02 : f32
    %div3A_42 = vector.broadcast %div3A_41 : f32 to vector<1000x1xf32>
    %div3A_43 = arith.divf %broadcast_in_dim3A_40, %div3A_42 : vector<1000x1xf32>
    %sub3A_44 = vector.broadcast %div3A_36 : vector<1000x1xf32> to vector<1000x128xf32>
    %sub3A_45 = arith.subf %add3A_27, %sub3A_44 : vector<1000x128xf32>
    %add3A_46 = arith.constant 9.99999974E-6 : f32
    %add3A_47 = vector.broadcast %add3A_46 : f32 to vector<1000x1xf32>
    %add3A_48 = arith.addf %div3A_43, %add3A_47 : vector<1000x1xf32>
    %rsqrt3A_49 = math.rsqrt %add3A_48 : vector<1000x1xf32>
    %mul3A_50 = vector.broadcast %rsqrt3A_49 : vector<1000x1xf32> to vector<1000x128xf32>
    %mul3A_51 = arith.mulf %sub3A_45, %mul3A_50 : vector<1000x128xf32>
    %mul3A_52 = vector.broadcast %get3A_30 : vector<1x128xf32> to vector<1000x128xf32>
    %mul3A_53 = arith.mulf %mul3A_51, %mul3A_52 : vector<1000x128xf32>
    %add3A_54 = vector.broadcast %get3A_33 : vector<1x128xf32> to vector<1000x128xf32>
    %add3A_55 = arith.addf %mul3A_53, %add3A_54 : vector<1000x128xf32>
    %max3A = arith.constant 0.000000e+00 : f32
    %max3A_56 = vector.broadcast %max3A : f32 to vector<1000x128xf32>
    %max3A_57 = arith.maximumf %add3A_55, %max3A_56 : vector<1000x128xf32>
    %get3A_58 = arith.constant 0 : index
    %get3A_59 = arith.constant 0 : index
    %get3A_60 = vector.load %arg6[%get3A_58, %get3A_59] : memref<128x128xf32, #tpu.memory_space<vmem>>, vector<128x128xf32>
    %dot_general3A = arith.constant dense<0.000000e+00> : vector<1000x128xf32>
    %dot_general3A_61 = tpu.matmul %max3A_57, %get3A_60, %dot_general3A {dimension_numbers = #tpu.dot_dimension_numbers<[1], [0], [0], [1], [0, 0, 1, 1], [], []>, transpose_lhs_hint = false} : vector<1000x128xf32>, vector<128x128xf32>, vector<1000x128xf32> -> vector<1000x128xf32>
    %get3A_62 = arith.constant 0 : index
    %get3A_63 = arith.constant 0 : index
    %get3A_64 = vector.load %arg7[%get3A_62, %get3A_63] : memref<128x128xf32, #tpu.memory_space<vmem>>, vector<128x128xf32>
    %dot_general3A_65 = arith.constant dense<0.000000e+00> : vector<1000x128xf32>
    %dot_general3A_66 = tpu.matmul %max3A_57, %get3A_64, %dot_general3A_65 {dimension_numbers = #tpu.dot_dimension_numbers<[1], [0], [0], [1], [0, 0, 1, 1], [], []>, transpose_lhs_hint = false} : vector<1000x128xf32>, vector<128x128xf32>, vector<1000x128xf32> -> vector<1000x128xf32>
    %get3A_67 = arith.constant 0 : index
    %get3A_68 = arith.constant 0 : index
    %get3A_69 = vector.load %arg8[%get3A_67, %get3A_68] : memref<384x128xf32, #tpu.memory_space<vmem>>, vector<384x128xf32>
    %slice3A = vector.extract_strided_slice %get3A_69 {offsets = [0, 0], sizes = [128, 128], strides = [1, 1]} : vector<384x128xf32> to vector<128x128xf32>
    %dot_general3A_70 = arith.constant dense<0.000000e+00> : vector<1000x128xf32>
    %dot_general3A_71 = tpu.matmul %dot_general3A_61, %slice3A, %dot_general3A_70 {dimension_numbers = #tpu.dot_dimension_numbers<[1], [0], [0], [1], [0, 0, 1, 1], [], []>, transpose_lhs_hint = false} : vector<1000x128xf32>, vector<128x128xf32>, vector<1000x128xf32> -> vector<1000x128xf32>
    %slice3A_72 = vector.extract_strided_slice %get3A_69 {offsets = [128, 0], sizes = [128, 128], strides = [1, 1]} : vector<384x128xf32> to vector<128x128xf32>
    %dot_general3A_73 = arith.constant dense<0.000000e+00> : vector<1000x128xf32>
    %dot_general3A_74 = tpu.matmul %dot_general3A_66, %slice3A_72, %dot_general3A_73 {dimension_numbers = #tpu.dot_dimension_numbers<[1], [0], [0], [1], [0, 0, 1, 1], [], []>, transpose_lhs_hint = false} : vector<1000x128xf32>, vector<128x128xf32>, vector<1000x128xf32> -> vector<1000x128xf32>
    %add3A_75 = arith.addf %dot_general3A_71, %dot_general3A_74 : vector<1000x128xf32>
    %slice3A_76 = vector.extract_strided_slice %get3A_69 {offsets = [256, 0], sizes = [128, 128], strides = [1, 1]} : vector<384x128xf32> to vector<128x128xf32>
    %dot_general3A_77 = arith.constant dense<0.000000e+00> : vector<1000x128xf32>
    %dot_general3A_78 = tpu.matmul %max3A_57, %slice3A_76, %dot_general3A_77 {dimension_numbers = #tpu.dot_dimension_numbers<[1], [0], [0], [1], [0, 0, 1, 1], [], []>, transpose_lhs_hint = false} : vector<1000x128xf32>, vector<128x128xf32>, vector<1000x128xf32> -> vector<1000x128xf32>
    %add3A_79 = arith.addf %add3A_75, %dot_general3A_78 : vector<1000x128xf32>
    %get3A_80 = arith.constant 0 : index
    %get3A_81 = arith.constant 0 : index
    %get3A_82 = vector.load %arg9[%get3A_80, %get3A_81] : memref<1x128xf32, #tpu.memory_space<vmem>>, vector<1x128xf32>
    %add3A_83 = vector.broadcast %get3A_82 : vector<1x128xf32> to vector<1000x128xf32>
    %add3A_84 = arith.addf %add3A_79, %add3A_83 : vector<1000x128xf32>
    %get3A_85 = arith.constant 0 : index
    %get3A_86 = arith.constant 0 : index
    %get3A_87 = vector.load %arg10[%get3A_85, %get3A_86] : memref<1x128xf32, #tpu.memory_space<vmem>>, vector<1x128xf32>
    %get3A_88 = arith.constant 0 : index
    %get3A_89 = arith.constant 0 : index
    %get3A_90 = vector.load %arg11[%get3A_88, %get3A_89] : memref<1x128xf32, #tpu.memory_space<vmem>>, vector<1x128xf32>
    %reduce_sum3A_91 = arith.constant dense<0.000000e+00> : vector<1000xf32>
    %reduce_sum3A_92 = vector.multi_reduction <add>, %add3A_84, %reduce_sum3A_91 [1] : vector<1000x128xf32> to vector<1000xf32>
    %broadcast_in_dim3A_93 = vector.shape_cast %reduce_sum3A_92 : vector<1000xf32> to vector<1000x1xf32>
    %div3A_94 = arith.constant 1.280000e+02 : f32
    %div3A_95 = vector.broadcast %div3A_94 : f32 to vector<1000x1xf32>
    %div3A_96 = arith.divf %broadcast_in_dim3A_93, %div3A_95 : vector<1000x1xf32>
    %sub3A_97 = vector.broadcast %div3A_96 : vector<1000x1xf32> to vector<1000x128xf32>
    %sub3A_98 = arith.subf %add3A_84, %sub3A_97 : vector<1000x128xf32>
    %integer_pow3A_99 = arith.mulf %sub3A_98, %sub3A_98 : vector<1000x128xf32>
    %reduce_sum3A_100 = arith.constant dense<0.000000e+00> : vector<1000xf32>
    %reduce_sum3A_101 = vector.multi_reduction <add>, %integer_pow3A_99, %reduce_sum3A_100 [1] : vector<1000x128xf32> to vector<1000xf32>
    %broadcast_in_dim3A_102 = vector.shape_cast %reduce_sum3A_101 : vector<1000xf32> to vector<1000x1xf32>
    %div3A_103 = arith.constant 1.280000e+02 : f32
    %div3A_104 = vector.broadcast %div3A_103 : f32 to vector<1000x1xf32>
    %div3A_105 = arith.divf %broadcast_in_dim3A_102, %div3A_104 : vector<1000x1xf32>
    %sub3A_106 = vector.broadcast %div3A_96 : vector<1000x1xf32> to vector<1000x128xf32>
    %sub3A_107 = arith.subf %add3A_84, %sub3A_106 : vector<1000x128xf32>
    %add3A_108 = arith.constant 9.99999974E-6 : f32
    %add3A_109 = vector.broadcast %add3A_108 : f32 to vector<1000x1xf32>
    %add3A_110 = arith.addf %div3A_105, %add3A_109 : vector<1000x1xf32>
    %rsqrt3A_111 = math.rsqrt %add3A_110 : vector<1000x1xf32>
    %mul3A_112 = vector.broadcast %rsqrt3A_111 : vector<1000x1xf32> to vector<1000x128xf32>
    %mul3A_113 = arith.mulf %sub3A_107, %mul3A_112 : vector<1000x128xf32>
    %mul3A_114 = vector.broadcast %get3A_87 : vector<1x128xf32> to vector<1000x128xf32>
    %mul3A_115 = arith.mulf %mul3A_113, %mul3A_114 : vector<1000x128xf32>
    %add3A_116 = vector.broadcast %get3A_90 : vector<1x128xf32> to vector<1000x128xf32>
    %add3A_117 = arith.addf %mul3A_115, %add3A_116 : vector<1000x128xf32>
    %swap3A = arith.constant 0 : index
    %swap3A_118 = arith.constant 0 : index
    %swap3A_119 = vector.load %arg12[%swap3A, %swap3A_118] : memref<1000x128xf32, #tpu.memory_space<vmem>>, vector<1000x128xf32>
    tpu.vector_store %arg12[%swap3A, %swap3A_118], %add3A_117 {strides = array<i32>} : memref<1000x128xf32, #tpu.memory_space<vmem>>, vector<1000x128xf32>,
    return
  }
  func.func @transform_0(%arg0: i32) -> (i32, i32, i32) {
    %c0_i32 = arith.constant 0 : i32
    %c0_i32_0 = arith.constant 0 : i32
    %c0_i32_1 = arith.constant 0 : i32
    return %c0_i32, %arg0, %c0_i32_0 : i32, i32, i32
  }
  func.func @transform_1(%arg0: i32) -> (i32, i32, i32) {
    %c0_i32 = arith.constant 0 : i32
    %c0_i32_0 = arith.constant 0 : i32
    %c0_i32_1 = arith.constant 0 : i32
    return %c0_i32, %arg0, %c0_i32_0 : i32, i32, i32
  }
  func.func @transform_2(%arg0: i32) -> (i32, i32) {
    %c0_i32 = arith.constant 0 : i32
    %c0_i32_0 = arith.constant 0 : i32
    return %arg0, %c0_i32 : i32, i32
  }
  func.func @transform_3(%arg0: i32) -> (i32, i32) {
    %c0_i32 = arith.constant 0 : i32
    %c0_i32_0 = arith.constant 0 : i32
    %c0_i32_1 = arith.constant 0 : i32
    return %c0_i32, %c0_i32_0 : i32, i32
  }
  func.func @transform_4(%arg0: i32) -> (i32, i32) {
    %c0_i32 = arith.constant 0 : i32
    %c0_i32_0 = arith.constant 0 : i32
    %c0_i32_1 = arith.constant 0 : i32
    return %c0_i32, %c0_i32_0 : i32, i32
  }
  func.func @transform_5(%arg0: i32) -> (i32, i32) {
    %c0_i32 = arith.constant 0 : i32
    %c0_i32_0 = arith.constant 0 : i32
    %c0_i32_1 = arith.constant 0 : i32
    return %c0_i32, %c0_i32_0 : i32, i32
  }
  func.func @transform_6(%arg0: i32) -> (i32, i32) {
    %c0_i32 = arith.constant 0 : i32
    %c0_i32_0 = arith.constant 0 : i32
    %c0_i32_1 = arith.constant 0 : i32
    return %c0_i32, %c0_i32_0 : i32, i32
  }
  func.func @transform_7(%arg0: i32) -> (i32, i32) {
    %c0_i32 = arith.constant 0 : i32
    %c0_i32_0 = arith.constant 0 : i32
    %c0_i32_1 = arith.constant 0 : i32
    return %c0_i32, %c0_i32_0 : i32, i32
  }
  func.func @transform_8(%arg0: i32) -> (i32, i32) {
    %c0_i32 = arith.constant 0 : i32
    %c0_i32_0 = arith.constant 0 : i32
    %c0_i32_1 = arith.constant 0 : i32
    return %c0_i32, %c0_i32_0 : i32, i32
  }
  func.func @transform_9(%arg0: i32) -> (i32, i32) {
    %c0_i32 = arith.constant 0 : i32
    %c0_i32_0 = arith.constant 0 : i32
    %c0_i32_1 = arith.constant 0 : i32
    return %c0_i32, %c0_i32_0 : i32, i32
  }
  func.func @transform_10(%arg0: i32) -> (i32, i32) {
    %c0_i32 = arith.constant 0 : i32
    %c0_i32_0 = arith.constant 0 : i32
    %c0_i32_1 = arith.constant 0 : i32
    return %c0_i32, %c0_i32_0 : i32, i32
  }
  func.func @transform_11(%arg0: i32) -> (i32, i32) {
    %c0_i32 = arith.constant 0 : i32
    %c0_i32_0 = arith.constant 0 : i32
    return %arg0, %c0_i32 : i32, i32
  }
}

</mosaic_0001>

<sc_bundles>
// kernel: kernel.12.cloned.1.call-start
scs
__scs_entry_jumppad:
0x0: {  	(pc) =	sbr.rel $0x88, $3  }
0x1: {  	(tag) =	ssettag $0x0;
	lr =	simm.s32 $0x1  }
0x2: {  	[smem:$0x3F87] =	sst lr;
	_ =	strace $0xD0000000  }
0x3: {  	_ = 	snop  }
0x4: {  	_ = 	snop  }
0x5: {  	_ = 	snop  }
0x6: {  	_ = 	snop  }
0x7: {  	_ = 	snop  }
__scs_overlays_trampoline_lowered:
0x8: {  	[smem:$0x3F96] =	sst s0  }
0x9: {  	[smem:$0x3F97] =	sst s1  }
0xa: {  	[smem:$0x3F98] =	sst s2  }
0xb: {  	[smem:$0x3F99] =	sst s3  }
0xc: {  	[smem:$0x3F9A] =	sst s4  }
0xd: {  	[smem:$0x3F9B] =	sst s5  }
0xe: {  	[smem:$0x3F9C] =	sst s6  }
0xf: {  	[smem:$0x3F9D] =	sst s7  }
0x10: {  	[smem:$0x3F9E] =	sst s8  }
0x11: {  	[smem:$0x3F9F] =	sst s9;
	s0 =	simm.s32 @!p0 $0x0  }
0x12: {  	s1 =	sld [smem:$0x3F85];
	s0 =	simm.s32 @p0 $0x1  }
0x13: {  	[smem:$0x3FA0] =	sst s0;
	s0 =	simm.s32 @!p1 $0x0  }
0x14: {  	s2 =	sld [smem:$0x3F84];
	s0 =	simm.s32 @p1 $0x1  }
0x15: {  	[smem:$0x3FA1] =	sst s0;
	s0 =	simm.s32 @!p2 $0x0  }
0x16: {  	s3 =	sld [smem:$0x3FDB];
	s0 =	simm.s32 @p2 $0x1  }
0x17: {  	s4 =	simm.s32 $0x1BF5;
	[smem:$0x3FA3] =	sst s0  }
0x18: {  	s0 =	sld [smem:$0x3F86];
	_ =	swait.ge [sflag:s4], $0x0  }
0x19: {  	s7 =	sld [smem:$0x3F87]  }
0x1a: {  	s8 =	sadd.s32 $0xFFFFE003, lr  }
0x1b: {  	s9 =	sadd.s32 $0xFFFFFEF7, lr;
	s5 =	simm.s32 $0xFFFFFFFF;
	p2 =	slt.u32 s8, $0xFFFFF086  }
0x1c: {  	p1 =	slt.u32 s9, $0xF7A;
	s5 =	simm.s32 @!p2 $0x0  }
0x1d: {  	s5 =	simm.s32 @p1 $0x1;
	p0 =	seq.s32 s7, s2  }
0x1e: {  	s7 =	smul.u32 @!p0 $0xF7A, s2;
	p2 =	seq.s32 @!p0 s5, $0x0  }
0x1f: {  	s9 =	smul.u32 $0xF7A, s1;
	s8 =	simm.s32 @!p0 $0x1BF5;
	p2 =	por !p2, p0  }
0x20: {  	[sflag:s8] =	ssyncset.s32 @!p0 $0xFFFFF086;
	s6 =	sadd.s32 @!p0 s3, s7;
	s7 =	simm.s32 @!p0 $0x108  }
0x21: {  	s3 =	sadd.s32 s3, s9;
	s6 =	sadd.s32 @!p0 $0x88, s6;
	s7 =	simm.s32 @p2 $0x1082  }
0x22: {  	[simem:s7], [sflag:s8] =	dma.local @!p0 [hbm:s6], $0xF7A  }
0x23: {  	s9 =	sor.u32 $0xD0000000, s2;
	s6 =	simm.s32 $0x108;
	_ =	swait.ge @!p0 [sflag:s8], $0x0  }
0x24: {  	s3 =	sadd.s32 $0x88, s3;
	s6 =	simm.s32 @!p1 $0x1082;
	[sflag:s4] =	ssyncset.s32 $0xFFFFF086  }
0x25: {  	[simem:s6], [sflag:s4] =	dma.local [hbm:s3], $0xF7A  }
0x26: {  	[smem:$0x3F87] =	sst s1;
	(tag) =	ssettag s2;
	_ =	strace s9  }
0x27: {  	s1 =	sld [smem:$0x3F97]  }
0x28: {  	s2 =	sld [smem:$0x3F98]  }
0x29: {  	s4 =	sld [smem:$0x3F9A]  }
0x2a: {  	p0 =	seq.s32 s5, $0x0;
	s5 =	sld [smem:$0x3F9B]  }
0x2b: {  	s6 =	sld [smem:$0x3F9C]  }
0x2c: {  	s7 =	sld [smem:$0x3F9D]  }
0x2d: {  	s3 =	simm.s32 $0x108;
	s8 =	sld [smem:$0x3F9E]  }
0x2e: {  	s3 =	simm.s32 @!p0 $0x1082;
	s9 =	sld [smem:$0x3F9F]  }
0x2f: {  	lr =	sadd.s32 s0, s3;
	s0 =	sld [smem:$0x3F96]  }
0x30: {  	s3 =	sld [smem:$0x3F99]  }
0x31: {  	[smem:$0x3FA2] =	sst s10  }
0x32: {  	s10 =	sld [smem:$0x3FA0];
	_ =	sdelay $0x3  }
0x33: {  	p0 =	seq.s32 s10, $0x1;
	s10 =	sld [smem:$0x3FA2];
	_ =	sdelay $0x3  }
0x34: {  	[smem:$0x3FA2] =	sst s10  }
0x35: {  	s10 =	sld [smem:$0x3FA1];
	_ =	sdelay $0x3  }
0x36: {  	p1 =	seq.s32 s10, $0x1;
	s10 =	sld [smem:$0x3FA2];
	_ =	sdelay $0x3  }
0x37: {  	[smem:$0x3FA2] =	sst s10  }
0x38: {  	s10 =	sld [smem:$0x3FA3]  }
0x39: {  	_ = 	snop;
	(pc) =	sbr.ind lr, $3  }
0x3a: {  	_ = 	snop  }
0x3b: {  	_ = 	snop  }
0x3c: {  	p2 =	seq.s32 s10, $0x1;
	s10 =	sld [smem:$0x3FA2]  }
0x3d: {  	_ =	shalt  }
0x3e: {  	_ =	shalt  }
0x3f: {  	_ =	shalt  }
0x40: {  	_ =	shalt  }
0x41: {  	_ =	shalt  }
0x42: {  	_ =	shalt  }
0x43: {  	_ =	shalt  }
0x44: {  	_ =	shalt  }
0x45: {  	_ =	shalt  }
0x46: {  	_ =	shalt  }
0x47: {  	_ =	shalt  }
0x48: {  	_ =	shalt  }
0x49: {  	_ =	shalt  }
0x4a: {  	_ =	shalt  }
0x4b: {  	_ =	shalt  }
0x4c: {  	_ =	shalt  }
0x4d: {  	_ =	shalt  }
0x4e: {  	_ =	shalt  }
0x4f: {  	_ =	shalt  }
0x50: {  	_ =	shalt  }
0x51: {  	_ =	shalt  }
0x52: {  	_ =	shalt  }
0x53: {  	_ =	shalt  }
0x54: {  	_ =	shalt  }
0x55: {  	_ =	shalt  }
0x56: {  	_ =	shalt  }
0x57: {  	_ =	shalt  }
0x58: {  	_ =	shalt  }
0x59: {  	_ =	shalt  }
0x5a: {  	_ =	shalt  }
0x5b: {  	_ =	shalt  }
0x5c: {  	_ =	shalt  }
0x5d: {  	_ =	shalt  }
0x5e: {  	_ =	shalt  }
0x5f: {  	_ =	shalt  }
0x60: {  	_ =	shalt  }
0x61: {  	_ =	shalt  }
0x62: {  	_ =	shalt  }
0x63: {  	_ =	shalt  }
0x64: {  	_ =	shalt  }
0x65: {  	_ =	shalt  }
0x66: {  	_ =	shalt  }
0x67: {  	_ =	shalt  }
0x68: {  	_ =	shalt  }
0x69: {  	_ =	shalt  }
0x6a: {  	_ =	shalt  }
0x6b: {  	_ =	shalt  }
0x6c: {  	_ =	shalt  }
0x6d: {  	_ =	shalt  }
0x6e: {  	_ =	shalt  }
0x6f: {  	_ =	shalt  }
0x70: {  	_ =	shalt  }
0x71: {  	_ =	shalt  }
0x72: {  	_ =	shalt  }
0x73: {  	_ =	shalt  }
0x74: {  	_ =	shalt  }
0x75: {  	_ =	shalt  }
0x76: {  	_ =	shalt  }
0x77: {  	_ =	shalt  }
0x78: {  	_ =	shalt  }
0x79: {  	_ =	shalt  }
0x7a: {  	_ =	shalt  }
0x7b: {  	_ =	shalt  }
0x7c: {  	_ =	shalt  }
0x7d: {  	_ =	shalt  }
0x7e: {  	_ =	shalt  }
0x7f: {  	_ =	shalt  }
0x80: {  	_ =	shalt  }
0x81: {  	_ =	shalt  }
0x82: {  	_ =	shalt  }
0x83: {  	_ =	shalt  }
0x84: {  	_ =	shalt  }
0x85: {  	_ =	shalt  }
0x86: {  	_ =	shalt  }
0x87: {  	_ =	shalt  }
.Lfunc_end0:
.L_simem_size_0:
called_computation.1_lowered:
.L_overlay_start_0:
0x88: {  	s2 =	sld [smem:$0x3FD9]  }
0x89: {  	s3 =	sld [smem:$0x3FFE];
	_ =	sdelay $0x1  }
0x8a: {  	s1 =	srdreg.scid  }
0x8b: {  	s0 =	sand.u32 $0x1, s1  }
0x8c: {  	s17 =	sshll.u32 s0, $0xA;
	s2 =	sadd.s32 s3, s2  }
0x8d: {  	s2 =	sadd.s32 s2, s17  }
0x8e: {  	[smem:$0x3FAE] =	sst s2  }
0x8f: {  	_ = 	snop  }
0x90: {  	s2 =	sld [smem:$0x3FD0];
	(tm) =	ssettm $0x1  }
0x91: {  	s18 =	sld [smem:$0x3FFB];
	_ =	sdelay $0x3  }
0x92: {  	_ =	strace s18  }
0x93: {  	s3 =	sld [smem:$0x3FFC];
	_ =	sdelay $0x3  }
0x94: {  	_ =	strace s3  }
0x95: {  	s3 =	sld [smem:$0x3FFD];
	_ =	sdelay $0x3  }
0x96: {  	_ =	strace s3  }
0x97: {  	_ =	strace $0x8FFFFFFF  }
0x98: {  	s19 =	sld [smem:$0x3FDB];
	_ =	sdelay $0x1  }
0x99: {  	s4 =	simm.s32 $_scs_section_size  }
0x9a: {  	s5 =	simm.s32 $_size__tile_overlayer_lowered;
	s6 =	simm.s32 $_tile_overlayer_lowered  }
0x9b: {  	s22 =	simm.s32 $0x1BFF;
	s21 =	sshll.u32 s6, $0x1;
	s3 =	sadd.s32 s4, s19  }
0x9c: {  	s7 =	simm.s32 $0x0;
	s20 =	sshll.u32 s5, $0x1;
	s5 =	sadd.s32 s21, s3  }
0x9d: {  	[timem:s7], [sflag:s22] =	dma.local [hbm:s5], s20  }
0x9e: {  	_ =	swait.ge [sflag:s22], s20  }
0x9f: {  	s4 =	ssub.s32 $0x0, s20;
	[sflag:s22] =	ssyncset.done $0x0  }
0xa0: {  	[sflag:s22] =	ssyncadd.s32 s4;
	_ =	sdelay $0x1  }
0xa1: {  	s23 =	simm.s32 $0x1B8B  }
0xa2: {  	_ =	swait.ge [sflag:s23], $0x1  }
0xa3: {  	[sflag:s23] =	ssyncset.done $0x0  }
0xa4: {  	s25 =	simm.s32 $0x1B8E;
	s24 =	sld [smem:$0x3FFE];
	[sflag:s23] =	ssyncadd.s32 $0xFFFFFFFF  }
0xa5: {  	s26 =	simm.s32 $execute0_lowered;
	[smem:$0x3FD2] =	sst s25  }
0xa6: {  	s5 =	sshll.u32 s26, $0x1;
	_ =	strace $0x80000049;
	[dreg:$0x1] =	wrdreg $0xFFFFFFFF  }
0xa7: {  	s28 =	simm.s32 $_size_execute0_lowered;
	s3 =	sadd.s32 s3, s5;
	[dreg:$0x0] =	wrdreg $0x0  }
0xa8: {  	s5 =	sshll.u32 s28, $0x1;
	[dreg:$0x2] =	wrdreg s3  }
0xa9: {  	[dreg:$0x3] =	wrdreg s5  }
0xaa: {  	[dreg:$0x4] =	wrdreg $0xC0  }
0xab: {  	_ =	task [dreg:s7], $0x5FFFF  }
0xac: {  	[dreg:$0x1] =	wrdreg $0xFFFFFFFF  }
0xad: {  	[dreg:$0x0] =	wrdreg $0x60  }
0xae: {  	[dreg:$0x2] =	wrdreg s2  }
0xaf: {  	[dreg:$0x3] =	wrdreg s24  }
0xb0: {  	[dreg:$0x4] =	wrdreg $0x7A000  }
0xb1: {  	[dreg:$0x5] =	wrdreg $0x9  }
0xb2: {  	_ =	task.clear_ibuf [dreg:s7], $0x6FFFF;
	_ =	strace $0x90000049  }
0xb3: {  	s29 =	simm.s32 $0x9;
	_ =	strace $0x8000004B  }
0xb4: {  	_ =	swait.ge [sflag:s29], $0x1  }
0xb5: {  	[sflag:s29] =	ssyncadd.s32 $0xFFFFFFFF  }
0xb6: {  	_ =	strace $0x9000004B  }
0xb7: {  	_ =	sfence  }
0xb8: {  	s30 =	sld [smem:$0x0];
	_ =	sdelay $0x2  }
0xb9: {  	s31 =	sshll.u32 s1, $0xD;
	s1 =	sshrl.u32 s1, $0x2  }
0xba: {  	s3 =	sand.u32 $0x4000, s31;
	s1 =	sadd.s32 s1, s30  }
0xbb: {  	s0 =	sor.u32 s3, s0;
	s1 =	sshll.u32 s1, $0x11  }
0xbc: {  	s0 =	sor.u32 s1, s0  }
0xbd: {  	s0 =	sadd.s32 $0x8F2B, s0  }
0xbe: {  	[sflag:s0] =	ssyncadd.remote.s32 $0x1  }
0xbf: {  	_ =	sfence.sel $0xFFFF  }
0xc0: {  	[dreg:$0x0] =	wrdreg $0xFFFFFFFF;
	(pc) =	sbr.abs _section_cstart, $3  }
0xc1: {  	[dreg:$0x1] =	wrdreg $0xFFFFFFFF  }
0xc2: {  	_ =	task.clear_ibuf [dreg:s7], $0x2FFFF;
	_ =	strace $0x9FFFFFFF  }
0xc3: {  	(tm) =	ssettm $0x7FFFFFFF  }
tec
execute0_lowered:
.L_overlay_start_1:
0x0: {  	(tag) =	ssettag $0x1  }
0x1: {  	s1 =	rddreg [dreg:$0x0]  }
0x2: {  	s0 =	rddreg [dreg:$0x1]  }
0x3: {  	s4 =	srdreg.scid;
	s26 =	stileid.u32  }
0x4: {  	s2 =	rddreg [dreg:$0x2];
	s4 =	sand.u32 $0x1, s4;
	s8 =	smul.u32 $0x2800, s26  }
0x5: {  	s3 =	simm.s32 $0x0;
	s9 =	sor.u32 $0x10, s26;
	s6 =	smul.u32 $0x138800, s4  }
0x6: {  	s31 =	simm.s32 $0x5200;
	s11 =	sor.u32 $0x20, s26;
	s12 =	smul.u32 $0x2800, s9  }
0x7: {  	[smem:$0x7FF] =	sst s3;
	s16 =	sor.u32 $0x40, s26;
	s13 =	smul.u32 $0x2800, s11  }
0x8: {  	s5 =	sadd.s32 $0x66600, s0;
	s17 =	sor.u32 $0x50, s26;
	s18 =	smul.u32 $0x2800, s16  }
0x9: {  	s20 =	sor.u32 $0x60, s26;
	p0 =	sgt.u32 s26, $0xC;
	s21 =	smul.u32 $0x2800, s17  }
0xa: {  	s7 =	ssub.s32 $0x2, s4;
	s14 =	sshll.u32 s4, $0x4;
	s23 =	smul.u32 $0x2800, s20  }
0xb: {  	s4 =	smul.u32 $0x27100, s4;
	s10 =	sshrl.u32 s7, $0x1;
	s14 =	sor.u32 s26, s14  }
0xc: {  	s19 =	sadd.s32 $0x118000, s8;
	s7 =	ssub.s32 s7, s10;
	s10 =	sor.u32 $0x30, s26  }
0xd: {  	s22 =	sadd.s32 s6, s19;
	s8 =	sadd.s32 s6, s8;
	s12 =	sadd.s32 s6, s12  }
0xe: {  	s13 =	sadd.s32 s6, s13;
	s18 =	sadd.s32 s6, s18;
	s21 =	sadd.s32 s6, s21  }
0xf: {  	s15 =	smul.u32 $0x2800, s10;
	s22 =	sshrl.u32 s22, $0x3;
	s8 =	sshrl.u32 s8, $0x3  }
0x10: {  	s24 =	sshrl.u32 s13, $0x3;
	s13 =	sshrl.u32 s18, $0x3;
	s18 =	smul.u32 $0x2710, s26  }
0x11: {  	s7 =	smax.u32 s7, $0x1;
	s22 =	sadd.s32 s5, s22;
	s8 =	sadd.s32 s5, s8  }
0x12: {  	s15 =	sadd.s32 s6, s15;
	s6 =	sadd.s32 s6, s23;
	[dreg:$0x4] =	wrdreg s22  }
0x13: {  	s23 =	smul.u32 $0xA000, s26;
	[dreg:$0x5] =	wrdreg s8;
	s22 =	sshrl.u32 s12, $0x3  }
0x14: {  	s25 =	sshrl.u32 s15, $0x3;
	s15 =	sshrl.u32 s21, $0x3;
	s21 =	smul.u32 $0x2710, s14  }
0x15: {  	s8 =	sadd.s32 s5, s22;
	s22 =	sshrl.u32 s23, $0x2;
	s23 =	smul.u32 $0xA000, s9  }
0x16: {  	[dreg:$0x6] =	wrdreg s8;
	s8 =	sadd.s32 s5, s24;
	s24 =	smul.u32 $0xA000, s11  }
0x17: {  	s4 =	sadd.s32 s18, s4;
	s6 =	sshrl.u32 s6, $0x3;
	s9 =	smul.u32 $0xA000, s10  }
0x18: {  	s12 =	sadd.s32 s5, s25;
	s10 =	smul.u32 $0xA000, s16;
	[dreg:$0x7] =	wrdreg s8  }
0x19: {  	s14 =	sadd.s32 $0xE600, s0;
	s11 =	smul.u32 $0xA000, s17;
	[dreg:$0x8] =	wrdreg s12  }
0x1a: {  	s8 =	sadd.s32 s5, s13;
	s13 =	sadd.s32 $0x4800, s0;
	s29 =	sadd.s32 s22, s2  }
0x1b: {  	s12 =	smul.u32 $0xA000, s20;
	s20 =	sadd.s32 $0x50, s4;
	[dreg:$0x9] =	wrdreg s8  }
0x1c: {  	s8 =	sadd.s32 s5, s15;
	s5 =	sadd.s32 s5, s6;
	s6 =	sshrl.u32 s23, $0x2  }
0x1d: {  	s0 =	sshrl.u32 s24, $0x2;
	s17 =	sshrl.u32 s11, $0x2;
	[dreg:$0xa] =	wrdreg s8  }
0x1e: {  	s22 =	sadd.s32 $0x118000, s29;
	s11 =	simm.s32 $0x1;
	[dreg:$0xb] =	wrdreg s5  }
0x1f: {  	s5 =	sshrl.u32 s21, $0x3;
	s8 =	sshrl.u32 s9, $0x2;
	s30 =	sadd.s32 s0, s2  }
0x20: {  	s18 =	sshrl.u32 s12, $0x2;
	s23 =	sadd.s32 s17, s2;
	s21 =	sshrl.u32 s20, $0x3  }
0x21: {  	s9 =	simm.s32 $0x180;
	s12 =	simm.s32 $0x2;
	_ =	strace $0x8000004A  }
0x22: {  	s25 =	sadd.s32 s13, s5;
	s5 =	sadd.s32 s14, s5;
	[dreg:$0xe] =	wrdreg s7  }
0x23: {  	s7 =	sshrl.u32 s10, $0x2;
	s15 =	sadd.s32 s8, s2;
	s24 =	sadd.s32 s18, s2  }
0x24: {  	s26 =	sadd.s32 s21, s14;
	s28 =	sadd.s32 s21, s13;
	[dreg:$0x12] =	wrdreg s22  }
0x25: {  	s8 =	simm.s32 $0x4;
	s10 =	simm.s32 $0x2A00;
	[dreg:$0xc] =	wrdreg s25  }
0x26: {  	[dreg:$0xd] =	wrdreg s5;
	s5 =	sadd.s32 s19, s2;
	s19 =	sadd.s32 s6, s2  }
0x27: {  	[dreg:$0xf] =	wrdreg s15;
	s16 =	sadd.s32 s7, s2;
	s25 =	sadd.s32 $0xA0, s4  }
0x28: {  	s4 =	simm.s32 $0x80;
	s6 =	simm.s32 $0x200;
	s7 =	simm.s32 $0x100  }
0x29: {  	[dreg:$0x10] =	wrdreg s16;
	s0 =	sshrl.u32 @!p0 s5, $0x3;
	s5 =	simm.s32 $0x50  }
0x2a: {  	v0 =	vimm.f32 $0.0e+00;
	s16 =	simm.s32 $0x0;
	[dreg:$0x11] =	wrdreg s0;
	s0 =	simm.s32 $0x3  }
.LBB2_1:
0x2b: {  	s17 =	simm.s32 $0x70;
	s18 =	simm.s32 $0x3C0  }
.LBB2_2:
0x2c: {  	p1 =	sne.s32 s18, $0x9FC0;
	[tilespmem:s17+$0x5200] =	vst v0  }
0x2d: {  	[tilespmem:s17+$0x5190] =	vst v0  }
0x2e: {  	[tilespmem:s17+$0x51A0] =	vst v0  }
.Ltmp0:
0x2f: {  	[tilespmem:s17+$0x51B0] =	vst v0;
	(pc) =	sbr.rel @p1 .LBB2_2-.Ltmp0, $4  }
0x30: {  	[tilespmem:s17+$0x51C0] =	vst v0  }
0x31: {  	[tilespmem:s17+$0x51D0] =	vst v0  }
0x32: {  	[tilespmem:s17+$0x51E0] =	vst v0  }
0x33: {  	[tilespmem:s17+$0x51F0] =	vst v0;
	s17 =	sshra.s32 s18, $0x2;
	s18 =	sadd.s32 $0x200, s18  }
0x34: {  	[tilespmem:s17+$0x5200] =	vst v0  }
0x35: {  	[tilespmem:s17+$0x5190] =	vst v0  }
0x36: {  	[tilespmem:s17+$0x51A0] =	vst v0  }
0x37: {  	[tilespmem:s17+$0x51B0] =	vst v0  }
0x38: {  	[tilespmem:s17+$0x51C0] =	vst v0  }
0x39: {  	[tilespmem:s17+$0x51D0] =	vst v0  }
0x3a: {  	[tilespmem:s17+$0x51E0] =	vst v0  }
0x3b: {  	[tilespmem:s17+$0x51F0] =	vst v0  }
0x3c: {  	[spmem:s29] =	stream.linear.scatter [tilespmem:s31], [sflag:$0x3], $0x2800, $0x38;
	[tilespmem:$0x1B280] =	vst v63  }
0x3d: {  	_ =	swait.ge [sflag:s0], $0x2800  }
0x3e: {  	[sflag:s0] =	ssyncset.done $0x0  }
0x3f: {  	[sflag:s0] =	ssyncadd.s32 $0xFFFFD800  }
0x40: {  	[spmem:s19] =	stream.linear.scatter [tilespmem:s31], [sflag:$0x3], $0x2800, $0x38;
	[tilespmem:$0x1B280] =	vst v63  }
0x41: {  	_ =	swait.ge [sflag:s0], $0x2800  }
0x42: {  	[sflag:s0] =	ssyncset.done $0x0  }
0x43: {  	[sflag:s0] =	ssyncadd.s32 $0xFFFFD800  }
0x44: {  	[spmem:s30] =	stream.linear.scatter [tilespmem:s31], [sflag:$0x3], $0x2800, $0x38;
	[tilespmem:$0x1B280] =	vst v63  }
0x45: {  	_ =	swait.ge [sflag:s0], $0x2800  }
0x46: {  	[sflag:s0] =	ssyncset.done $0x0  }
0x47: {  	s15 =	rddreg [dreg:$0xf];
	[sflag:s0] =	ssyncadd.s32 $0xFFFFD800  }
0x48: {  	[spmem:s15] =	stream.linear.scatter [tilespmem:s31], [sflag:$0x3], $0x2800, $0x38;
	[tilespmem:$0x1B280] =	vst v63  }
0x49: {  	_ =	swait.ge [sflag:s0], $0x2800  }
0x4a: {  	[sflag:s0] =	ssyncset.done $0x0  }
0x4b: {  	s17 =	rddreg [dreg:$0x10];
	[sflag:s0] =	ssyncadd.s32 $0xFFFFD800  }
0x4c: {  	[spmem:s17] =	stream.linear.scatter [tilespmem:s31], [sflag:$0x3], $0x2800, $0x38;
	[tilespmem:$0x1B280] =	vst v63  }
0x4d: {  	_ =	swait.ge [sflag:s0], $0x2800  }
0x4e: {  	[sflag:s0] =	ssyncset.done $0x0  }
0x4f: {  	[sflag:s0] =	ssyncadd.s32 $0xFFFFD800  }
0x50: {  	[spmem:s23] =	stream.linear.scatter [tilespmem:s31], [sflag:$0x3], $0x2800, $0x38;
	[tilespmem:$0x1B280] =	vst v63  }
0x51: {  	_ =	swait.ge [sflag:s0], $0x2800  }
0x52: {  	[sflag:s0] =	ssyncset.done $0x0  }
0x53: {  	[sflag:s0] =	ssyncadd.s32 $0xFFFFD800  }
0x54: {  	[spmem:s24] =	stream.linear.scatter [tilespmem:s31], [sflag:$0x3], $0x2800, $0x38;
	[tilespmem:$0x1B280] =	vst v63  }
0x55: {  	_ =	swait.ge [sflag:s0], $0x2800  }
0x56: {  	[sflag:s0] =	ssyncset.done $0x0  }
0x57: {  	s17 =	simm.s32 @!p0 $0x5200;
	s15 =	rddreg [dreg:$0x12];
	[sflag:s0] =	ssyncadd.s32 $0xFFFFD800  }
0x58: {  	[spmem:s15] =	stream.linear.scatter @!p0 [tilespmem:s17], [sflag:$0x3], $0x2800, $0x38;
	[tilespmem:$0x1B280] =	vst v63  }
0x59: {  	s17 =	simm.s32 @!p0 $0x3  }
0x5a: {  	_ =	swait.ge @!p0 [sflag:s17], $0x2800  }
0x5b: {  	[sflag:s17] =	ssyncset.done @!p0 $0x0  }
0x5c: {  	[sflag:s17] =	ssyncadd.s32 @!p0 $0xFFFFD800  }
0x5d: {  	[bflag:$0x0] =	sbarrier.arrive $0xFFFF  }
0x5e: {  	s21 =	smov.u32 s19;
	s18 =	simm.s32 $0x0;
	s19 =	rddreg [dreg:$0xc]  }
0x5f: {  	[tilespmem:s18], [sflag:$0x3] =	stream.linear.gather [hbm4b:s19+s18], $0x50, $0x38;
	[tilespmem:$0x1B280] =	vst v63  }
0x60: {  	_ =	swait.ge [sflag:s0], $0x50  }
0x61: {  	[sflag:s0] =	ssyncset.done $0x0  }
0x62: {  	s22 =	smov.u32 s30;
	s30 =	rddreg [dreg:$0xd];
	[sflag:s0] =	ssyncadd.s32 $0xFFFFFFB0  }
0x63: {  	[tilespmem:s4], [sflag:$0x3] =	stream.linear.gather [hbm4b:s30+s18], $0x50, $0x38;
	[tilespmem:$0x1B280] =	vst v63  }
0x64: {  	_ =	swait.ge [sflag:s0], $0x50  }
0x65: {  	[sflag:s0] =	ssyncset.done $0x0  }
0x66: {  	[sflag:s0] =	ssyncadd.s32 $0xFFFFFFB0  }
0x67: {  	[tilespmem:s6], [sflag:$0x1] =	stream.indirect.gather [hbm4b:s1+s5], $0x80, s18, s5, $0xb8;
	[tilespmem:$0x1B280] =	vst v63  }
0x68: {  	s18 =	sadd.s32 $0x0, s28  }
0x69: {  	[tilespmem:s7], [sflag:$0x4] =	stream.linear.gather [hbm4b:s18+s3], $0x50, $0x38;
	[tilespmem:$0x1B280] =	vst v63  }
0x6a: {  	_ =	swait.ge [sflag:s8], $0x50  }
0x6b: {  	[sflag:s8] =	ssyncset.done $0x0  }
0x6c: {  	s19 =	sadd.s32 $0x0, s26;
	[sflag:s8] =	ssyncadd.s32 $0xFFFFFFB0  }
0x6d: {  	[tilespmem:s9], [sflag:$0x4] =	stream.linear.gather [hbm4b:s19+s3], $0x50, $0x38;
	[tilespmem:$0x1B280] =	vst v63  }
0x6e: {  	_ =	swait.ge [sflag:s8], $0x50  }
0x6f: {  	[sflag:s8] =	ssyncset.done $0x0  }
0x70: {  	[sflag:s8] =	ssyncadd.s32 $0xFFFFFFB0  }
0x71: {  	[tilespmem:s10], [sflag:$0x2] =	stream.indirect.gather [hbm4b:s1+s5], $0x80, s7, s5, $0xb8;
	[tilespmem:$0x1B280] =	vst v63  }
0x72: {  	_ =	swait.ge [sflag:s11], $0x2800  }
0x73: {  	[sflag:s11] =	ssyncset.done $0x0  }
0x74: {  	[sflag:s11] =	ssyncadd.s32 $0xFFFFD800  }
0x75: {  	[spmem:s2] =	stream.indirect.scatter.add.f32 [tilespmem:s6], [sflag:$0x4], $0x80, s4, s5, $0xb8;
	[tilespmem:$0x1B280] =	vst v63  }
0x76: {  	_ =	swait.ge [sflag:s8], $0x2800  }
0x77: {  	s30 =	sshrl.u32 s25, $0x3;
	[sflag:s8] =	ssyncset.done $0x0  }
0x78: {  	s18 =	sadd.s32 s13, s30;
	[sflag:s8] =	ssyncadd.s32 $0xFFFFD800  }
0x79: {  	[tilespmem:s3], [sflag:$0x4] =	stream.linear.gather [hbm4b:s18+s3], $0x50, $0x38;
	[tilespmem:$0x1B280] =	vst v63  }
0x7a: {  	_ =	swait.ge [sflag:s8], $0x50  }
0x7b: {  	[sflag:s8] =	ssyncset.done $0x0  }
0x7c: {  	s17 =	sadd.s32 s14, s30;
	[sflag:s8] =	ssyncadd.s32 $0xFFFFFFB0  }
0x7d: {  	[tilespmem:s4], [sflag:$0x4] =	stream.linear.gather [hbm4b:s17+s3], $0x50, $0x38;
	[tilespmem:$0x1B280] =	vst v63  }
0x7e: {  	_ =	swait.ge [sflag:s8], $0x50  }
0x7f: {  	[sflag:s8] =	ssyncset.done $0x0  }
0x80: {  	[sflag:s8] =	ssyncadd.s32 $0xFFFFFFB0  }
0x81: {  	[tilespmem:s6], [sflag:$0x1] =	stream.indirect.gather [hbm4b:s1+s5], $0x80, s3, s5, $0xb8;
	[tilespmem:$0x1B280] =	vst v63  }
0x82: {  	_ =	swait.ge [sflag:s12], $0x2800  }
0x83: {  	[sflag:s12] =	ssyncset.done $0x0  }
0x84: {  	[sflag:s12] =	ssyncadd.s32 $0xFFFFD800  }
0x85: {  	[spmem:s2] =	stream.indirect.scatter.add.f32 [tilespmem:s10], [sflag:$0x3], $0x80, s9, s5, $0xb8;
	[tilespmem:$0x1B280] =	vst v63  }
0x86: {  	s20 =	smov.u32 s29;
	s29 =	simm.s32 $0x28;
	_ =	swait.ge [sflag:s0], $0x2800  }
0x87: {  	s18 =	simm.s32 $0x14;
	s17 =	sadd.s32 $0xA0, s25;
	[sflag:s0] =	ssyncset.done $0x0  }
.LBB2_4:
0x88: {  	s15 =	sadd.s32 s18, s28  }
0x89: {  	[sflag:s0] =	ssyncadd.s32 $0xFFFFD800;
	s19 =	smov.u32 s29;
	s30 =	sadd.s32 $0x14, s29  }
0x8a: {  	[tilespmem:s7], [sflag:$0x4] =	stream.linear.gather [hbm4b:s15+s3], $0x50, $0x38;
	[tilespmem:$0x1B280] =	vst v63  }
0x8b: {  	p1 =	sne.s32 s29, $0x4C4;
	_ =	swait.ge [sflag:s8], $0x50  }
0x8c: {  	[sflag:s8] =	ssyncset.done $0x0  }
0x8d: {  	s15 =	sadd.s32 s18, s26;
	s18 =	smov.u32 s19;
	[sflag:s8] =	ssyncadd.s32 $0xFFFFFFB0  }
0x8e: {  	[tilespmem:s9], [sflag:$0x4] =	stream.linear.gather [hbm4b:s15+s3], $0x50, $0x38;
	[tilespmem:$0x1B280] =	vst v63  }
0x8f: {  	_ =	swait.ge [sflag:s8], $0x50  }
0x90: {  	[sflag:s8] =	ssyncset.done $0x0  }
0x91: {  	[sflag:s8] =	ssyncadd.s32 $0xFFFFFFB0  }
0x92: {  	[tilespmem:s10], [sflag:$0x2] =	stream.indirect.gather [hbm4b:s1+s5], $0x80, s7, s5, $0xb8;
	[tilespmem:$0x1B280] =	vst v63  }
0x93: {  	_ =	swait.ge [sflag:s11], $0x2800  }
0x94: {  	[sflag:s11] =	ssyncset.done $0x0  }
0x95: {  	[sflag:s11] =	ssyncadd.s32 $0xFFFFD800  }
0x96: {  	[spmem:s2] =	stream.indirect.scatter.add.f32 [tilespmem:s6], [sflag:$0x4], $0x80, s4, s5, $0xb8;
	[tilespmem:$0x1B280] =	vst v63  }
0x97: {  	_ =	swait.ge [sflag:s8], $0x2800  }
0x98: {  	s15 =	sshrl.u32 s17, $0x3;
	[sflag:s8] =	ssyncset.done $0x0  }
0x99: {  	s19 =	sadd.s32 s13, s15;
	[sflag:s8] =	ssyncadd.s32 $0xFFFFD800  }
0x9a: {  	[tilespmem:s3], [sflag:$0x4] =	stream.linear.gather [hbm4b:s19+s3], $0x50, $0x38;
	[tilespmem:$0x1B280] =	vst v63  }
0x9b: {  	_ =	swait.ge [sflag:s8], $0x50  }
0x9c: {  	[sflag:s8] =	ssyncset.done $0x0  }
0x9d: {  	s15 =	sadd.s32 s14, s15;
	[sflag:s8] =	ssyncadd.s32 $0xFFFFFFB0  }
0x9e: {  	[tilespmem:s4], [sflag:$0x4] =	stream.linear.gather [hbm4b:s15+s3], $0x50, $0x38;
	[tilespmem:$0x1B280] =	vst v63  }
0x9f: {  	_ =	swait.ge [sflag:s8], $0x50  }
0xa0: {  	[sflag:s8] =	ssyncset.done $0x0  }
0xa1: {  	[sflag:s8] =	ssyncadd.s32 $0xFFFFFFB0  }
0xa2: {  	[tilespmem:s6], [sflag:$0x1] =	stream.indirect.gather [hbm4b:s1+s5], $0x80, s3, s5, $0xb8;
	[tilespmem:$0x1B280] =	vst v63  }
0xa3: {  	_ =	swait.ge [sflag:s12], $0x2800  }
.Ltmp1:
0xa4: {  	[sflag:s12] =	ssyncset.done $0x0;
	(pc) =	sbr.rel @p1 .LBB2_4-.Ltmp1, $4  }
0xa5: {  	[sflag:s12] =	ssyncadd.s32 $0xFFFFD800  }
0xa6: {  	[spmem:s2] =	stream.indirect.scatter.add.f32 [tilespmem:s10], [sflag:$0x3], $0x80, s9, s5, $0xb8;
	[tilespmem:$0x1B280] =	vst v63  }
0xa7: {  	_ =	swait.ge [sflag:s0], $0x2800  }
0xa8: {  	s29 =	smov.u32 s30;
	s17 =	sadd.s32 $0xA0, s17;
	[sflag:s0] =	ssyncset.done $0x0  }
0xa9: {  	s15 =	sadd.s32 s18, s28;
	[sflag:s0] =	ssyncadd.s32 $0xFFFFD800  }
0xaa: {  	[tilespmem:s7], [sflag:$0x4] =	stream.linear.gather [hbm4b:s15+s3], $0x50, $0x38;
	[tilespmem:$0x1B280] =	vst v63  }
0xab: {  	_ =	swait.ge [sflag:s8], $0x50  }
0xac: {  	[sflag:s8] =	ssyncset.done $0x0  }
0xad: {  	s18 =	sadd.s32 s18, s26;
	[sflag:s8] =	ssyncadd.s32 $0xFFFFFFB0  }
0xae: {  	[tilespmem:s9], [sflag:$0x4] =	stream.linear.gather [hbm4b:s18+s3], $0x50, $0x38;
	[tilespmem:$0x1B280] =	vst v63  }
0xaf: {  	_ =	swait.ge [sflag:s8], $0x50  }
0xb0: {  	[sflag:s8] =	ssyncset.done $0x0  }
0xb1: {  	[sflag:s8] =	ssyncadd.s32 $0xFFFFFFB0  }
0xb2: {  	[tilespmem:s10], [sflag:$0x2] =	stream.indirect.gather [hbm4b:s1+s5], $0x80, s7, s5, $0xb8;
	[tilespmem:$0x1B280] =	vst v63  }
0xb3: {  	_ =	swait.ge [sflag:s11], $0x2800  }
0xb4: {  	[sflag:s11] =	ssyncset.done $0x0  }
0xb5: {  	[sflag:s11] =	ssyncadd.s32 $0xFFFFD800  }
0xb6: {  	[spmem:s2] =	stream.indirect.scatter.add.f32 [tilespmem:s6], [sflag:$0x4], $0x80, s4, s5, $0xb8;
	[tilespmem:$0x1B280] =	vst v63  }
0xb7: {  	_ =	swait.ge [sflag:s8], $0x2800  }
0xb8: {  	s19 =	sshrl.u32 s17, $0x3;
	[sflag:s8] =	ssyncset.done $0x0  }
0xb9: {  	s17 =	sadd.s32 s13, s19;
	[sflag:s8] =	ssyncadd.s32 $0xFFFFD800  }
0xba: {  	[tilespmem:s3], [sflag:$0x4] =	stream.linear.gather [hbm4b:s17+s3], $0x50, $0x38;
	[tilespmem:$0x1B280] =	vst v63  }
0xbb: {  	_ =	swait.ge [sflag:s8], $0x50  }
0xbc: {  	[sflag:s8] =	ssyncset.done $0x0  }
0xbd: {  	s15 =	sadd.s32 s14, s19;
	[sflag:s8] =	ssyncadd.s32 $0xFFFFFFB0  }
0xbe: {  	[tilespmem:s4], [sflag:$0x4] =	stream.linear.gather [hbm4b:s15+s3], $0x50, $0x38;
	[tilespmem:$0x1B280] =	vst v63  }
0xbf: {  	_ =	swait.ge [sflag:s8], $0x50  }
0xc0: {  	[sflag:s8] =	ssyncset.done $0x0  }
0xc1: {  	[sflag:s8] =	ssyncadd.s32 $0xFFFFFFB0  }
0xc2: {  	[tilespmem:s6], [sflag:$0x1] =	stream.indirect.gather [hbm4b:s1+s5], $0x80, s3, s5, $0xb8;
	[tilespmem:$0x1B280] =	vst v63  }
0xc3: {  	_ =	swait.ge [sflag:s12], $0x2800  }
0xc4: {  	[sflag:s12] =	ssyncset.done $0x0  }
0xc5: {  	[sflag:s12] =	ssyncadd.s32 $0xFFFFD800  }
0xc6: {  	[spmem:s2] =	stream.indirect.scatter.add.f32 [tilespmem:s10], [sflag:$0x3], $0x80, s9, s5, $0xb8;
	[tilespmem:$0x1B280] =	vst v63  }
0xc7: {  	_ =	swait.ge [sflag:s0], $0x2800  }
0xc8: {  	[sflag:s0] =	ssyncset.done $0x0  }
0xc9: {  	[sflag:s0] =	ssyncadd.s32 $0xFFFFD800  }
0xca: {  	_ =	swait.ge [sflag:s11], $0x2800  }
0xcb: {  	[sflag:s11] =	ssyncset.done $0x0  }
0xcc: {  	[sflag:s11] =	ssyncadd.s32 $0xFFFFD800  }
0xcd: {  	[spmem:s2] =	stream.indirect.scatter.add.f32 [tilespmem:s6], [sflag:$0x4], $0x80, s4, s5, $0xb8;
	[tilespmem:$0x1B280] =	vst v63  }
0xce: {  	_ =	swait.ge [sflag:s8], $0x2800  }
0xcf: {  	[sflag:s8] =	ssyncset.done $0x0  }
0xd0: {  	s17 =	stileid.u32;
	[sflag:s8] =	ssyncadd.s32 $0xFFFFD800  }
0xd1: {  	s15 =	sshll.u32 s17, $0x6;
	[bflag:$0x0] =	sbarrier.arrive $0xFFFF  }
0xd2: {  	s18 =	sshrl.u32 s20, $0x3;
	s15 =	sor.u32 $0x1C03, s15;
	s19 =	rddreg [dreg:$0x5]  }
0xd3: {  	[hbm:s19], [sflag:s15] =	dma.local [spmem:s18], $0x500  }
0xd4: {  	_ =	swait.ge [sflag:s0], $0x500  }
0xd5: {  	s29 =	smov.u32 s20;
	s20 =	sshrl.u32 s21, $0x3;
	[sflag:s0] =	ssyncset.done $0x0  }
0xd6: {  	s19 =	smov.u32 s21;
	s21 =	rddreg [dreg:$0x6];
	[sflag:s0] =	ssyncadd.s32 $0xFFFFFB00  }
0xd7: {  	[hbm:s21], [sflag:s15] =	dma.local [spmem:s20], $0x500  }
0xd8: {  	_ =	swait.ge [sflag:s0], $0x500  }
0xd9: {  	[sflag:s0] =	ssyncset.done $0x0  }
0xda: {  	s18 =	sshrl.u32 s22, $0x3;
	s20 =	rddreg [dreg:$0x7];
	[sflag:s0] =	ssyncadd.s32 $0xFFFFFB00  }
0xdb: {  	[hbm:s20], [sflag:s15] =	dma.local [spmem:s18], $0x500  }
0xdc: {  	_ =	swait.ge [sflag:s0], $0x500  }
0xdd: {  	s30 =	smov.u32 s22;
	[sflag:s0] =	ssyncset.done $0x0;
	s21 =	rddreg [dreg:$0xf]  }
0xde: {  	s22 =	rddreg [dreg:$0x8];
	[sflag:s0] =	ssyncadd.s32 $0xFFFFFB00;
	s17 =	sshrl.u32 s21, $0x3  }
0xdf: {  	[hbm:s22], [sflag:s15] =	dma.local [spmem:s17], $0x500  }
0xe0: {  	_ =	swait.ge [sflag:s0], $0x500  }
0xe1: {  	[sflag:s0] =	ssyncset.done $0x0;
	s18 =	rddreg [dreg:$0x10]  }
0xe2: {  	s20 =	rddreg [dreg:$0x9];
	[sflag:s0] =	ssyncadd.s32 $0xFFFFFB00;
	s17 =	sshrl.u32 s18, $0x3  }
0xe3: {  	[hbm:s20], [sflag:s15] =	dma.local [spmem:s17], $0x500  }
0xe4: {  	_ =	swait.ge [sflag:s0], $0x500  }
0xe5: {  	[sflag:s0] =	ssyncset.done $0x0  }
0xe6: {  	s21 =	sshrl.u32 s23, $0x3;
	s22 =	rddreg [dreg:$0xa];
	[sflag:s0] =	ssyncadd.s32 $0xFFFFFB00  }
0xe7: {  	[hbm:s22], [sflag:s15] =	dma.local [spmem:s21], $0x500  }
0xe8: {  	_ =	swait.ge [sflag:s0], $0x500  }
0xe9: {  	[sflag:s0] =	ssyncset.done $0x0  }
0xea: {  	s20 =	sshrl.u32 s24, $0x3;
	s21 =	rddreg [dreg:$0xb];
	[sflag:s0] =	ssyncadd.s32 $0xFFFFFB00  }
0xeb: {  	[hbm:s21], [sflag:s15] =	dma.local [spmem:s20], $0x500  }
0xec: {  	_ =	swait.ge [sflag:s0], $0x500  }
0xed: {  	[sflag:s0] =	ssyncset.done $0x0;
	s17 =	rddreg [dreg:$0x4]  }
0xee: {  	s18 =	rddreg [dreg:$0x11];
	[sflag:s0] =	ssyncadd.s32 $0xFFFFFB00  }
0xef: {  	[hbm:s17], [sflag:s15] =	dma.local @!p0 [spmem:s18], $0x500  }
0xf0: {  	s15 =	simm.s32 @!p0 $0x3  }
0xf1: {  	_ =	swait.ge @!p0 [sflag:s15], $0x500  }
0xf2: {  	s16 =	sadd.s32 $0x1, s16;
	s22 =	rddreg [dreg:$0xe]  }
0xf3: {  	p1 =	sne.s32 s16, s22  }
.Ltmp2:
0xf4: {  	_ = 	snop;
	(pc) =	sbr.rel @p1 .LBB2_1-.Ltmp2, $3  }
0xf5: {  	_ =	sdelay $0x1  }
0xf6: {  	[sflag:s15] =	ssyncset.done @!p0 $0x0  }
0xf7: {  	[sflag:s15] =	ssyncadd.s32 @!p0 $0xFFFFFB00  }
0xf8: {  	_ =	sfence.sel $0x180000  }
0xf9: {  	[bflag:$0x0] =	sbarrier.arrive $0xFFFF  }
0xfa: {  	_ =	strace $0x9000004A  }
0xfb: {  	s0 =	stileid.u32;
	[bflag:$0x2] =	sbarrier.arrive $0xFFFF  }
0xfc: {  	p0 =	sne.s32 s0, $0x0;
	s0 =	rddreg [dreg:$0x3]  }
0xfd: {  	s0 =	sadd.s32 @!p0 $0x100000, s0  }
0xfe: {  	[sflag:s0] =	ssyncadd.tile.s32 @!p0 $0x1;
	_ =	shalt  }
.Lfunc_end2:
_tile_overlayer_lowered:
.L_overlay_start_2:
0xff: {  	(tag) =	ssettag $0x2  }
0x100: {  	s0 =	rddreg [dreg:$0x0];
	s2 =	stileid.u32  }
0x101: {  	s1 =	rddreg [dreg:$0x1];
	p0 =	sne.s32 s2, $0x0  }
0x102: {  	s3 =	rddreg [dreg:$0x2];
	[bflag:$0x3] =	sbarrier.arrive $0xFFFF;
	s2 =	simm.s32 @!p0 $0x1C03  }
0x103: {  	[timem:s3], [sflag:s2] =	dma.local @!p0 [hbm:s0], s1  }
0x104: {  	s0 =	simm.s32 @!p0 $0x3  }
0x105: {  	_ =	swait.ge @!p0 [sflag:s0], s1  }
0x106: {  	s1 =	ssub.s32 @!p0 $0x0, s1;
	[sflag:s0] =	ssyncset.done @!p0 $0x0  }
0x107: {  	[sflag:s0] =	ssyncadd.s32 @!p0 s1  }
0x108: {  	[bflag:$0x3] =	sbarrier.arrive $0xFFFF  }
0x109: {  	_ =	shalt  }

// kernel: kernel.15.cloned.1.call-start
scs
__scs_entry_jumppad:
0x0: {  	(pc) =	sbr.rel $0x88, $3  }
0x1: {  	(tag) =	ssettag $0x0;
	lr =	simm.s32 $0x1  }
0x2: {  	[smem:$0x3F87] =	sst lr;
	_ =	strace $0xD0000000  }
0x3: {  	_ = 	snop  }
0x4: {  	_ = 	snop  }
0x5: {  	_ = 	snop  }
0x6: {  	_ = 	snop  }
0x7: {  	_ = 	snop  }
__scs_overlays_trampoline_lowered:
0x8: {  	[smem:$0x3F96] =	sst s0  }
0x9: {  	[smem:$0x3F97] =	sst s1  }
0xa: {  	[smem:$0x3F98] =	sst s2  }
0xb: {  	[smem:$0x3F99] =	sst s3  }
0xc: {  	[smem:$0x3F9A] =	sst s4  }
0xd: {  	[smem:$0x3F9B] =	sst s5  }
0xe: {  	[smem:$0x3F9C] =	sst s6  }
0xf: {  	[smem:$0x3F9D] =	sst s7  }
0x10: {  	[smem:$0x3F9E] =	sst s8  }
0x11: {  	[smem:$0x3F9F] =	sst s9;
	s0 =	simm.s32 @!p0 $0x0  }
0x12: {  	s1 =	sld [smem:$0x3F85];
	s0 =	simm.s32 @p0 $0x1  }
0x13: {  	[smem:$0x3FA0] =	sst s0;
	s0 =	simm.s32 @!p1 $0x0  }
0x14: {  	s2 =	sld [smem:$0x3F84];
	s0 =	simm.s32 @p1 $0x1  }
0x15: {  	[smem:$0x3FA1] =	sst s0;
	s0 =	simm.s32 @!p2 $0x0  }
0x16: {  	s3 =	sld [smem:$0x3FDB];
	s0 =	simm.s32 @p2 $0x1  }
0x17: {  	s4 =	simm.s32 $0x1BF5;
	[smem:$0x3FA3] =	sst s0  }
0x18: {  	s0 =	sld [smem:$0x3F86];
	_ =	swait.ge [sflag:s4], $0x0  }
0x19: {  	s7 =	sld [smem:$0x3F87]  }
0x1a: {  	s8 =	sadd.s32 $0xFFFFE003, lr  }
0x1b: {  	s9 =	sadd.s32 $0xFFFFFEF7, lr;
	s5 =	simm.s32 $0xFFFFFFFF;
	p2 =	slt.u32 s8, $0xFFFFF086  }
0x1c: {  	p1 =	slt.u32 s9, $0xF7A;
	s5 =	simm.s32 @!p2 $0x0  }
0x1d: {  	s5 =	simm.s32 @p1 $0x1;
	p0 =	seq.s32 s7, s2  }
0x1e: {  	s7 =	smul.u32 @!p0 $0xF7A, s2;
	p2 =	seq.s32 @!p0 s5, $0x0  }
0x1f: {  	s9 =	smul.u32 $0xF7A, s1;
	s8 =	simm.s32 @!p0 $0x1BF5;
	p2 =	por !p2, p0  }
0x20: {  	[sflag:s8] =	ssyncset.s32 @!p0 $0xFFFFF086;
	s6 =	sadd.s32 @!p0 s3, s7;
	s7 =	simm.s32 @!p0 $0x108  }
0x21: {  	s3 =	sadd.s32 s3, s9;
	s6 =	sadd.s32 @!p0 $0x88, s6;
	s7 =	simm.s32 @p2 $0x1082  }
0x22: {  	[simem:s7], [sflag:s8] =	dma.local @!p0 [hbm:s6], $0xF7A  }
0x23: {  	s9 =	sor.u32 $0xD0000000, s2;
	s6 =	simm.s32 $0x108;
	_ =	swait.ge @!p0 [sflag:s8], $0x0  }
0x24: {  	s3 =	sadd.s32 $0x88, s3;
	s6 =	simm.s32 @!p1 $0x1082;
	[sflag:s4] =	ssyncset.s32 $0xFFFFF086  }
0x25: {  	[simem:s6], [sflag:s4] =	dma.local [hbm:s3], $0xF7A  }
0x26: {  	[smem:$0x3F87] =	sst s1;
	(tag) =	ssettag s2;
	_ =	strace s9  }
0x27: {  	s1 =	sld [smem:$0x3F97]  }
0x28: {  	s2 =	sld [smem:$0x3F98]  }
0x29: {  	s4 =	sld [smem:$0x3F9A]  }
0x2a: {  	p0 =	seq.s32 s5, $0x0;
	s5 =	sld [smem:$0x3F9B]  }
0x2b: {  	s6 =	sld [smem:$0x3F9C]  }
0x2c: {  	s7 =	sld [smem:$0x3F9D]  }
0x2d: {  	s3 =	simm.s32 $0x108;
	s8 =	sld [smem:$0x3F9E]  }
0x2e: {  	s3 =	simm.s32 @!p0 $0x1082;
	s9 =	sld [smem:$0x3F9F]  }
0x2f: {  	lr =	sadd.s32 s0, s3;
	s0 =	sld [smem:$0x3F96]  }
0x30: {  	s3 =	sld [smem:$0x3F99]  }
0x31: {  	[smem:$0x3FA2] =	sst s10  }
0x32: {  	s10 =	sld [smem:$0x3FA0];
	_ =	sdelay $0x3  }
0x33: {  	p0 =	seq.s32 s10, $0x1;
	s10 =	sld [smem:$0x3FA2];
	_ =	sdelay $0x3  }
0x34: {  	[smem:$0x3FA2] =	sst s10  }
0x35: {  	s10 =	sld [smem:$0x3FA1];
	_ =	sdelay $0x3  }
0x36: {  	p1 =	seq.s32 s10, $0x1;
	s10 =	sld [smem:$0x3FA2];
	_ =	sdelay $0x3  }
0x37: {  	[smem:$0x3FA2] =	sst s10  }
0x38: {  	s10 =	sld [smem:$0x3FA3]  }
0x39: {  	_ = 	snop;
	(pc) =	sbr.ind lr, $3  }
0x3a: {  	_ = 	snop  }
0x3b: {  	_ = 	snop  }
0x3c: {  	p2 =	seq.s32 s10, $0x1;
	s10 =	sld [smem:$0x3FA2]  }
0x3d: {  	_ =	shalt  }
0x3e: {  	_ =	shalt  }
0x3f: {  	_ =	shalt  }
0x40: {  	_ =	shalt  }
0x41: {  	_ =	shalt  }
0x42: {  	_ =	shalt  }
0x43: {  	_ =	shalt  }
0x44: {  	_ =	shalt  }
0x45: {  	_ =	shalt  }
0x46: {  	_ =	shalt  }
0x47: {  	_ =	shalt  }
0x48: {  	_ =	shalt  }
0x49: {  	_ =	shalt  }
0x4a: {  	_ =	shalt  }
0x4b: {  	_ =	shalt  }
0x4c: {  	_ =	shalt  }
0x4d: {  	_ =	shalt  }
0x4e: {  	_ =	shalt  }
0x4f: {  	_ =	shalt  }
0x50: {  	_ =	shalt  }
0x51: {  	_ =	shalt  }
0x52: {  	_ =	shalt  }
0x53: {  	_ =	shalt  }
0x54: {  	_ =	shalt  }
0x55: {  	_ =	shalt  }
0x56: {  	_ =	shalt  }
0x57: {  	_ =	shalt  }
0x58: {  	_ =	shalt  }
0x59: {  	_ =	shalt  }
0x5a: {  	_ =	shalt  }
0x5b: {  	_ =	shalt  }
0x5c: {  	_ =	shalt  }
0x5d: {  	_ =	shalt  }
0x5e: {  	_ =	shalt  }
0x5f: {  	_ =	shalt  }
0x60: {  	_ =	shalt  }
0x61: {  	_ =	shalt  }
0x62: {  	_ =	shalt  }
0x63: {  	_ =	shalt  }
0x64: {  	_ =	shalt  }
0x65: {  	_ =	shalt  }
0x66: {  	_ =	shalt  }
0x67: {  	_ =	shalt  }
0x68: {  	_ =	shalt  }
0x69: {  	_ =	shalt  }
0x6a: {  	_ =	shalt  }
0x6b: {  	_ =	shalt  }
0x6c: {  	_ =	shalt  }
0x6d: {  	_ =	shalt  }
0x6e: {  	_ =	shalt  }
0x6f: {  	_ =	shalt  }
0x70: {  	_ =	shalt  }
0x71: {  	_ =	shalt  }
0x72: {  	_ =	shalt  }
0x73: {  	_ =	shalt  }
0x74: {  	_ =	shalt  }
0x75: {  	_ =	shalt  }
0x76: {  	_ =	shalt  }
0x77: {  	_ =	shalt  }
0x78: {  	_ =	shalt  }
0x79: {  	_ =	shalt  }
0x7a: {  	_ =	shalt  }
0x7b: {  	_ =	shalt  }
0x7c: {  	_ =	shalt  }
0x7d: {  	_ =	shalt  }
0x7e: {  	_ =	shalt  }
0x7f: {  	_ =	shalt  }
0x80: {  	_ =	shalt  }
0x81: {  	_ =	shalt  }
0x82: {  	_ =	shalt  }
0x83: {  	_ =	shalt  }
0x84: {  	_ =	shalt  }
0x85: {  	_ =	shalt  }
0x86: {  	_ =	shalt  }
0x87: {  	_ =	shalt  }
.Lfunc_end0:
.L_simem_size_0:
called_computation.2_lowered:
.L_overlay_start_0:
0x88: {  	s2 =	sld [smem:$0x3FD9]  }
0x89: {  	s3 =	sld [smem:$0x3FFE];
	_ =	sdelay $0x1  }
0x8a: {  	s1 =	srdreg.scid  }
0x8b: {  	s0 =	sand.u32 $0x1, s1  }
0x8c: {  	s17 =	sshll.u32 s0, $0xA;
	s2 =	sadd.s32 s3, s2  }
0x8d: {  	s2 =	sadd.s32 s2, s17  }
0x8e: {  	[smem:$0x3FAE] =	sst s2  }
0x8f: {  	_ = 	snop  }
0x90: {  	s2 =	sld [smem:$0x3FD0];
	(tm) =	ssettm $0x1  }
0x91: {  	s18 =	sld [smem:$0x3FFB];
	_ =	sdelay $0x3  }
0x92: {  	_ =	strace s18  }
0x93: {  	s3 =	sld [smem:$0x3FFC];
	_ =	sdelay $0x3  }
0x94: {  	_ =	strace s3  }
0x95: {  	s3 =	sld [smem:$0x3FFD];
	_ =	sdelay $0x3  }
0x96: {  	_ =	strace s3  }
0x97: {  	_ =	strace $0x8FFFFFFF  }
0x98: {  	s19 =	sld [smem:$0x3FDB];
	_ =	sdelay $0x1  }
0x99: {  	s4 =	simm.s32 $_scs_section_size  }
0x9a: {  	s5 =	simm.s32 $_size__tile_overlayer_lowered;
	s6 =	simm.s32 $_tile_overlayer_lowered  }
0x9b: {  	s22 =	simm.s32 $0x1BFF;
	s21 =	sshll.u32 s6, $0x1;
	s3 =	sadd.s32 s4, s19  }
0x9c: {  	s7 =	simm.s32 $0x0;
	s20 =	sshll.u32 s5, $0x1;
	s5 =	sadd.s32 s21, s3  }
0x9d: {  	[timem:s7], [sflag:s22] =	dma.local [hbm:s5], s20  }
0x9e: {  	_ =	swait.ge [sflag:s22], s20  }
0x9f: {  	s4 =	ssub.s32 $0x0, s20;
	[sflag:s22] =	ssyncset.done $0x0  }
0xa0: {  	[sflag:s22] =	ssyncadd.s32 s4;
	_ =	sdelay $0x1  }
0xa1: {  	s23 =	simm.s32 $0x1B8B  }
0xa2: {  	_ =	swait.ge [sflag:s23], $0x1  }
0xa3: {  	[sflag:s23] =	ssyncset.done $0x0  }
0xa4: {  	s25 =	simm.s32 $0x1B8E;
	s24 =	sld [smem:$0x3FFE];
	[sflag:s23] =	ssyncadd.s32 $0xFFFFFFFF  }
0xa5: {  	s26 =	simm.s32 $execute0_lowered;
	[smem:$0x3FD2] =	sst s25  }
0xa6: {  	s5 =	sshll.u32 s26, $0x1;
	_ =	strace $0x8000004C;
	[dreg:$0x1] =	wrdreg $0xFFFFFFFF  }
0xa7: {  	s28 =	simm.s32 $_size_execute0_lowered;
	s3 =	sadd.s32 s3, s5;
	[dreg:$0x0] =	wrdreg $0x0  }
0xa8: {  	s5 =	sshll.u32 s28, $0x1;
	[dreg:$0x2] =	wrdreg s3  }
0xa9: {  	[dreg:$0x3] =	wrdreg s5  }
0xaa: {  	[dreg:$0x4] =	wrdreg $0xC0  }
0xab: {  	_ =	task [dreg:s7], $0x5FFFF  }
0xac: {  	[dreg:$0x1] =	wrdreg $0xFFFFFFFF  }
0xad: {  	[dreg:$0x0] =	wrdreg $0x60  }
0xae: {  	[dreg:$0x2] =	wrdreg s2  }
0xaf: {  	[dreg:$0x3] =	wrdreg s24  }
0xb0: {  	[dreg:$0x4] =	wrdreg $0x7A000  }
0xb1: {  	[dreg:$0x5] =	wrdreg $0x9  }
0xb2: {  	_ =	task.clear_ibuf [dreg:s7], $0x6FFFF;
	_ =	strace $0x9000004C  }
0xb3: {  	s29 =	simm.s32 $0x9;
	_ =	strace $0x8000004E  }
0xb4: {  	_ =	swait.ge [sflag:s29], $0x1  }
0xb5: {  	[sflag:s29] =	ssyncadd.s32 $0xFFFFFFFF  }
0xb6: {  	_ =	strace $0x9000004E  }
0xb7: {  	_ =	sfence  }
0xb8: {  	s30 =	sld [smem:$0x0];
	_ =	sdelay $0x2  }
0xb9: {  	s31 =	sshll.u32 s1, $0xD;
	s1 =	sshrl.u32 s1, $0x2  }
0xba: {  	s3 =	sand.u32 $0x4000, s31;
	s1 =	sadd.s32 s1, s30  }
0xbb: {  	s0 =	sor.u32 s3, s0;
	s1 =	sshll.u32 s1, $0x11  }
0xbc: {  	s0 =	sor.u32 s1, s0  }
0xbd: {  	s0 =	sadd.s32 $0x8F2B, s0  }
0xbe: {  	[sflag:s0] =	ssyncadd.remote.s32 $0x1  }
0xbf: {  	_ =	sfence.sel $0xFFFF  }
0xc0: {  	[dreg:$0x0] =	wrdreg $0xFFFFFFFF;
	(pc) =	sbr.abs _section_cstart, $3  }
0xc1: {  	[dreg:$0x1] =	wrdreg $0xFFFFFFFF  }
0xc2: {  	_ =	task.clear_ibuf [dreg:s7], $0x2FFFF;
	_ =	strace $0x9FFFFFFF  }
0xc3: {  	(tm) =	ssettm $0x7FFFFFFF  }
tec
execute0_lowered:
.L_overlay_start_1:
0x0: {  	(tag) =	ssettag $0x1  }
0x1: {  	s1 =	rddreg [dreg:$0x0]  }
0x2: {  	s0 =	rddreg [dreg:$0x1]  }
0x3: {  	s4 =	srdreg.scid;
	s26 =	stileid.u32  }
0x4: {  	s2 =	rddreg [dreg:$0x2];
	s4 =	sand.u32 $0x1, s4;
	s8 =	smul.u32 $0x2800, s26  }
0x5: {  	s3 =	simm.s32 $0x0;
	s9 =	sor.u32 $0x10, s26;
	s6 =	smul.u32 $0x138800, s4  }
0x6: {  	s31 =	simm.s32 $0x5200;
	s11 =	sor.u32 $0x20, s26;
	s12 =	smul.u32 $0x2800, s9  }
0x7: {  	[smem:$0x7FF] =	sst s3;
	s16 =	sor.u32 $0x40, s26;
	s13 =	smul.u32 $0x2800, s11  }
0x8: {  	s5 =	sadd.s32 $0x66600, s0;
	s17 =	sor.u32 $0x50, s26;
	s18 =	smul.u32 $0x2800, s16  }
0x9: {  	s20 =	sor.u32 $0x60, s26;
	p0 =	sgt.u32 s26, $0xC;
	s21 =	smul.u32 $0x2800, s17  }
0xa: {  	s7 =	ssub.s32 $0x2, s4;
	s14 =	sshll.u32 s4, $0x4;
	s23 =	smul.u32 $0x2800, s20  }
0xb: {  	s4 =	smul.u32 $0x27100, s4;
	s10 =	sshrl.u32 s7, $0x1;
	s14 =	sor.u32 s26, s14  }
0xc: {  	s19 =	sadd.s32 $0x118000, s8;
	s7 =	ssub.s32 s7, s10;
	s10 =	sor.u32 $0x30, s26  }
0xd: {  	s22 =	sadd.s32 s6, s19;
	s8 =	sadd.s32 s6, s8;
	s12 =	sadd.s32 s6, s12  }
0xe: {  	s13 =	sadd.s32 s6, s13;
	s18 =	sadd.s32 s6, s18;
	s21 =	sadd.s32 s6, s21  }
0xf: {  	s15 =	smul.u32 $0x2800, s10;
	s22 =	sshrl.u32 s22, $0x3;
	s8 =	sshrl.u32 s8, $0x3  }
0x10: {  	s24 =	sshrl.u32 s13, $0x3;
	s13 =	sshrl.u32 s18, $0x3;
	s18 =	smul.u32 $0x2710, s26  }
0x11: {  	s7 =	smax.u32 s7, $0x1;
	s22 =	sadd.s32 s5, s22;
	s8 =	sadd.s32 s5, s8  }
0x12: {  	s15 =	sadd.s32 s6, s15;
	s6 =	sadd.s32 s6, s23;
	[dreg:$0x4] =	wrdreg s22  }
0x13: {  	s23 =	smul.u32 $0xA000, s26;
	[dreg:$0x5] =	wrdreg s8;
	s22 =	sshrl.u32 s12, $0x3  }
0x14: {  	s25 =	sshrl.u32 s15, $0x3;
	s15 =	sshrl.u32 s21, $0x3;
	s21 =	smul.u32 $0x2710, s14  }
0x15: {  	s8 =	sadd.s32 s5, s22;
	s22 =	sshrl.u32 s23, $0x2;
	s23 =	smul.u32 $0xA000, s9  }
0x16: {  	[dreg:$0x6] =	wrdreg s8;
	s8 =	sadd.s32 s5, s24;
	s24 =	smul.u32 $0xA000, s11  }
0x17: {  	s4 =	sadd.s32 s18, s4;
	s6 =	sshrl.u32 s6, $0x3;
	s9 =	smul.u32 $0xA000, s10  }
0x18: {  	s12 =	sadd.s32 s5, s25;
	s10 =	smul.u32 $0xA000, s16;
	[dreg:$0x7] =	wrdreg s8  }
0x19: {  	s14 =	sadd.s32 $0xE600, s0;
	s11 =	smul.u32 $0xA000, s17;
	[dreg:$0x8] =	wrdreg s12  }
0x1a: {  	s8 =	sadd.s32 s5, s13;
	s13 =	sadd.s32 $0x4800, s0;
	s29 =	sadd.s32 s22, s2  }
0x1b: {  	s12 =	smul.u32 $0xA000, s20;
	s20 =	sadd.s32 $0x50, s4;
	[dreg:$0x9] =	wrdreg s8  }
0x1c: {  	s8 =	sadd.s32 s5, s15;
	s5 =	sadd.s32 s5, s6;
	s6 =	sshrl.u32 s23, $0x2  }
0x1d: {  	s0 =	sshrl.u32 s24, $0x2;
	s17 =	sshrl.u32 s11, $0x2;
	[dreg:$0xa] =	wrdreg s8  }
0x1e: {  	s22 =	sadd.s32 $0x118000, s29;
	s11 =	simm.s32 $0x1;
	[dreg:$0xb] =	wrdreg s5  }
0x1f: {  	s5 =	sshrl.u32 s21, $0x3;
	s8 =	sshrl.u32 s9, $0x2;
	s30 =	sadd.s32 s0, s2  }
0x20: {  	s18 =	sshrl.u32 s12, $0x2;
	s23 =	sadd.s32 s17, s2;
	s21 =	sshrl.u32 s20, $0x3  }
0x21: {  	s9 =	simm.s32 $0x180;
	s12 =	simm.s32 $0x2;
	_ =	strace $0x8000004D  }
0x22: {  	s25 =	sadd.s32 s13, s5;
	s5 =	sadd.s32 s14, s5;
	[dreg:$0xe] =	wrdreg s7  }
0x23: {  	s7 =	sshrl.u32 s10, $0x2;
	s15 =	sadd.s32 s8, s2;
	s24 =	sadd.s32 s18, s2  }
0x24: {  	s26 =	sadd.s32 s21, s14;
	s28 =	sadd.s32 s21, s13;
	[dreg:$0x12] =	wrdreg s22  }
0x25: {  	s8 =	simm.s32 $0x4;
	s10 =	simm.s32 $0x2A00;
	[dreg:$0xc] =	wrdreg s25  }
0x26: {  	[dreg:$0xd] =	wrdreg s5;
	s5 =	sadd.s32 s19, s2;
	s19 =	sadd.s32 s6, s2  }
0x27: {  	[dreg:$0xf] =	wrdreg s15;
	s16 =	sadd.s32 s7, s2;
	s25 =	sadd.s32 $0xA0, s4  }
0x28: {  	s4 =	simm.s32 $0x80;
	s6 =	simm.s32 $0x200;
	s7 =	simm.s32 $0x100  }
0x29: {  	[dreg:$0x10] =	wrdreg s16;
	s0 =	sshrl.u32 @!p0 s5, $0x3;
	s5 =	simm.s32 $0x50  }
0x2a: {  	v0 =	vimm.f32 $0.0e+00;
	s16 =	simm.s32 $0x0;
	[dreg:$0x11] =	wrdreg s0;
	s0 =	simm.s32 $0x3  }
.LBB2_1:
0x2b: {  	s17 =	simm.s32 $0x70;
	s18 =	simm.s32 $0x3C0  }
.LBB2_2:
0x2c: {  	p1 =	sne.s32 s18, $0x9FC0;
	[tilespmem:s17+$0x5200] =	vst v0  }
0x2d: {  	[tilespmem:s17+$0x5190] =	vst v0  }
0x2e: {  	[tilespmem:s17+$0x51A0] =	vst v0  }
.Ltmp0:
0x2f: {  	[tilespmem:s17+$0x51B0] =	vst v0;
	(pc) =	sbr.rel @p1 .LBB2_2-.Ltmp0, $4  }
0x30: {  	[tilespmem:s17+$0x51C0] =	vst v0  }
0x31: {  	[tilespmem:s17+$0x51D0] =	vst v0  }
0x32: {  	[tilespmem:s17+$0x51E0] =	vst v0  }
0x33: {  	[tilespmem:s17+$0x51F0] =	vst v0;
	s17 =	sshra.s32 s18, $0x2;
	s18 =	sadd.s32 $0x200, s18  }
0x34: {  	[tilespmem:s17+$0x5200] =	vst v0  }
0x35: {  	[tilespmem:s17+$0x5190] =	vst v0  }
0x36: {  	[tilespmem:s17+$0x51A0] =	vst v0  }
0x37: {  	[tilespmem:s17+$0x51B0] =	vst v0  }
0x38: {  	[tilespmem:s17+$0x51C0] =	vst v0  }
0x39: {  	[tilespmem:s17+$0x51D0] =	vst v0  }
0x3a: {  	[tilespmem:s17+$0x51E0] =	vst v0  }
0x3b: {  	[tilespmem:s17+$0x51F0] =	vst v0  }
0x3c: {  	[spmem:s29] =	stream.linear.scatter [tilespmem:s31], [sflag:$0x3], $0x2800, $0x38;
	[tilespmem:$0x1B280] =	vst v63  }
0x3d: {  	_ =	swait.ge [sflag:s0], $0x2800  }
0x3e: {  	[sflag:s0] =	ssyncset.done $0x0  }
0x3f: {  	[sflag:s0] =	ssyncadd.s32 $0xFFFFD800  }
0x40: {  	[spmem:s19] =	stream.linear.scatter [tilespmem:s31], [sflag:$0x3], $0x2800, $0x38;
	[tilespmem:$0x1B280] =	vst v63  }
0x41: {  	_ =	swait.ge [sflag:s0], $0x2800  }
0x42: {  	[sflag:s0] =	ssyncset.done $0x0  }
0x43: {  	[sflag:s0] =	ssyncadd.s32 $0xFFFFD800  }
0x44: {  	[spmem:s30] =	stream.linear.scatter [tilespmem:s31], [sflag:$0x3], $0x2800, $0x38;
	[tilespmem:$0x1B280] =	vst v63  }
0x45: {  	_ =	swait.ge [sflag:s0], $0x2800  }
0x46: {  	[sflag:s0] =	ssyncset.done $0x0  }
0x47: {  	s15 =	rddreg [dreg:$0xf];
	[sflag:s0] =	ssyncadd.s32 $0xFFFFD800  }
0x48: {  	[spmem:s15] =	stream.linear.scatter [tilespmem:s31], [sflag:$0x3], $0x2800, $0x38;
	[tilespmem:$0x1B280] =	vst v63  }
0x49: {  	_ =	swait.ge [sflag:s0], $0x2800  }
0x4a: {  	[sflag:s0] =	ssyncset.done $0x0  }
0x4b: {  	s17 =	rddreg [dreg:$0x10];
	[sflag:s0] =	ssyncadd.s32 $0xFFFFD800  }
0x4c: {  	[spmem:s17] =	stream.linear.scatter [tilespmem:s31], [sflag:$0x3], $0x2800, $0x38;
	[tilespmem:$0x1B280] =	vst v63  }
0x4d: {  	_ =	swait.ge [sflag:s0], $0x2800  }
0x4e: {  	[sflag:s0] =	ssyncset.done $0x0  }
0x4f: {  	[sflag:s0] =	ssyncadd.s32 $0xFFFFD800  }
0x50: {  	[spmem:s23] =	stream.linear.scatter [tilespmem:s31], [sflag:$0x3], $0x2800, $0x38;
	[tilespmem:$0x1B280] =	vst v63  }
0x51: {  	_ =	swait.ge [sflag:s0], $0x2800  }
0x52: {  	[sflag:s0] =	ssyncset.done $0x0  }
0x53: {  	[sflag:s0] =	ssyncadd.s32 $0xFFFFD800  }
0x54: {  	[spmem:s24] =	stream.linear.scatter [tilespmem:s31], [sflag:$0x3], $0x2800, $0x38;
	[tilespmem:$0x1B280] =	vst v63  }
0x55: {  	_ =	swait.ge [sflag:s0], $0x2800  }
0x56: {  	[sflag:s0] =	ssyncset.done $0x0  }
0x57: {  	s17 =	simm.s32 @!p0 $0x5200;
	s15 =	rddreg [dreg:$0x12];
	[sflag:s0] =	ssyncadd.s32 $0xFFFFD800  }
0x58: {  	[spmem:s15] =	stream.linear.scatter @!p0 [tilespmem:s17], [sflag:$0x3], $0x2800, $0x38;
	[tilespmem:$0x1B280] =	vst v63  }
0x59: {  	s17 =	simm.s32 @!p0 $0x3  }
0x5a: {  	_ =	swait.ge @!p0 [sflag:s17], $0x2800  }
0x5b: {  	[sflag:s17] =	ssyncset.done @!p0 $0x0  }
0x5c: {  	[sflag:s17] =	ssyncadd.s32 @!p0 $0xFFFFD800  }
0x5d: {  	[bflag:$0x0] =	sbarrier.arrive $0xFFFF  }
0x5e: {  	s21 =	smov.u32 s19;
	s18 =	simm.s32 $0x0;
	s19 =	rddreg [dreg:$0xc]  }
0x5f: {  	[tilespmem:s18], [sflag:$0x3] =	stream.linear.gather [hbm4b:s19+s18], $0x50, $0x38;
	[tilespmem:$0x1B280] =	vst v63  }
0x60: {  	_ =	swait.ge [sflag:s0], $0x50  }
0x61: {  	[sflag:s0] =	ssyncset.done $0x0  }
0x62: {  	s22 =	smov.u32 s30;
	s30 =	rddreg [dreg:$0xd];
	[sflag:s0] =	ssyncadd.s32 $0xFFFFFFB0  }
0x63: {  	[tilespmem:s4], [sflag:$0x3] =	stream.linear.gather [hbm4b:s30+s18], $0x50, $0x38;
	[tilespmem:$0x1B280] =	vst v63  }
0x64: {  	_ =	swait.ge [sflag:s0], $0x50  }
0x65: {  	[sflag:s0] =	ssyncset.done $0x0  }
0x66: {  	[sflag:s0] =	ssyncadd.s32 $0xFFFFFFB0  }
0x67: {  	[tilespmem:s6], [sflag:$0x1] =	stream.indirect.gather [hbm4b:s1+s5], $0x80, s18, s5, $0xb8;
	[tilespmem:$0x1B280] =	vst v63  }
0x68: {  	s18 =	sadd.s32 $0x0, s28  }
0x69: {  	[tilespmem:s7], [sflag:$0x4] =	stream.linear.gather [hbm4b:s18+s3], $0x50, $0x38;
	[tilespmem:$0x1B280] =	vst v63  }
0x6a: {  	_ =	swait.ge [sflag:s8], $0x50  }
0x6b: {  	[sflag:s8] =	ssyncset.done $0x0  }
0x6c: {  	s19 =	sadd.s32 $0x0, s26;
	[sflag:s8] =	ssyncadd.s32 $0xFFFFFFB0  }
0x6d: {  	[tilespmem:s9], [sflag:$0x4] =	stream.linear.gather [hbm4b:s19+s3], $0x50, $0x38;
	[tilespmem:$0x1B280] =	vst v63  }
0x6e: {  	_ =	swait.ge [sflag:s8], $0x50  }
0x6f: {  	[sflag:s8] =	ssyncset.done $0x0  }
0x70: {  	[sflag:s8] =	ssyncadd.s32 $0xFFFFFFB0  }
0x71: {  	[tilespmem:s10], [sflag:$0x2] =	stream.indirect.gather [hbm4b:s1+s5], $0x80, s7, s5, $0xb8;
	[tilespmem:$0x1B280] =	vst v63  }
0x72: {  	_ =	swait.ge [sflag:s11], $0x2800  }
0x73: {  	[sflag:s11] =	ssyncset.done $0x0  }
0x74: {  	[sflag:s11] =	ssyncadd.s32 $0xFFFFD800  }
0x75: {  	[spmem:s2] =	stream.indirect.scatter.add.f32 [tilespmem:s6], [sflag:$0x4], $0x80, s4, s5, $0xb8;
	[tilespmem:$0x1B280] =	vst v63  }
0x76: {  	_ =	swait.ge [sflag:s8], $0x2800  }
0x77: {  	s30 =	sshrl.u32 s25, $0x3;
	[sflag:s8] =	ssyncset.done $0x0  }
0x78: {  	s18 =	sadd.s32 s13, s30;
	[sflag:s8] =	ssyncadd.s32 $0xFFFFD800  }
0x79: {  	[tilespmem:s3], [sflag:$0x4] =	stream.linear.gather [hbm4b:s18+s3], $0x50, $0x38;
	[tilespmem:$0x1B280] =	vst v63  }
0x7a: {  	_ =	swait.ge [sflag:s8], $0x50  }
0x7b: {  	[sflag:s8] =	ssyncset.done $0x0  }
0x7c: {  	s17 =	sadd.s32 s14, s30;
	[sflag:s8] =	ssyncadd.s32 $0xFFFFFFB0  }
0x7d: {  	[tilespmem:s4], [sflag:$0x4] =	stream.linear.gather [hbm4b:s17+s3], $0x50, $0x38;
	[tilespmem:$0x1B280] =	vst v63  }
0x7e: {  	_ =	swait.ge [sflag:s8], $0x50  }
0x7f: {  	[sflag:s8] =	ssyncset.done $0x0  }
0x80: {  	[sflag:s8] =	ssyncadd.s32 $0xFFFFFFB0  }
0x81: {  	[tilespmem:s6], [sflag:$0x1] =	stream.indirect.gather [hbm4b:s1+s5], $0x80, s3, s5, $0xb8;
	[tilespmem:$0x1B280] =	vst v63  }
0x82: {  	_ =	swait.ge [sflag:s12], $0x2800  }
0x83: {  	[sflag:s12] =	ssyncset.done $0x0  }
0x84: {  	[sflag:s12] =	ssyncadd.s32 $0xFFFFD800  }
0x85: {  	[spmem:s2] =	stream.indirect.scatter.add.f32 [tilespmem:s10], [sflag:$0x3], $0x80, s9, s5, $0xb8;
	[tilespmem:$0x1B280] =	vst v63  }
0x86: {  	s20 =	smov.u32 s29;
	s29 =	simm.s32 $0x28;
	_ =	swait.ge [sflag:s0], $0x2800  }
0x87: {  	s18 =	simm.s32 $0x14;
	s17 =	sadd.s32 $0xA0, s25;
	[sflag:s0] =	ssyncset.done $0x0  }
.LBB2_4:
0x88: {  	s15 =	sadd.s32 s18, s28  }
0x89: {  	[sflag:s0] =	ssyncadd.s32 $0xFFFFD800;
	s19 =	smov.u32 s29;
	s30 =	sadd.s32 $0x14, s29  }
0x8a: {  	[tilespmem:s7], [sflag:$0x4] =	stream.linear.gather [hbm4b:s15+s3], $0x50, $0x38;
	[tilespmem:$0x1B280] =	vst v63  }
0x8b: {  	p1 =	sne.s32 s29, $0x4C4;
	_ =	swait.ge [sflag:s8], $0x50  }
0x8c: {  	[sflag:s8] =	ssyncset.done $0x0  }
0x8d: {  	s15 =	sadd.s32 s18, s26;
	s18 =	smov.u32 s19;
	[sflag:s8] =	ssyncadd.s32 $0xFFFFFFB0  }
0x8e: {  	[tilespmem:s9], [sflag:$0x4] =	stream.linear.gather [hbm4b:s15+s3], $0x50, $0x38;
	[tilespmem:$0x1B280] =	vst v63  }
0x8f: {  	_ =	swait.ge [sflag:s8], $0x50  }
0x90: {  	[sflag:s8] =	ssyncset.done $0x0  }
0x91: {  	[sflag:s8] =	ssyncadd.s32 $0xFFFFFFB0  }
0x92: {  	[tilespmem:s10], [sflag:$0x2] =	stream.indirect.gather [hbm4b:s1+s5], $0x80, s7, s5, $0xb8;
	[tilespmem:$0x1B280] =	vst v63  }
0x93: {  	_ =	swait.ge [sflag:s11], $0x2800  }
0x94: {  	[sflag:s11] =	ssyncset.done $0x0  }
0x95: {  	[sflag:s11] =	ssyncadd.s32 $0xFFFFD800  }
0x96: {  	[spmem:s2] =	stream.indirect.scatter.add.f32 [tilespmem:s6], [sflag:$0x4], $0x80, s4, s5, $0xb8;
	[tilespmem:$0x1B280] =	vst v63  }
0x97: {  	_ =	swait.ge [sflag:s8], $0x2800  }
0x98: {  	s15 =	sshrl.u32 s17, $0x3;
	[sflag:s8] =	ssyncset.done $0x0  }
0x99: {  	s19 =	sadd.s32 s13, s15;
	[sflag:s8] =	ssyncadd.s32 $0xFFFFD800  }
0x9a: {  	[tilespmem:s3], [sflag:$0x4] =	stream.linear.gather [hbm4b:s19+s3], $0x50, $0x38;
	[tilespmem:$0x1B280] =	vst v63  }
0x9b: {  	_ =	swait.ge [sflag:s8], $0x50  }
0x9c: {  	[sflag:s8] =	ssyncset.done $0x0  }
0x9d: {  	s15 =	sadd.s32 s14, s15;
	[sflag:s8] =	ssyncadd.s32 $0xFFFFFFB0  }
0x9e: {  	[tilespmem:s4], [sflag:$0x4] =	stream.linear.gather [hbm4b:s15+s3], $0x50, $0x38;
	[tilespmem:$0x1B280] =	vst v63  }
0x9f: {  	_ =	swait.ge [sflag:s8], $0x50  }
0xa0: {  	[sflag:s8] =	ssyncset.done $0x0  }
0xa1: {  	[sflag:s8] =	ssyncadd.s32 $0xFFFFFFB0  }
0xa2: {  	[tilespmem:s6], [sflag:$0x1] =	stream.indirect.gather [hbm4b:s1+s5], $0x80, s3, s5, $0xb8;
	[tilespmem:$0x1B280] =	vst v63  }
0xa3: {  	_ =	swait.ge [sflag:s12], $0x2800  }
.Ltmp1:
0xa4: {  	[sflag:s12] =	ssyncset.done $0x0;
	(pc) =	sbr.rel @p1 .LBB2_4-.Ltmp1, $4  }
0xa5: {  	[sflag:s12] =	ssyncadd.s32 $0xFFFFD800  }
0xa6: {  	[spmem:s2] =	stream.indirect.scatter.add.f32 [tilespmem:s10], [sflag:$0x3], $0x80, s9, s5, $0xb8;
	[tilespmem:$0x1B280] =	vst v63  }
0xa7: {  	_ =	swait.ge [sflag:s0], $0x2800  }
0xa8: {  	s29 =	smov.u32 s30;
	s17 =	sadd.s32 $0xA0, s17;
	[sflag:s0] =	ssyncset.done $0x0  }
0xa9: {  	s15 =	sadd.s32 s18, s28;
	[sflag:s0] =	ssyncadd.s32 $0xFFFFD800  }
0xaa: {  	[tilespmem:s7], [sflag:$0x4] =	stream.linear.gather [hbm4b:s15+s3], $0x50, $0x38;
	[tilespmem:$0x1B280] =	vst v63  }
0xab: {  	_ =	swait.ge [sflag:s8], $0x50  }
0xac: {  	[sflag:s8] =	ssyncset.done $0x0  }
0xad: {  	s18 =	sadd.s32 s18, s26;
	[sflag:s8] =	ssyncadd.s32 $0xFFFFFFB0  }
0xae: {  	[tilespmem:s9], [sflag:$0x4] =	stream.linear.gather [hbm4b:s18+s3], $0x50, $0x38;
	[tilespmem:$0x1B280] =	vst v63  }
0xaf: {  	_ =	swait.ge [sflag:s8], $0x50  }
0xb0: {  	[sflag:s8] =	ssyncset.done $0x0  }
0xb1: {  	[sflag:s8] =	ssyncadd.s32 $0xFFFFFFB0  }
0xb2: {  	[tilespmem:s10], [sflag:$0x2] =	stream.indirect.gather [hbm4b:s1+s5], $0x80, s7, s5, $0xb8;
	[tilespmem:$0x1B280] =	vst v63  }
0xb3: {  	_ =	swait.ge [sflag:s11], $0x2800  }
0xb4: {  	[sflag:s11] =	ssyncset.done $0x0  }
0xb5: {  	[sflag:s11] =	ssyncadd.s32 $0xFFFFD800  }
0xb6: {  	[spmem:s2] =	stream.indirect.scatter.add.f32 [tilespmem:s6], [sflag:$0x4], $0x80, s4, s5, $0xb8;
	[tilespmem:$0x1B280] =	vst v63  }
0xb7: {  	_ =	swait.ge [sflag:s8], $0x2800  }
0xb8: {  	s19 =	sshrl.u32 s17, $0x3;
	[sflag:s8] =	ssyncset.done $0x0  }
0xb9: {  	s17 =	sadd.s32 s13, s19;
	[sflag:s8] =	ssyncadd.s32 $0xFFFFD800  }
0xba: {  	[tilespmem:s3], [sflag:$0x4] =	stream.linear.gather [hbm4b:s17+s3], $0x50, $0x38;
	[tilespmem:$0x1B280] =	vst v63  }
0xbb: {  	_ =	swait.ge [sflag:s8], $0x50  }
0xbc: {  	[sflag:s8] =	ssyncset.done $0x0  }
0xbd: {  	s15 =	sadd.s32 s14, s19;
	[sflag:s8] =	ssyncadd.s32 $0xFFFFFFB0  }
0xbe: {  	[tilespmem:s4], [sflag:$0x4] =	stream.linear.gather [hbm4b:s15+s3], $0x50, $0x38;
	[tilespmem:$0x1B280] =	vst v63  }
0xbf: {  	_ =	swait.ge [sflag:s8], $0x50  }
0xc0: {  	[sflag:s8] =	ssyncset.done $0x0  }
0xc1: {  	[sflag:s8] =	ssyncadd.s32 $0xFFFFFFB0  }
0xc2: {  	[tilespmem:s6], [sflag:$0x1] =	stream.indirect.gather [hbm4b:s1+s5], $0x80, s3, s5, $0xb8;
	[tilespmem:$0x1B280] =	vst v63  }
0xc3: {  	_ =	swait.ge [sflag:s12], $0x2800  }
0xc4: {  	[sflag:s12] =	ssyncset.done $0x0  }
0xc5: {  	[sflag:s12] =	ssyncadd.s32 $0xFFFFD800  }
0xc6: {  	[spmem:s2] =	stream.indirect.scatter.add.f32 [tilespmem:s10], [sflag:$0x3], $0x80, s9, s5, $0xb8;
	[tilespmem:$0x1B280] =	vst v63  }
0xc7: {  	_ =	swait.ge [sflag:s0], $0x2800  }
0xc8: {  	[sflag:s0] =	ssyncset.done $0x0  }
0xc9: {  	[sflag:s0] =	ssyncadd.s32 $0xFFFFD800  }
0xca: {  	_ =	swait.ge [sflag:s11], $0x2800  }
0xcb: {  	[sflag:s11] =	ssyncset.done $0x0  }
0xcc: {  	[sflag:s11] =	ssyncadd.s32 $0xFFFFD800  }
0xcd: {  	[spmem:s2] =	stream.indirect.scatter.add.f32 [tilespmem:s6], [sflag:$0x4], $0x80, s4, s5, $0xb8;
	[tilespmem:$0x1B280] =	vst v63  }
0xce: {  	_ =	swait.ge [sflag:s8], $0x2800  }
0xcf: {  	[sflag:s8] =	ssyncset.done $0x0  }
0xd0: {  	s17 =	stileid.u32;
	[sflag:s8] =	ssyncadd.s32 $0xFFFFD800  }
0xd1: {  	s15 =	sshll.u32 s17, $0x6;
	[bflag:$0x0] =	sbarrier.arrive $0xFFFF  }
0xd2: {  	s18 =	sshrl.u32 s20, $0x3;
	s15 =	sor.u32 $0x1C03, s15;
	s19 =	rddreg [dreg:$0x5]  }
0xd3: {  	[hbm:s19], [sflag:s15] =	dma.local [spmem:s18], $0x500  }
0xd4: {  	_ =	swait.ge [sflag:s0], $0x500  }
0xd5: {  	s29 =	smov.u32 s20;
	s20 =	sshrl.u32 s21, $0x3;
	[sflag:s0] =	ssyncset.done $0x0  }
0xd6: {  	s19 =	smov.u32 s21;
	s21 =	rddreg [dreg:$0x6];
	[sflag:s0] =	ssyncadd.s32 $0xFFFFFB00  }
0xd7: {  	[hbm:s21], [sflag:s15] =	dma.local [spmem:s20], $0x500  }
0xd8: {  	_ =	swait.ge [sflag:s0], $0x500  }
0xd9: {  	[sflag:s0] =	ssyncset.done $0x0  }
0xda: {  	s18 =	sshrl.u32 s22, $0x3;
	s20 =	rddreg [dreg:$0x7];
	[sflag:s0] =	ssyncadd.s32 $0xFFFFFB00  }
0xdb: {  	[hbm:s20], [sflag:s15] =	dma.local [spmem:s18], $0x500  }
0xdc: {  	_ =	swait.ge [sflag:s0], $0x500  }
0xdd: {  	s30 =	smov.u32 s22;
	[sflag:s0] =	ssyncset.done $0x0;
	s21 =	rddreg [dreg:$0xf]  }
0xde: {  	s22 =	rddreg [dreg:$0x8];
	[sflag:s0] =	ssyncadd.s32 $0xFFFFFB00;
	s17 =	sshrl.u32 s21, $0x3  }
0xdf: {  	[hbm:s22], [sflag:s15] =	dma.local [spmem:s17], $0x500  }
0xe0: {  	_ =	swait.ge [sflag:s0], $0x500  }
0xe1: {  	[sflag:s0] =	ssyncset.done $0x0;
	s18 =	rddreg [dreg:$0x10]  }
0xe2: {  	s20 =	rddreg [dreg:$0x9];
	[sflag:s0] =	ssyncadd.s32 $0xFFFFFB00;
	s17 =	sshrl.u32 s18, $0x3  }
0xe3: {  	[hbm:s20], [sflag:s15] =	dma.local [spmem:s17], $0x500  }
0xe4: {  	_ =	swait.ge [sflag:s0], $0x500  }
0xe5: {  	[sflag:s0] =	ssyncset.done $0x0  }
0xe6: {  	s21 =	sshrl.u32 s23, $0x3;
	s22 =	rddreg [dreg:$0xa];
	[sflag:s0] =	ssyncadd.s32 $0xFFFFFB00  }
0xe7: {  	[hbm:s22], [sflag:s15] =	dma.local [spmem:s21], $0x500  }
0xe8: {  	_ =	swait.ge [sflag:s0], $0x500  }
0xe9: {  	[sflag:s0] =	ssyncset.done $0x0  }
0xea: {  	s20 =	sshrl.u32 s24, $0x3;
	s21 =	rddreg [dreg:$0xb];
	[sflag:s0] =	ssyncadd.s32 $0xFFFFFB00  }
0xeb: {  	[hbm:s21], [sflag:s15] =	dma.local [spmem:s20], $0x500  }
0xec: {  	_ =	swait.ge [sflag:s0], $0x500  }
0xed: {  	[sflag:s0] =	ssyncset.done $0x0;
	s17 =	rddreg [dreg:$0x4]  }
0xee: {  	s18 =	rddreg [dreg:$0x11];
	[sflag:s0] =	ssyncadd.s32 $0xFFFFFB00  }
0xef: {  	[hbm:s17], [sflag:s15] =	dma.local @!p0 [spmem:s18], $0x500  }
0xf0: {  	s15 =	simm.s32 @!p0 $0x3  }
0xf1: {  	_ =	swait.ge @!p0 [sflag:s15], $0x500  }
0xf2: {  	s16 =	sadd.s32 $0x1, s16;
	s22 =	rddreg [dreg:$0xe]  }
0xf3: {  	p1 =	sne.s32 s16, s22  }
.Ltmp2:
0xf4: {  	_ = 	snop;
	(pc) =	sbr.rel @p1 .LBB2_1-.Ltmp2, $3  }
0xf5: {  	_ =	sdelay $0x1  }
0xf6: {  	[sflag:s15] =	ssyncset.done @!p0 $0x0  }
0xf7: {  	[sflag:s15] =	ssyncadd.s32 @!p0 $0xFFFFFB00  }
0xf8: {  	_ =	sfence.sel $0x180000  }
0xf9: {  	[bflag:$0x0] =	sbarrier.arrive $0xFFFF  }
0xfa: {  	_ =	strace $0x9000004D  }
0xfb: {  	s0 =	stileid.u32;
	[bflag:$0x2] =	sbarrier.arrive $0xFFFF  }
0xfc: {  	p0 =	sne.s32 s0, $0x0;
	s0 =	rddreg [dreg:$0x3]  }
0xfd: {  	s0 =	sadd.s32 @!p0 $0x100000, s0  }
0xfe: {  	[sflag:s0] =	ssyncadd.tile.s32 @!p0 $0x1;
	_ =	shalt  }
.Lfunc_end2:
_tile_overlayer_lowered:
.L_overlay_start_2:
0xff: {  	(tag) =	ssettag $0x2  }
0x100: {  	s0 =	rddreg [dreg:$0x0];
	s2 =	stileid.u32  }
0x101: {  	s1 =	rddreg [dreg:$0x1];
	p0 =	sne.s32 s2, $0x0  }
0x102: {  	s3 =	rddreg [dreg:$0x2];
	[bflag:$0x3] =	sbarrier.arrive $0xFFFF;
	s2 =	simm.s32 @!p0 $0x1C03  }
0x103: {  	[timem:s3], [sflag:s2] =	dma.local @!p0 [hbm:s0], s1  }
0x104: {  	s0 =	simm.s32 @!p0 $0x3  }
0x105: {  	_ =	swait.ge @!p0 [sflag:s0], s1  }
0x106: {  	s1 =	ssub.s32 @!p0 $0x0, s1;
	[sflag:s0] =	ssyncset.done @!p0 $0x0  }
0x107: {  	[sflag:s0] =	ssyncadd.s32 @!p0 s1  }
0x108: {  	[bflag:$0x3] =	sbarrier.arrive $0xFFFF  }
0x109: {  	_ =	shalt  }

// kernel: kernel.9.cloned.1.call-start
scs
__scs_entry_jumppad:
0x0: {  	(pc) =	sbr.rel $0x88, $3  }
0x1: {  	(tag) =	ssettag $0x0;
	lr =	simm.s32 $0x1  }
0x2: {  	[smem:$0x3F87] =	sst lr;
	_ =	strace $0xD0000000  }
0x3: {  	_ = 	snop  }
0x4: {  	_ = 	snop  }
0x5: {  	_ = 	snop  }
0x6: {  	_ = 	snop  }
0x7: {  	_ = 	snop  }
__scs_overlays_trampoline_lowered:
0x8: {  	[smem:$0x3F96] =	sst s0  }
0x9: {  	[smem:$0x3F97] =	sst s1  }
0xa: {  	[smem:$0x3F98] =	sst s2  }
0xb: {  	[smem:$0x3F99] =	sst s3  }
0xc: {  	[smem:$0x3F9A] =	sst s4  }
0xd: {  	[smem:$0x3F9B] =	sst s5  }
0xe: {  	[smem:$0x3F9C] =	sst s6  }
0xf: {  	[smem:$0x3F9D] =	sst s7  }
0x10: {  	[smem:$0x3F9E] =	sst s8  }
0x11: {  	[smem:$0x3F9F] =	sst s9;
	s0 =	simm.s32 @!p0 $0x0  }
0x12: {  	s1 =	sld [smem:$0x3F85];
	s0 =	simm.s32 @p0 $0x1  }
0x13: {  	[smem:$0x3FA0] =	sst s0;
	s0 =	simm.s32 @!p1 $0x0  }
0x14: {  	s2 =	sld [smem:$0x3F84];
	s0 =	simm.s32 @p1 $0x1  }
0x15: {  	[smem:$0x3FA1] =	sst s0;
	s0 =	simm.s32 @!p2 $0x0  }
0x16: {  	s3 =	sld [smem:$0x3FDB];
	s0 =	simm.s32 @p2 $0x1  }
0x17: {  	s4 =	simm.s32 $0x1BF5;
	[smem:$0x3FA3] =	sst s0  }
0x18: {  	s0 =	sld [smem:$0x3F86];
	_ =	swait.ge [sflag:s4], $0x0  }
0x19: {  	s7 =	sld [smem:$0x3F87]  }
0x1a: {  	s8 =	sadd.s32 $0xFFFFE003, lr  }
0x1b: {  	s9 =	sadd.s32 $0xFFFFFEF7, lr;
	s5 =	simm.s32 $0xFFFFFFFF;
	p2 =	slt.u32 s8, $0xFFFFF086  }
0x1c: {  	p1 =	slt.u32 s9, $0xF7A;
	s5 =	simm.s32 @!p2 $0x0  }
0x1d: {  	s5 =	simm.s32 @p1 $0x1;
	p0 =	seq.s32 s7, s2  }
0x1e: {  	s7 =	smul.u32 @!p0 $0xF7A, s2;
	p2 =	seq.s32 @!p0 s5, $0x0  }
0x1f: {  	s9 =	smul.u32 $0xF7A, s1;
	s8 =	simm.s32 @!p0 $0x1BF5;
	p2 =	por !p2, p0  }
0x20: {  	[sflag:s8] =	ssyncset.s32 @!p0 $0xFFFFF086;
	s6 =	sadd.s32 @!p0 s3, s7;
	s7 =	simm.s32 @!p0 $0x108  }
0x21: {  	s3 =	sadd.s32 s3, s9;
	s6 =	sadd.s32 @!p0 $0x88, s6;
	s7 =	simm.s32 @p2 $0x1082  }
0x22: {  	[simem:s7], [sflag:s8] =	dma.local @!p0 [hbm:s6], $0xF7A  }
0x23: {  	s9 =	sor.u32 $0xD0000000, s2;
	s6 =	simm.s32 $0x108;
	_ =	swait.ge @!p0 [sflag:s8], $0x0  }
0x24: {  	s3 =	sadd.s32 $0x88, s3;
	s6 =	simm.s32 @!p1 $0x1082;
	[sflag:s4] =	ssyncset.s32 $0xFFFFF086  }
0x25: {  	[simem:s6], [sflag:s4] =	dma.local [hbm:s3], $0xF7A  }
0x26: {  	[smem:$0x3F87] =	sst s1;
	(tag) =	ssettag s2;
	_ =	strace s9  }
0x27: {  	s1 =	sld [smem:$0x3F97]  }
0x28: {  	s2 =	sld [smem:$0x3F98]  }
0x29: {  	s4 =	sld [smem:$0x3F9A]  }
0x2a: {  	p0 =	seq.s32 s5, $0x0;
	s5 =	sld [smem:$0x3F9B]  }
0x2b: {  	s6 =	sld [smem:$0x3F9C]  }
0x2c: {  	s7 =	sld [smem:$0x3F9D]  }
0x2d: {  	s3 =	simm.s32 $0x108;
	s8 =	sld [smem:$0x3F9E]  }
0x2e: {  	s3 =	simm.s32 @!p0 $0x1082;
	s9 =	sld [smem:$0x3F9F]  }
0x2f: {  	lr =	sadd.s32 s0, s3;
	s0 =	sld [smem:$0x3F96]  }
0x30: {  	s3 =	sld [smem:$0x3F99]  }
0x31: {  	[smem:$0x3FA2] =	sst s10  }
0x32: {  	s10 =	sld [smem:$0x3FA0];
	_ =	sdelay $0x3  }
0x33: {  	p0 =	seq.s32 s10, $0x1;
	s10 =	sld [smem:$0x3FA2];
	_ =	sdelay $0x3  }
0x34: {  	[smem:$0x3FA2] =	sst s10  }
0x35: {  	s10 =	sld [smem:$0x3FA1];
	_ =	sdelay $0x3  }
0x36: {  	p1 =	seq.s32 s10, $0x1;
	s10 =	sld [smem:$0x3FA2];
	_ =	sdelay $0x3  }
0x37: {  	[smem:$0x3FA2] =	sst s10  }
0x38: {  	s10 =	sld [smem:$0x3FA3]  }
0x39: {  	_ = 	snop;
	(pc) =	sbr.ind lr, $3  }
0x3a: {  	_ = 	snop  }
0x3b: {  	_ = 	snop  }
0x3c: {  	p2 =	seq.s32 s10, $0x1;
	s10 =	sld [smem:$0x3FA2]  }
0x3d: {  	_ =	shalt  }
0x3e: {  	_ =	shalt  }
0x3f: {  	_ =	shalt  }
0x40: {  	_ =	shalt  }
0x41: {  	_ =	shalt  }
0x42: {  	_ =	shalt  }
0x43: {  	_ =	shalt  }
0x44: {  	_ =	shalt  }
0x45: {  	_ =	shalt  }
0x46: {  	_ =	shalt  }
0x47: {  	_ =	shalt  }
0x48: {  	_ =	shalt  }
0x49: {  	_ =	shalt  }
0x4a: {  	_ =	shalt  }
0x4b: {  	_ =	shalt  }
0x4c: {  	_ =	shalt  }
0x4d: {  	_ =	shalt  }
0x4e: {  	_ =	shalt  }
0x4f: {  	_ =	shalt  }
0x50: {  	_ =	shalt  }
0x51: {  	_ =	shalt  }
0x52: {  	_ =	shalt  }
0x53: {  	_ =	shalt  }
0x54: {  	_ =	shalt  }
0x55: {  	_ =	shalt  }
0x56: {  	_ =	shalt  }
0x57: {  	_ =	shalt  }
0x58: {  	_ =	shalt  }
0x59: {  	_ =	shalt  }
0x5a: {  	_ =	shalt  }
0x5b: {  	_ =	shalt  }
0x5c: {  	_ =	shalt  }
0x5d: {  	_ =	shalt  }
0x5e: {  	_ =	shalt  }
0x5f: {  	_ =	shalt  }
0x60: {  	_ =	shalt  }
0x61: {  	_ =	shalt  }
0x62: {  	_ =	shalt  }
0x63: {  	_ =	shalt  }
0x64: {  	_ =	shalt  }
0x65: {  	_ =	shalt  }
0x66: {  	_ =	shalt  }
0x67: {  	_ =	shalt  }
0x68: {  	_ =	shalt  }
0x69: {  	_ =	shalt  }
0x6a: {  	_ =	shalt  }
0x6b: {  	_ =	shalt  }
0x6c: {  	_ =	shalt  }
0x6d: {  	_ =	shalt  }
0x6e: {  	_ =	shalt  }
0x6f: {  	_ =	shalt  }
0x70: {  	_ =	shalt  }
0x71: {  	_ =	shalt  }
0x72: {  	_ =	shalt  }
0x73: {  	_ =	shalt  }
0x74: {  	_ =	shalt  }
0x75: {  	_ =	shalt  }
0x76: {  	_ =	shalt  }
0x77: {  	_ =	shalt  }
0x78: {  	_ =	shalt  }
0x79: {  	_ =	shalt  }
0x7a: {  	_ =	shalt  }
0x7b: {  	_ =	shalt  }
0x7c: {  	_ =	shalt  }
0x7d: {  	_ =	shalt  }
0x7e: {  	_ =	shalt  }
0x7f: {  	_ =	shalt  }
0x80: {  	_ =	shalt  }
0x81: {  	_ =	shalt  }
0x82: {  	_ =	shalt  }
0x83: {  	_ =	shalt  }
0x84: {  	_ =	shalt  }
0x85: {  	_ =	shalt  }
0x86: {  	_ =	shalt  }
0x87: {  	_ =	shalt  }
.Lfunc_end0:
.L_simem_size_0:
called_computation_lowered:
.L_overlay_start_0:
0x88: {  	s2 =	sld [smem:$0x3FD9]  }
0x89: {  	s3 =	sld [smem:$0x3FFE];
	_ =	sdelay $0x1  }
0x8a: {  	s1 =	srdreg.scid  }
0x8b: {  	s0 =	sand.u32 $0x1, s1  }
0x8c: {  	s16 =	sshll.u32 s0, $0xA;
	s2 =	sadd.s32 s3, s2  }
0x8d: {  	s2 =	sadd.s32 s2, s16  }
0x8e: {  	[smem:$0x3FAE] =	sst s2  }
0x8f: {  	_ = 	snop  }
0x90: {  	(tm) =	ssettm $0x1  }
0x91: {  	s17 =	sld [smem:$0x3FFB];
	_ =	sdelay $0x3  }
0x92: {  	_ =	strace s17  }
0x93: {  	s2 =	sld [smem:$0x3FFC];
	_ =	sdelay $0x3  }
0x94: {  	_ =	strace s2  }
0x95: {  	s2 =	sld [smem:$0x3FFD];
	_ =	sdelay $0x3  }
0x96: {  	_ =	strace s2  }
0x97: {  	_ =	strace $0x8FFFFFFF  }
0x98: {  	s18 =	sld [smem:$0x3FDB];
	_ =	sdelay $0x1  }
0x99: {  	s19 =	simm.s32 $_scs_section_size  }
0x9a: {  	s4 =	simm.s32 $_size__tile_overlayer_lowered;
	s5 =	simm.s32 $_tile_overlayer_lowered  }
0x9b: {  	s22 =	simm.s32 $0x1BFF;
	s21 =	sshll.u32 s5, $0x1;
	s2 =	sadd.s32 s19, s18  }
0x9c: {  	s6 =	simm.s32 $0x0;
	s20 =	sshll.u32 s4, $0x1;
	s4 =	sadd.s32 s21, s2  }
0x9d: {  	[timem:s6], [sflag:s22] =	dma.local [hbm:s4], s20  }
0x9e: {  	_ =	swait.ge [sflag:s22], s20  }
0x9f: {  	s3 =	ssub.s32 $0x0, s20;
	[sflag:s22] =	ssyncset.done $0x0  }
0xa0: {  	[sflag:s22] =	ssyncadd.s32 s3;
	_ =	sdelay $0x1  }
0xa1: {  	s23 =	simm.s32 $0x1B8B  }
0xa2: {  	_ =	swait.ge [sflag:s23], $0x1  }
0xa3: {  	[sflag:s23] =	ssyncset.done $0x0  }
0xa4: {  	s25 =	simm.s32 $0x1B8E;
	s24 =	sld [smem:$0x3FFE];
	[sflag:s23] =	ssyncadd.s32 $0xFFFFFFFF  }
0xa5: {  	s26 =	simm.s32 $execute0_lowered;
	[smem:$0x3FD2] =	sst s25  }
0xa6: {  	s4 =	sshll.u32 s26, $0x1;
	_ =	strace $0x80000046;
	[dreg:$0x1] =	wrdreg $0xFFFFFFFF  }
0xa7: {  	s28 =	simm.s32 $_size_execute0_lowered;
	s2 =	sadd.s32 s2, s4;
	[dreg:$0x0] =	wrdreg $0x0  }
0xa8: {  	s4 =	sshll.u32 s28, $0x1;
	[dreg:$0x2] =	wrdreg s2  }
0xa9: {  	[dreg:$0x3] =	wrdreg s4  }
0xaa: {  	[dreg:$0x4] =	wrdreg $0xC0  }
0xab: {  	_ =	task [dreg:s6], $0x5FFFF  }
0xac: {  	[dreg:$0x1] =	wrdreg $0xFFFFFFFF  }
0xad: {  	[dreg:$0x0] =	wrdreg $0x60  }
0xae: {  	[dreg:$0x2] =	wrdreg s24  }
0xaf: {  	[dreg:$0x3] =	wrdreg $0x51000  }
0xb0: {  	[dreg:$0x4] =	wrdreg $0x9  }
0xb1: {  	_ =	task.clear_ibuf [dreg:s6], $0x5FFFF;
	_ =	strace $0x90000046  }
0xb2: {  	s29 =	simm.s32 $0x9;
	_ =	strace $0x80000048  }
0xb3: {  	_ =	swait.ge [sflag:s29], $0x1  }
0xb4: {  	[sflag:s29] =	ssyncadd.s32 $0xFFFFFFFF  }
0xb5: {  	_ =	strace $0x90000048  }
0xb6: {  	_ =	sfence  }
0xb7: {  	s30 =	sld [smem:$0x0];
	_ =	sdelay $0x2  }
0xb8: {  	s31 =	sshll.u32 s1, $0xD;
	s1 =	sshrl.u32 s1, $0x2  }
0xb9: {  	s3 =	sand.u32 $0x4000, s31;
	s1 =	sadd.s32 s1, s30  }
0xba: {  	s0 =	sor.u32 s3, s0;
	s1 =	sshll.u32 s1, $0x11  }
0xbb: {  	s0 =	sor.u32 s1, s0  }
0xbc: {  	s0 =	sadd.s32 $0x8F2B, s0  }
0xbd: {  	[sflag:s0] =	ssyncadd.remote.s32 $0x1  }
0xbe: {  	_ =	sfence.sel $0xFFFF  }
0xbf: {  	[dreg:$0x0] =	wrdreg $0xFFFFFFFF;
	(pc) =	sbr.abs _section_cstart, $3  }
0xc0: {  	[dreg:$0x1] =	wrdreg $0xFFFFFFFF  }
0xc1: {  	_ =	task.clear_ibuf [dreg:s6], $0x2FFFF;
	_ =	strace $0x9FFFFFFF  }
0xc2: {  	(tm) =	ssettm $0x7FFFFFFF  }
0xc3: {  	_ =	shalt  }
tec
execute0_lowered:
.L_overlay_start_1:
0x0: {  	(tag) =	ssettag $0x1  }
0x1: {  	s25 =	stileid.u32  }
0x2: {  	s5 =	smul.u32 $0xA000, s25  }
0x3: {  	s2 =	srdreg.scid;
	s9 =	smul.u32 $0x2800, s25  }
0x4: {  	s2 =	sand.u32 $0x1, s2;
	s21 =	smul.u32 $0x2710, s25  }
0x5: {  	s10 =	sor.u32 $0x10, s25;
	s7 =	smul.u32 $0x138800, s2  }
0x6: {  	s12 =	sor.u32 $0x20, s25;
	s13 =	smul.u32 $0x2800, s10  }
0x7: {  	s0 =	rddreg [dreg:$0x0];
	s14 =	sor.u32 $0x30, s25;
	s15 =	smul.u32 $0x2800, s12  }
0x8: {  	s1 =	rddreg [dreg:$0x1];
	s16 =	sor.u32 $0x40, s25;
	s17 =	smul.u32 $0x2800, s14  }
0x9: {  	s3 =	simm.s32 $0x0;
	s19 =	sor.u32 $0x50, s25;
	s23 =	smul.u32 $0x2800, s16  }
0xa: {  	s4 =	sshll.u32 s2, $0x4;
	s8 =	ssub.s32 $0x2, s2;
	s2 =	smul.u32 $0x27100, s2  }
0xb: {  	s28 =	simm.s32 $0x3;
	s20 =	sor.u32 $0x60, s25;
	s24 =	smul.u32 $0x2800, s19  }
0xc: {  	s29 =	simm.s32 $0x80;
	s30 =	simm.s32 $0x1;
	s26 =	smul.u32 $0x2800, s20  }
0xd: {  	s31 =	simm.s32 $0x50;
	[smem:$0x7FF] =	sst s3;
	s10 =	smul.u32 $0xA000, s10  }
0xe: {  	p0 =	sgt.u32 s25, $0xC;
	_ =	strace $0x80000047;
	s14 =	smul.u32 $0xA000, s14  }
0xf: {  	s4 =	sor.u32 s25, s4;
	s11 =	sshrl.u32 s8, $0x1;
	s5 =	sshrl.u32 s5, $0x2  }
0x10: {  	s18 =	sadd.s32 $0x118000, s9;
	s6 =	smul.u32 $0x2710, s4;
	s4 =	sadd.s32 $0xE600, s0  }
0x11: {  	s0 =	sadd.s32 $0x18400, s0;
	s5 =	sadd.s32 s5, s1;
	s8 =	ssub.s32 s8, s11  }
0x12: {  	s9 =	sadd.s32 s7, s9;
	s15 =	sadd.s32 s7, s15;
	s2 =	sadd.s32 s21, s2  }
0x13: {  	s17 =	sadd.s32 s7, s17;
	s23 =	sadd.s32 s7, s23;
	s24 =	sadd.s32 s7, s24  }
0x14: {  	s21 =	sadd.s32 s7, s26;
	s26 =	smul.u32 $0xA000, s16;
	s14 =	sshrl.u32 s14, $0x2  }
0x15: {  	s16 =	smul.u32 $0xA000, s19;
	s22 =	sadd.s32 $0x118000, s5;
	s8 =	smax.u32 s8, $0x1  }
0x16: {  	s9 =	sshrl.u32 s9, $0x3;
	[dreg:$0x3] =	wrdreg s22;
	s6 =	sshrl.u32 s6, $0x3  }
0x17: {  	s22 =	sadd.s32 s7, s13;
	s7 =	sadd.s32 s7, s18;
	s13 =	smul.u32 $0xA000, s12  }
0x18: {  	[dreg:$0x6] =	wrdreg s8;
	s12 =	sadd.s32 s14, s1;
	s19 =	sshrl.u32 s16, $0x2  }
0x19: {  	s6 =	sadd.s32 s4, s6;
	s11 =	sshrl.u32 s7, $0x3;
	s14 =	sadd.s32 s19, s1  }
0x1a: {  	s19 =	sshrl.u32 s15, $0x3;
	[dreg:$0x4] =	wrdreg s6;
	s6 =	sadd.s32 s0, s11  }
0x1b: {  	s7 =	sshrl.u32 s13, $0x2;
	[dreg:$0x5] =	wrdreg s6;
	s6 =	sadd.s32 s18, s1  }
0x1c: {  	s18 =	sshrl.u32 s10, $0x2;
	s11 =	sadd.s32 s7, s1;
	s7 =	sadd.s32 s0, s9  }
0x1d: {  	s10 =	sadd.s32 s18, s1;
	s18 =	sshrl.u32 s26, $0x2;
	s26 =	smul.u32 $0xA000, s20  }
0x1e: {  	[dreg:$0x7] =	wrdreg s7;
	s20 =	sshrl.u32 s17, $0x3;
	s25 =	sshrl.u32 @!p0 s6, $0x3  }
0x1f: {  	s6 =	simm.s32 $0x2;
	s13 =	sadd.s32 s18, s1;
	s18 =	sshrl.u32 s22, $0x3  }
0x20: {  	s22 =	sshrl.u32 s23, $0x3;
	s23 =	sshrl.u32 s24, $0x3;
	s24 =	sshrl.u32 s21, $0x3  }
0x21: {  	s16 =	sshrl.u32 s26, $0x2;
	s7 =	sadd.s32 s0, s18;
	s18 =	sadd.s32 s0, s20  }
0x22: {  	s20 =	sadd.s32 s0, s23;
	s21 =	sadd.s32 s0, s24;
	s26 =	sadd.s32 $0x50, s2  }
0x23: {  	s23 =	sadd.s32 $0xA0, s2;
	s2 =	simm.s32 $0x4;
	[dreg:$0x8] =	wrdreg s7  }
0x24: {  	s7 =	sadd.s32 s0, s19;
	s19 =	sadd.s32 s0, s22;
	s22 =	sadd.s32 s16, s1  }
0x25: {  	s0 =	sshrl.u32 s26, $0x3;
	s26 =	simm.s32 $0x2900;
	[dreg:$0x9] =	wrdreg s7  }
0x26: {  	v0 =	vimm.f32 $1.000000000e+00;
	v1 =	vimm.f32 $0.0e+00;
	s24 =	sadd.s32 s0, s4;
	s0 =	simm.s32 $0x100;
	s7 =	simm.s32 $0x0  }
.LBB2_1:
0x27: {  	s8 =	simm.s32 $0x70;
	s9 =	simm.s32 $0x3C0  }
.LBB2_2:
0x28: {  	p1 =	sne.s32 s9, $0x9FC0;
	[tilespmem:s8+$0x100] =	vst v0  }
0x29: {  	[tilespmem:s8+$0x90] =	vst v0  }
0x2a: {  	[tilespmem:s8+$0xA0] =	vst v0  }
.Ltmp0:
0x2b: {  	[tilespmem:s8+$0xB0] =	vst v0;
	(pc) =	sbr.rel @p1 .LBB2_2-.Ltmp0, $4  }
0x2c: {  	[tilespmem:s8+$0xC0] =	vst v0  }
0x2d: {  	[tilespmem:s8+$0xD0] =	vst v0  }
0x2e: {  	[tilespmem:s8+$0xE0] =	vst v0  }
0x2f: {  	[tilespmem:s8+$0xF0] =	vst v0;
	s8 =	sshra.s32 s9, $0x2;
	s9 =	sadd.s32 $0x200, s9  }
0x30: {  	[tilespmem:s8+$0x100] =	vst v0  }
0x31: {  	[tilespmem:s8+$0x90] =	vst v0  }
0x32: {  	[tilespmem:s8+$0xA0] =	vst v0  }
0x33: {  	[tilespmem:s8+$0xB0] =	vst v0  }
0x34: {  	[tilespmem:s8+$0xC0] =	vst v0  }
0x35: {  	[tilespmem:s8+$0xD0] =	vst v0  }
0x36: {  	[tilespmem:s8+$0xE0] =	vst v0  }
0x37: {  	[tilespmem:s8+$0xF0] =	vst v0;
	s8 =	simm.s32 $0x70;
	s9 =	simm.s32 $0x3C0  }
.LBB2_4:
0x38: {  	p1 =	sne.s32 s9, $0x9FC0;
	[tilespmem:s8+$0x2900] =	vst v1  }
0x39: {  	[tilespmem:s8+$0x2890] =	vst v1  }
0x3a: {  	[tilespmem:s8+$0x28A0] =	vst v1  }
.Ltmp1:
0x3b: {  	[tilespmem:s8+$0x28B0] =	vst v1;
	(pc) =	sbr.rel @p1 .LBB2_4-.Ltmp1, $4  }
0x3c: {  	[tilespmem:s8+$0x28C0] =	vst v1  }
0x3d: {  	[tilespmem:s8+$0x28D0] =	vst v1  }
0x3e: {  	[tilespmem:s8+$0x28E0] =	vst v1  }
0x3f: {  	[tilespmem:s8+$0x28F0] =	vst v1;
	s8 =	sshra.s32 s9, $0x2;
	s9 =	sadd.s32 $0x200, s9  }
0x40: {  	[tilespmem:s8+$0x2900] =	vst v1  }
0x41: {  	[tilespmem:s8+$0x2890] =	vst v1  }
0x42: {  	[tilespmem:s8+$0x28A0] =	vst v1  }
0x43: {  	[tilespmem:s8+$0x28B0] =	vst v1  }
0x44: {  	[tilespmem:s8+$0x28C0] =	vst v1  }
0x45: {  	[tilespmem:s8+$0x28D0] =	vst v1  }
0x46: {  	[tilespmem:s8+$0x28E0] =	vst v1  }
0x47: {  	[tilespmem:s8+$0x28F0] =	vst v1  }
0x48: {  	[spmem:s5] =	stream.linear.scatter [tilespmem:s26], [sflag:$0x3], $0x2800, $0x38;
	[tilespmem:$0x18980] =	vst v63  }
0x49: {  	_ =	swait.ge [sflag:s28], $0x2800  }
0x4a: {  	[sflag:s28] =	ssyncset.done $0x0  }
0x4b: {  	[sflag:s28] =	ssyncadd.s32 $0xFFFFD800  }
0x4c: {  	[spmem:s10] =	stream.linear.scatter [tilespmem:s26], [sflag:$0x3], $0x2800, $0x38;
	[tilespmem:$0x18980] =	vst v63  }
0x4d: {  	_ =	swait.ge [sflag:s28], $0x2800  }
0x4e: {  	[sflag:s28] =	ssyncset.done $0x0  }
0x4f: {  	[sflag:s28] =	ssyncadd.s32 $0xFFFFD800  }
0x50: {  	[spmem:s11] =	stream.linear.scatter [tilespmem:s26], [sflag:$0x3], $0x2800, $0x38;
	[tilespmem:$0x18980] =	vst v63  }
0x51: {  	_ =	swait.ge [sflag:s28], $0x2800  }
0x52: {  	[sflag:s28] =	ssyncset.done $0x0  }
0x53: {  	[sflag:s28] =	ssyncadd.s32 $0xFFFFD800  }
0x54: {  	[spmem:s12] =	stream.linear.scatter [tilespmem:s26], [sflag:$0x3], $0x2800, $0x38;
	[tilespmem:$0x18980] =	vst v63  }
0x55: {  	_ =	swait.ge [sflag:s28], $0x2800  }
0x56: {  	[sflag:s28] =	ssyncset.done $0x0  }
0x57: {  	[sflag:s28] =	ssyncadd.s32 $0xFFFFD800  }
0x58: {  	[spmem:s13] =	stream.linear.scatter [tilespmem:s26], [sflag:$0x3], $0x2800, $0x38;
	[tilespmem:$0x18980] =	vst v63  }
0x59: {  	_ =	swait.ge [sflag:s28], $0x2800  }
0x5a: {  	[sflag:s28] =	ssyncset.done $0x0  }
0x5b: {  	[sflag:s28] =	ssyncadd.s32 $0xFFFFD800  }
0x5c: {  	[spmem:s14] =	stream.linear.scatter [tilespmem:s26], [sflag:$0x3], $0x2800, $0x38;
	[tilespmem:$0x18980] =	vst v63  }
0x5d: {  	_ =	swait.ge [sflag:s28], $0x2800  }
0x5e: {  	[sflag:s28] =	ssyncset.done $0x0  }
0x5f: {  	[sflag:s28] =	ssyncadd.s32 $0xFFFFD800  }
0x60: {  	[spmem:s22] =	stream.linear.scatter [tilespmem:s26], [sflag:$0x3], $0x2800, $0x38;
	[tilespmem:$0x18980] =	vst v63  }
0x61: {  	_ =	swait.ge [sflag:s28], $0x2800  }
0x62: {  	[sflag:s28] =	ssyncset.done $0x0  }
0x63: {  	s8 =	simm.s32 @!p0 $0x2900;
	s9 =	rddreg [dreg:$0x3];
	[sflag:s28] =	ssyncadd.s32 $0xFFFFD800  }
0x64: {  	[spmem:s9] =	stream.linear.scatter @!p0 [tilespmem:s8], [sflag:$0x3], $0x2800, $0x38;
	[tilespmem:$0x18980] =	vst v63  }
0x65: {  	s8 =	simm.s32 @!p0 $0x3  }
0x66: {  	_ =	swait.ge @!p0 [sflag:s8], $0x2800  }
0x67: {  	[sflag:s8] =	ssyncset.done @!p0 $0x0  }
0x68: {  	[sflag:s8] =	ssyncadd.s32 @!p0 $0xFFFFD800  }
0x69: {  	[bflag:$0x0] =	sbarrier.arrive $0xFFFF  }
0x6a: {  	s9 =	simm.s32 $0x0;
	s15 =	rddreg [dreg:$0x4]  }
0x6b: {  	[tilespmem:s9], [sflag:$0x1] =	stream.linear.gather [hbm4b:s15+s9], $0x50, $0x38;
	[tilespmem:$0x18980] =	vst v63  }
0x6c: {  	s16 =	sadd.s32 $0x0, s24  }
0x6d: {  	[tilespmem:s29], [sflag:$0x2] =	stream.linear.gather [hbm4b:s16+s3], $0x50, $0x38;
	[tilespmem:$0x18980] =	vst v63  }
0x6e: {  	_ =	swait.ge [sflag:s30], $0x50  }
0x6f: {  	[sflag:s30] =	ssyncset.done $0x0  }
0x70: {  	[sflag:s30] =	ssyncadd.s32 $0xFFFFFFB0  }
0x71: {  	[spmem:s1] =	stream.indirect.scatter.add.f32 [tilespmem:s0], [sflag:$0x4], $0x80, s3, s31, $0xb8;
	[tilespmem:$0x18980] =	vst v63  }
0x72: {  	_ =	swait.ge [sflag:s2], $0x2800  }
0x73: {  	s17 =	sshrl.u32 s23, $0x3;
	[sflag:s2] =	ssyncset.done $0x0  }
0x74: {  	s8 =	sadd.s32 s4, s17;
	[sflag:s2] =	ssyncadd.s32 $0xFFFFD800  }
0x75: {  	[tilespmem:s3], [sflag:$0x1] =	stream.linear.gather [hbm4b:s8+s3], $0x50, $0x38;
	[tilespmem:$0x18980] =	vst v63  }
0x76: {  	_ =	swait.ge [sflag:s6], $0x50  }
0x77: {  	[sflag:s6] =	ssyncset.done $0x0  }
0x78: {  	[sflag:s6] =	ssyncadd.s32 $0xFFFFFFB0  }
0x79: {  	[spmem:s1] =	stream.indirect.scatter.add.f32 [tilespmem:s0], [sflag:$0x3], $0x80, s29, s31, $0xb8;
	[tilespmem:$0x18980] =	vst v63  }
0x7a: {  	s9 =	simm.s32 $0x14;
	_ =	swait.ge [sflag:s28], $0x2800  }
0x7b: {  	s15 =	simm.s32 $0x28;
	s8 =	sadd.s32 $0xA0, s23;
	[sflag:s28] =	ssyncset.done $0x0  }
.LBB2_6:
0x7c: {  	s16 =	sadd.s32 s9, s24  }
0x7d: {  	[sflag:s28] =	ssyncadd.s32 $0xFFFFD800;
	s9 =	smov.u32 s15;
	s17 =	sadd.s32 $0x14, s15  }
0x7e: {  	[tilespmem:s29], [sflag:$0x2] =	stream.linear.gather [hbm4b:s16+s3], $0x50, $0x38;
	[tilespmem:$0x18980] =	vst v63  }
0x7f: {  	p1 =	sne.s32 s15, $0x4C4;
	_ =	swait.ge [sflag:s30], $0x50  }
0x80: {  	[sflag:s30] =	ssyncset.done $0x0  }
0x81: {  	[sflag:s30] =	ssyncadd.s32 $0xFFFFFFB0  }
0x82: {  	[spmem:s1] =	stream.indirect.scatter.add.f32 [tilespmem:s0], [sflag:$0x4], $0x80, s3, s31, $0xb8;
	[tilespmem:$0x18980] =	vst v63  }
0x83: {  	_ =	swait.ge [sflag:s2], $0x2800  }
0x84: {  	s15 =	sshrl.u32 s8, $0x3;
	[sflag:s2] =	ssyncset.done $0x0  }
0x85: {  	s15 =	sadd.s32 s4, s15;
	[sflag:s2] =	ssyncadd.s32 $0xFFFFD800  }
0x86: {  	[tilespmem:s3], [sflag:$0x1] =	stream.linear.gather [hbm4b:s15+s3], $0x50, $0x38;
	[tilespmem:$0x18980] =	vst v63  }
0x87: {  	_ =	swait.ge [sflag:s6], $0x50  }
.Ltmp2:
0x88: {  	[sflag:s6] =	ssyncset.done $0x0;
	(pc) =	sbr.rel @p1 .LBB2_6-.Ltmp2, $4  }
0x89: {  	[sflag:s6] =	ssyncadd.s32 $0xFFFFFFB0  }
0x8a: {  	[spmem:s1] =	stream.indirect.scatter.add.f32 [tilespmem:s0], [sflag:$0x3], $0x80, s29, s31, $0xb8;
	[tilespmem:$0x18980] =	vst v63  }
0x8b: {  	_ =	swait.ge [sflag:s28], $0x2800  }
0x8c: {  	s8 =	sadd.s32 $0xA0, s8;
	s15 =	smov.u32 s17;
	[sflag:s28] =	ssyncset.done $0x0  }
0x8d: {  	s9 =	sadd.s32 s9, s24;
	[sflag:s28] =	ssyncadd.s32 $0xFFFFD800  }
0x8e: {  	[tilespmem:s29], [sflag:$0x2] =	stream.linear.gather [hbm4b:s9+s3], $0x50, $0x38;
	[tilespmem:$0x18980] =	vst v63  }
0x8f: {  	_ =	swait.ge [sflag:s30], $0x50  }
0x90: {  	[sflag:s30] =	ssyncset.done $0x0  }
0x91: {  	[sflag:s30] =	ssyncadd.s32 $0xFFFFFFB0  }
0x92: {  	[spmem:s1] =	stream.indirect.scatter.add.f32 [tilespmem:s0], [sflag:$0x4], $0x80, s3, s31, $0xb8;
	[tilespmem:$0x18980] =	vst v63  }
0x93: {  	_ =	swait.ge [sflag:s2], $0x2800  }
0x94: {  	s8 =	sshrl.u32 s8, $0x3;
	[sflag:s2] =	ssyncset.done $0x0  }
0x95: {  	s8 =	sadd.s32 s4, s8;
	[sflag:s2] =	ssyncadd.s32 $0xFFFFD800  }
0x96: {  	[tilespmem:s3], [sflag:$0x1] =	stream.linear.gather [hbm4b:s8+s3], $0x50, $0x38;
	[tilespmem:$0x18980] =	vst v63  }
0x97: {  	_ =	swait.ge [sflag:s6], $0x50  }
0x98: {  	[sflag:s6] =	ssyncset.done $0x0  }
0x99: {  	[sflag:s6] =	ssyncadd.s32 $0xFFFFFFB0  }
0x9a: {  	[spmem:s1] =	stream.indirect.scatter.add.f32 [tilespmem:s0], [sflag:$0x3], $0x80, s29, s31, $0xb8;
	[tilespmem:$0x18980] =	vst v63  }
0x9b: {  	_ =	swait.ge [sflag:s28], $0x2800  }
0x9c: {  	[sflag:s28] =	ssyncset.done $0x0  }
0x9d: {  	[sflag:s28] =	ssyncadd.s32 $0xFFFFD800  }
0x9e: {  	_ =	swait.ge [sflag:s30], $0x50  }
0x9f: {  	[sflag:s30] =	ssyncset.done $0x0  }
0xa0: {  	[sflag:s30] =	ssyncadd.s32 $0xFFFFFFB0  }
0xa1: {  	[spmem:s1] =	stream.indirect.scatter.add.f32 [tilespmem:s0], [sflag:$0x4], $0x80, s3, s31, $0xb8;
	[tilespmem:$0x18980] =	vst v63  }
0xa2: {  	_ =	swait.ge [sflag:s2], $0x2800  }
0xa3: {  	[sflag:s2] =	ssyncset.done $0x0  }
0xa4: {  	s16 =	stileid.u32;
	[sflag:s2] =	ssyncadd.s32 $0xFFFFD800  }
0xa5: {  	s8 =	sshll.u32 s16, $0x6;
	[bflag:$0x0] =	sbarrier.arrive $0xFFFF  }
0xa6: {  	s17 =	sshrl.u32 s5, $0x3;
	s8 =	sor.u32 $0x1C03, s8;
	s15 =	rddreg [dreg:$0x7]  }
0xa7: {  	[hbm:s15], [sflag:s8] =	dma.local [spmem:s17], $0x500  }
0xa8: {  	_ =	swait.ge [sflag:s28], $0x500  }
0xa9: {  	[sflag:s28] =	ssyncset.done $0x0  }
0xaa: {  	s16 =	sshrl.u32 s10, $0x3;
	s17 =	rddreg [dreg:$0x8];
	[sflag:s28] =	ssyncadd.s32 $0xFFFFFB00  }
0xab: {  	[hbm:s17], [sflag:s8] =	dma.local [spmem:s16], $0x500  }
0xac: {  	_ =	swait.ge [sflag:s28], $0x500  }
0xad: {  	[sflag:s28] =	ssyncset.done $0x0  }
0xae: {  	s16 =	sshrl.u32 s11, $0x3;
	s17 =	rddreg [dreg:$0x9];
	[sflag:s28] =	ssyncadd.s32 $0xFFFFFB00  }
0xaf: {  	[hbm:s17], [sflag:s8] =	dma.local [spmem:s16], $0x500  }
0xb0: {  	_ =	swait.ge [sflag:s28], $0x500  }
0xb1: {  	[sflag:s28] =	ssyncset.done $0x0  }
0xb2: {  	s16 =	sshrl.u32 s12, $0x3;
	[sflag:s28] =	ssyncadd.s32 $0xFFFFFB00  }
0xb3: {  	[hbm:s18], [sflag:s8] =	dma.local [spmem:s16], $0x500  }
0xb4: {  	_ =	swait.ge [sflag:s28], $0x500  }
0xb5: {  	[sflag:s28] =	ssyncset.done $0x0  }
0xb6: {  	s17 =	sshrl.u32 s13, $0x3;
	[sflag:s28] =	ssyncadd.s32 $0xFFFFFB00  }
0xb7: {  	[hbm:s19], [sflag:s8] =	dma.local [spmem:s17], $0x500  }
0xb8: {  	_ =	swait.ge [sflag:s28], $0x500  }
0xb9: {  	[sflag:s28] =	ssyncset.done $0x0  }
0xba: {  	s15 =	sshrl.u32 s14, $0x3;
	[sflag:s28] =	ssyncadd.s32 $0xFFFFFB00  }
0xbb: {  	[hbm:s20], [sflag:s8] =	dma.local [spmem:s15], $0x500  }
0xbc: {  	_ =	swait.ge [sflag:s28], $0x500  }
0xbd: {  	[sflag:s28] =	ssyncset.done $0x0  }
0xbe: {  	s16 =	sshrl.u32 s22, $0x3;
	[sflag:s28] =	ssyncadd.s32 $0xFFFFFB00  }
0xbf: {  	[hbm:s21], [sflag:s8] =	dma.local [spmem:s16], $0x500  }
0xc0: {  	_ =	swait.ge [sflag:s28], $0x500  }
0xc1: {  	[sflag:s28] =	ssyncset.done $0x0  }
0xc2: {  	s9 =	rddreg [dreg:$0x5];
	[sflag:s28] =	ssyncadd.s32 $0xFFFFFB00  }
0xc3: {  	[hbm:s9], [sflag:s8] =	dma.local @!p0 [spmem:s25], $0x500  }
0xc4: {  	s8 =	simm.s32 @!p0 $0x3  }
0xc5: {  	_ =	swait.ge @!p0 [sflag:s8], $0x500  }
0xc6: {  	s7 =	sadd.s32 $0x1, s7;
	s17 =	rddreg [dreg:$0x6]  }
0xc7: {  	p1 =	sne.s32 s7, s17  }
.Ltmp3:
0xc8: {  	_ = 	snop;
	(pc) =	sbr.rel @p1 .LBB2_1-.Ltmp3, $3  }
0xc9: {  	_ =	sdelay $0x1  }
0xca: {  	[sflag:s8] =	ssyncset.done @!p0 $0x0  }
0xcb: {  	[sflag:s8] =	ssyncadd.s32 @!p0 $0xFFFFFB00  }
0xcc: {  	_ =	sfence.sel $0x180000  }
0xcd: {  	[bflag:$0x0] =	sbarrier.arrive $0xFFFF  }
0xce: {  	_ =	strace $0x90000047  }
0xcf: {  	s0 =	stileid.u32;
	[bflag:$0x2] =	sbarrier.arrive $0xFFFF  }
0xd0: {  	p0 =	sne.s32 s0, $0x0;
	s0 =	rddreg [dreg:$0x2]  }
0xd1: {  	s0 =	sadd.s32 @!p0 $0x100000, s0  }
0xd2: {  	[sflag:s0] =	ssyncadd.tile.s32 @!p0 $0x1;
	_ =	shalt  }
.Lfunc_end2:
_tile_overlayer_lowered:
.L_overlay_start_2:
0xd3: {  	(tag) =	ssettag $0x2  }
0xd4: {  	s0 =	rddreg [dreg:$0x0];
	s2 =	stileid.u32  }
0xd5: {  	s1 =	rddreg [dreg:$0x1];
	p0 =	sne.s32 s2, $0x0  }
0xd6: {  	s3 =	rddreg [dreg:$0x2];
	[bflag:$0x3] =	sbarrier.arrive $0xFFFF;
	s2 =	simm.s32 @!p0 $0x1C03  }
0xd7: {  	[timem:s3], [sflag:s2] =	dma.local @!p0 [hbm:s0], s1  }
0xd8: {  	s0 =	simm.s32 @!p0 $0x3  }
0xd9: {  	_ =	swait.ge @!p0 [sflag:s0], s1  }
0xda: {  	s1 =	ssub.s32 @!p0 $0x0, s1;
	[sflag:s0] =	ssyncset.done @!p0 $0x0  }
0xdb: {  	[sflag:s0] =	ssyncadd.s32 @!p0 s1  }
0xdc: {  	[bflag:$0x3] =	sbarrier.arrive $0xFFFF  }
0xdd: {  	_ =	shalt  }

</sc_bundles>
